<compile_context>
chip_gen: v7x
topology: tpu7x:2x2x1
jax: 0.10.2.dev20260603
libtpu: 0.0.44.dev20260713+nightly
codegen_flags: <defaults>
</compile_context>

<pallas_src>
import functools

import jax
import jax.numpy as jnp
import numpy as np
from jax import lax
from jax.experimental import pallas as pl
from jax.experimental.pallas import tpu as pltpu
from jax.experimental.pallas import tpu_sc as plsc

K = 3
DIM_FEATURE = 32
B = 4096
Hb = 15
Wb = 15
C = 2
H = Hb - K + 1
P = H * H
NW = 32
BOARDS_PER_W = B // NW
CHUNK = 128
QMAX = 127.0 / 128.0


def _build_unfold_matrix():
    m = np.zeros((C * Hb * Wb, P), dtype=np.float32)
    for c in range(C):
        for di in range(K):
            for dj in range(K):
                w = float(2 ** (c * 9 + di * 3 + dj))
                for i in range(H):
                    for j in range(H):
                        m[c * Hb * Wb + (i + di) * Wb + (j + dj), i * H + j] += w
    return m


_M_CONST = _build_unfold_matrix()
_ZERO_ROWS = np.zeros((CHUNK, DIM_FEATURE // 2), dtype=np.int32)



def _index_body(m_ref, x_ref, o_ref):
    acc = jax.lax.dot_general(
        m_ref[...], x_ref[...], (((0,), (1,)), ((), ())),
        preferred_element_type=jnp.float32)
    o_ref[...] = acc.astype(jnp.int32)


def _compute_indices(board_flat, m):
    blk = 512
    return pl.pallas_call(
        _index_body,
        grid=(B // blk,),
        in_specs=[
            pl.BlockSpec((C * Hb * Wb, P), lambda i: (0, 0)),
            pl.BlockSpec((blk, C * Hb * Wb), lambda i: (i, 0)),
        ],
        out_specs=pl.BlockSpec((P, blk), lambda i: (0, i)),
        out_shape=jax.ShapeDtypeStruct((P, B), jnp.int32),
    )(m, board_flat)



def _quant_body(t_ref, o_ref):
    x = jnp.clip(t_ref[...], -1.0, QMAX)
    u = jnp.round(x * 128.0).astype(jnp.int32) + 128
    lo = jnp.concatenate([u[:, 32 * g:32 * g + 16] for g in range(8)], axis=1)
    hi = jnp.concatenate([u[:, 32 * g + 16:32 * g + 32] for g in range(8)],
                         axis=1)
    o_ref[...] = lo + hi * 65536


def _quantize_table(table):
    v, d = table.shape
    wide = table.reshape(v // 8, 8 * d)
    blk = 2048
    return pl.pallas_call(
        _quant_body,
        grid=(wide.shape[0] // blk,),
        in_specs=[pl.BlockSpec((blk, 8 * d), lambda i: (i, 0))],
        out_specs=pl.BlockSpec((blk, 128), lambda i: (i, 0)),
        out_shape=jax.ShapeDtypeStruct((v // 8, 128), jnp.int32),
    )(wide)



def _sc_gather_sum(qtable, idxpm, zrows):
    mesh = plsc.VectorSubcoreMesh(core_axis_name="c", subcore_axis_name="s")

    @functools.partial(
        pl.kernel,
        out_type=jax.ShapeDtypeStruct((B, DIM_FEATURE // 2), jnp.int32),
        mesh=mesh,
        compiler_params=pltpu.CompilerParams(use_tc_tiling_on_sc=False),
        scratch_types=[
            pltpu.VMEM((P, CHUNK), jnp.int32),
            pltpu.VMEM((CHUNK,), jnp.int32),
            pltpu.VMEM((12, CHUNK, DIM_FEATURE // 2), jnp.int32),
            pltpu.VMEM_SHARED((B // 2, DIM_FEATURE // 2), jnp.int32),
        ] + [pltpu.SemaphoreType.DMA] * 24,
    )
    def sck(qtab_hbm, idx_hbm, zero_hbm, out_hbm,
            idx_v, bidx_v, rows_v, acc, *sems):
        c = lax.axis_index("c")
        s = lax.axis_index("s")
        wid = c * 16 + s
        pltpu.sync_copy(idx_hbm.at[:, pl.ds(wid * CHUNK, CHUNK)], idx_v)
        for k in range(CHUNK // 16):
            bidx_v[pl.ds(k * 16, 16)] = (
                lax.iota(jnp.int32, 16) + (s * CHUNK + k * 16))
        pltpu.sync_copy(zero_hbm, acc.at[pl.ds(s * CHUNK, CHUNK)])

        nbuf = 12
        gs = sems[:nbuf]
        ss = sems[nbuf:]

        def gissue(j, b):
            pltpu.async_copy(qtab_hbm.at[idx_v.at[j]], rows_v.at[b], gs[b])

        def gwait(j, b):
            pltpu.make_async_copy(qtab_hbm.at[idx_v.at[j]],
                                  rows_v.at[b], gs[b]).wait()

        def sissue(b):
            pltpu.async_copy(rows_v.at[b], acc.at[bidx_v], ss[b], add=True)

        def swait(b):
            pltpu.make_async_copy(rows_v.at[b], acc.at[bidx_v], ss[b]).wait()

        iters = (P - nbuf - 1) // nbuf
        assert P == nbuf * iters + nbuf + 1
        for b in range(nbuf):
            gissue(b, b)

        def body(t, carry):
            j = nbuf * t
            for b in range(nbuf):
                gwait(j + b, b)
                sissue(b)
            for b in range(nbuf):
                swait(b)
                gissue(j + nbuf + b, b)
            return carry

        lax.fori_loop(0, iters, body, 0)
        for b in range(nbuf):
            gwait(iters * nbuf + b, b)
            sissue(b)
        swait(0)
        gissue(P - 1, 0)
        for b in range(1, nbuf):
            swait(b)
        gwait(P - 1, 0)
        sissue(0)
        swait(0)
        pltpu.sync_copy(acc.at[pl.ds(s * CHUNK, CHUNK)],
                        out_hbm.at[pl.ds(wid * CHUNK, CHUNK)])

    return sck(qtable, idxpm, zrows)



def _mlp_body(f_ref, w1_ref, b1_ref, w2_ref, b2_ref, w3_ref, b3_ref, o_ref):
    def wq(w):
        return jnp.clip(jnp.round(w * 128.0), -128.0, 127.0) * (1.0 / 128.0)

    def bq(b):
        return jnp.round(b * 16384.0) * (1.0 / 16384.0)

    w = f_ref[...]
    bias = P * 128
    lo = (jnp.bitwise_and(w, 0xFFFF) - bias).astype(jnp.float32)
    hi = (jax.lax.shift_right_logical(w, 16) - bias).astype(jnp.float32)
    v = jnp.concatenate([lo, hi], axis=1) * (1.0 / 128.0)
    v = jnp.clip(v, -1.0, QMAX)
    v = jax.lax.dot_general(v, wq(w1_ref[...]), (((1,), (1,)), ((), ())),
                            preferred_element_type=jnp.float32) + bq(b1_ref[...])
    v = jnp.clip(v, 0.0, QMAX)
    v = jax.lax.dot_general(v, wq(w2_ref[...]), (((1,), (1,)), ((), ())),
                            preferred_element_type=jnp.float32) + bq(b2_ref[...])
    v = jnp.clip(v, 0.0, QMAX)
    v = jax.lax.dot_general(v, wq(w3_ref[...]), (((1,), (1,)), ((), ())),
                            preferred_element_type=jnp.float32) + bq(b3_ref[...])
    o_ref[...] = v


def _mlp(feature, W1, b1, W2, b2, W3, b3):
    return pl.pallas_call(
        _mlp_body,
        out_shape=jax.ShapeDtypeStruct((B, 3), jnp.float32),
    )(feature, W1, b1.reshape(1, -1), W2, b2.reshape(1, -1),
      W3, b3.reshape(1, -1))


def kernel(board_input, hash_features, W1, b1, W2, b2, W3, b3):
    board_flat = board_input.reshape(B, C * Hb * Wb)
    idx = _compute_indices(board_flat, jnp.asarray(_M_CONST))
    qtab = _quantize_table(hash_features)
    qtab = qtab.reshape(2 ** 18, DIM_FEATURE // 2)
    feature = _sc_gather_sum(qtab, idx, jnp.asarray(_ZERO_ROWS))
    value = _mlp(feature, W1, b1, W2, b2, W3, b3)
    policy = jnp.zeros((B, Hb, Wb), dtype=jnp.float32)
    return (value, policy)

# --- scband reference (transcript-rebuilt; emitter-appended) ---
"""Pipeline reference for scband-flat-hash-conv-nnue-47519518163395 (READ-ONLY COPY).

The authoritative reference and input builder live on the scoring server;
editing this copy changes nothing except your own understanding.
"""

import jax, jax.numpy as jnp
import numpy as np

K = 3
HASH_LOGSIZE = 18
DIM_FEATURE = 32
B = 4096
Hb = 15
Wb = 15
C = 2

def fake_quant(x, scale, num_bits=8):
    qmax = 2.0 ** (num_bits - 1) - 1.0
    qmin = -(2.0 ** (num_bits - 1))
    q = jnp.clip(jnp.round(x * scale), qmin, qmax) / scale
    return x + jax.lax.stop_gradient(q - x)

def unfold(x, k):
    b, c, hh, ww = x.shape
    h = hh - k + 1
    w = ww - k + 1
    patches = []
    for di in range(k):
        for dj in range(k):
            patches.append(x[:, :, di:di + h, dj:dj + w])
    p = jnp.stack(patches, axis=2)
    p = p.reshape(b, c * k * k, h * w)
    return p

def _forward(board_input, hash_features, W1, b1, W2, b2, W3, b3):
    input_plane = board_input
    b, c, hh, ww = input_plane.shape
    h = hh - K + 1
    w = ww - K + 1
    x = unfold(input_plane, K)
    x = jnp.transpose(x, (0, 2, 1)).reshape(-1, c * K * K)
    xi = jnp.clip(jnp.round(x), 0, 1).astype(jnp.int32)
    powers = 2 ** jnp.arange(c * K * K, dtype=jnp.int32)
    idx = jnp.sum(xi * powers[None, :], axis=1)
    feats = jnp.take(hash_features, idx, axis=0)
    feats = feats.reshape(-1, h, w, feats.shape[-1])
    feats = fake_quant(jnp.clip(feats, -1.0, 127.0 / 128.0), 128.0)
    feature = jnp.sum(feats, axis=(1, 2))
    value = feature
    layers = [(W1, b1), (W2, b2), (W3, b3)]
    for i, (Wl, bl) in enumerate(layers):
        lo = -1.0 if i == 0 else 0.0
        value = jnp.clip(value, lo, 127.0 / 128.0)
        wq = fake_quant(Wl, 128.0)
        bq = fake_quant(bl, 128.0 * 128.0, num_bits=32)
        value = value @ wq.T + bq
    policy = jnp.zeros((feature.shape[0], hh, ww), dtype=feature.dtype)
    return (value, policy)

def setup_inputs(seed: int = 0):
    key = jax.random.key(seed)
    ks = jax.random.split(key, 8)
    board_input = jax.random.randint(ks[0], (B, C, Hb, Wb), 0, 2).astype(jnp.float32)
    hash_features = jax.random.normal(ks[1], (2 ** HASH_LOGSIZE, DIM_FEATURE), dtype=jnp.float32) * 0.1
    W1 = jax.random.normal(ks[2], (32, DIM_FEATURE), dtype=jnp.float32) * 0.1
    b1 = jax.random.normal(ks[3], (32,), dtype=jnp.float32) * 0.01
    W2 = jax.random.normal(ks[4], (32, 32), dtype=jnp.float32) * 0.1
    b2 = jax.random.normal(ks[5], (32,), dtype=jnp.float32) * 0.01
    W3 = jax.random.normal(ks[6], (3, 32), dtype=jnp.float32) * 0.1
    b3 = jax.random.normal(ks[7], (3,), dtype=jnp.float32) * 0.01
    return {'board_input': board_input, 'hash_features': hash_features, 'W1': W1, 'b1': b1, 'W2': W2, 'b2': b2, 'W3': W3, 'b3': b3}

def reference(board_input, hash_features, W1, b1, W2, b2, W3, b3):
    return _forward(board_input, hash_features, W1, b1, W2, b2, W3, b3)

if __name__ == "__main__":
    import jax
    _d = setup_inputs()
    print(jax.jit(kernel)(*tuple(_d.values())))

</pallas_src>

<mosaic_0001>
#map = affine_map<(d0, d1) -> (0, 0)>
module attributes {stable_mosaic.version = 14 : i64} {
  func.func @sck(%arg0: i32, %arg1: i32, %arg2: memref<262144x16xi32, #tpu.memory_space<hbm>>, %arg3: memref<169x4096xi32, #tpu.memory_space<hbm>>, %arg4: memref<128x16xi32, #tpu.memory_space<hbm>>, %arg5: memref<4096x16xi32, #tpu.memory_space<hbm>>, %arg6: memref<169x128xi32, #tpu.memory_space<vmem>>, %arg7: memref<128xi32, #tpu.memory_space<vmem>>, %arg8: memref<12x128x16xi32, #tpu.memory_space<vmem>>, %arg9: memref<2048x16xi32, #tpu.memory_space<vmem_shared>>, %arg10: memref<!tpu.dma_semaphore, #tpu.memory_space<semaphore_mem>>, %arg11: memref<!tpu.dma_semaphore, #tpu.memory_space<semaphore_mem>>, %arg12: memref<!tpu.dma_semaphore, #tpu.memory_space<semaphore_mem>>, %arg13: memref<!tpu.dma_semaphore, #tpu.memory_space<semaphore_mem>>, %arg14: memref<!tpu.dma_semaphore, #tpu.memory_space<semaphore_mem>>, %arg15: memref<!tpu.dma_semaphore, #tpu.memory_space<semaphore_mem>>, %arg16: memref<!tpu.dma_semaphore, #tpu.memory_space<semaphore_mem>>, %arg17: memref<!tpu.dma_semaphore, #tpu.memory_space<semaphore_mem>>, %arg18: memref<!tpu.dma_semaphore, #tpu.memory_space<semaphore_mem>>, %arg19: memref<!tpu.dma_semaphore, #tpu.memory_space<semaphore_mem>>, %arg20: memref<!tpu.dma_semaphore, #tpu.memory_space<semaphore_mem>>, %arg21: memref<!tpu.dma_semaphore, #tpu.memory_space<semaphore_mem>>, %arg22: memref<!tpu.dma_semaphore, #tpu.memory_space<semaphore_mem>>, %arg23: memref<!tpu.dma_semaphore, #tpu.memory_space<semaphore_mem>>, %arg24: memref<!tpu.dma_semaphore, #tpu.memory_space<semaphore_mem>>, %arg25: memref<!tpu.dma_semaphore, #tpu.memory_space<semaphore_mem>>, %arg26: memref<!tpu.dma_semaphore, #tpu.memory_space<semaphore_mem>>, %arg27: memref<!tpu.dma_semaphore, #tpu.memory_space<semaphore_mem>>, %arg28: memref<!tpu.dma_semaphore, #tpu.memory_space<semaphore_mem>>, %arg29: memref<!tpu.dma_semaphore, #tpu.memory_space<semaphore_mem>>, %arg30: memref<!tpu.dma_semaphore, #tpu.memory_space<semaphore_mem>>, %arg31: memref<!tpu.dma_semaphore, #tpu.memory_space<semaphore_mem>>, %arg32: memref<!tpu.dma_semaphore, #tpu.memory_space<semaphore_mem>>, %arg33: memref<!tpu.dma_semaphore, #tpu.memory_space<semaphore_mem>>) attributes {dimension_semantics = [#tpu.dimension_semantics<core_parallel>, #tpu.dimension_semantics<subcore_parallel>], iteration_bounds = array<i64: 2, 16>, scalar_prefetch = 0 : i64, scratch_operands = 28 : i64, tpu.core_type = #tpu.core_type<sc_vector_subcore>, window_params = [{transform_indices = #map}, {transform_indices = #map}, {transform_indices = #map}, {transform_indices = #map}]} {
    %mul3A = arith.constant 16 : i32
    %mul3A_0 = arith.muli %arg0, %mul3A : i32
    %add3A = arith.addi %mul3A_0, %arg1 : i32
    %mul3A_1 = arith.constant 128 : i32
    %mul3A_2 = arith.muli %add3A, %mul3A_1 : i32
    "tpu.region"() ({
      %run_scoped3A = tpu.sem_alloc : memref<!tpu.dma_semaphore, #tpu.memory_space<semaphore_mem>>
      %dma_start3A_618 = arith.constant 0 : i32
      %dma_start3A_619 = tpu.memref_slice %arg3[%dma_start3A_618, %mul3A_2] : memref<169x4096xi32, #tpu.memory_space<hbm>> -> memref<169x128xi32, #tpu.memory_space<hbm>>
      %dma_start3A_620 = arith.constant 0 : i32
      %dma_start3A_621 = tpu.memref_slice %arg3[%dma_start3A_620, %mul3A_2] : memref<169x4096xi32, #tpu.memory_space<hbm>> -> memref<169x128xi32, #tpu.memory_space<hbm>>
      tpu.enqueue_dma source(%dma_start3A_621 : memref<169x128xi32, #tpu.memory_space<hbm>>) target(%arg6 : memref<169x128xi32, #tpu.memory_space<vmem>>) target_semaphore(%run_scoped3A : memref<!tpu.dma_semaphore, #tpu.memory_space<semaphore_mem>>)
      %dma_wait3A_622 = arith.constant 0 : i32
      %dma_wait3A_623 = tpu.memref_slice %arg3[%dma_wait3A_622, %mul3A_2] : memref<169x4096xi32, #tpu.memory_space<hbm>> -> memref<169x128xi32, #tpu.memory_space<hbm>>
      %dma_wait3A_624 = arith.constant 0 : i32
      %dma_wait3A_625 = tpu.memref_slice %arg3[%dma_wait3A_624, %mul3A_2] : memref<169x4096xi32, #tpu.memory_space<hbm>> -> memref<169x128xi32, #tpu.memory_space<hbm>>
      tpu.wait_dma2 semaphore(%run_scoped3A : memref<!tpu.dma_semaphore, #tpu.memory_space<semaphore_mem>>) src(%dma_wait3A_625 : memref<169x128xi32, #tpu.memory_space<hbm>>) dst(%arg6 : memref<169x128xi32, #tpu.memory_space<vmem>>)
      tpu.yield
    }) : () -> ()
    %iota3A = tpu.iota {dimensions = array<i32: 0>} : vector<16xi32>
    %mul3A_3 = arith.constant 128 : i32
    %mul3A_4 = arith.muli %arg1, %mul3A_3 : i32
    %add3A_5 = arith.constant 0 : i32
    %add3A_6 = arith.addi %mul3A_4, %add3A_5 : i32
    %add3A_7 = vector.broadcast %add3A_6 : i32 to vector<16xi32>
    %add3A_8 = arith.addi %iota3A, %add3A_7 : vector<16xi32>
    %swap3A = arith.constant 0 : index
    %swap3A_9 = tpu.vector_load %arg7[%swap3A] {strides = array<i32>} : memref<128xi32, #tpu.memory_space<vmem>>, vector<16xi32>,
    %swap3A_10 = vector.shape_cast %swap3A_9 : vector<16xi32> to vector<16xi32>
    %swap3A_11 = vector.shape_cast %add3A_8 : vector<16xi32> to vector<16xi32>
    tpu.vector_store %arg7[%swap3A], %swap3A_11 {strides = array<i32>} : memref<128xi32, #tpu.memory_space<vmem>>, vector<16xi32>,
    %iota3A_12 = tpu.iota {dimensions = array<i32: 0>} : vector<16xi32>
    %mul3A_13 = arith.constant 128 : i32
    %mul3A_14 = arith.muli %arg1, %mul3A_13 : i32
    %add3A_15 = arith.constant 16 : i32
    %add3A_16 = arith.addi %mul3A_14, %add3A_15 : i32
    %add3A_17 = vector.broadcast %add3A_16 : i32 to vector<16xi32>
    %add3A_18 = arith.addi %iota3A_12, %add3A_17 : vector<16xi32>
    %swap3A_19 = arith.constant 16 : index
    %swap3A_20 = tpu.vector_load %arg7[%swap3A_19] {strides = array<i32>} : memref<128xi32, #tpu.memory_space<vmem>>, vector<16xi32>,
    %swap3A_21 = vector.shape_cast %swap3A_20 : vector<16xi32> to vector<16xi32>
    %swap3A_22 = vector.shape_cast %add3A_18 : vector<16xi32> to vector<16xi32>
    tpu.vector_store %arg7[%swap3A_19], %swap3A_22 {strides = array<i32>} : memref<128xi32, #tpu.memory_space<vmem>>, vector<16xi32>,
    %iota3A_23 = tpu.iota {dimensions = array<i32: 0>} : vector<16xi32>
    %mul3A_24 = arith.constant 128 : i32
    %mul3A_25 = arith.muli %arg1, %mul3A_24 : i32
    %add3A_26 = arith.constant 32 : i32
    %add3A_27 = arith.addi %mul3A_25, %add3A_26 : i32
    %add3A_28 = vector.broadcast %add3A_27 : i32 to vector<16xi32>
    %add3A_29 = arith.addi %iota3A_23, %add3A_28 : vector<16xi32>
    %swap3A_30 = arith.constant 32 : index
    %swap3A_31 = tpu.vector_load %arg7[%swap3A_30] {strides = array<i32>} : memref<128xi32, #tpu.memory_space<vmem>>, vector<16xi32>,
    %swap3A_32 = vector.shape_cast %swap3A_31 : vector<16xi32> to vector<16xi32>
    %swap3A_33 = vector.shape_cast %add3A_29 : vector<16xi32> to vector<16xi32>
    tpu.vector_store %arg7[%swap3A_30], %swap3A_33 {strides = array<i32>} : memref<128xi32, #tpu.memory_space<vmem>>, vector<16xi32>,
    %iota3A_34 = tpu.iota {dimensions = array<i32: 0>} : vector<16xi32>
    %mul3A_35 = arith.constant 128 : i32
    %mul3A_36 = arith.muli %arg1, %mul3A_35 : i32
    %add3A_37 = arith.constant 48 : i32
    %add3A_38 = arith.addi %mul3A_36, %add3A_37 : i32
    %add3A_39 = vector.broadcast %add3A_38 : i32 to vector<16xi32>
    %add3A_40 = arith.addi %iota3A_34, %add3A_39 : vector<16xi32>
    %swap3A_41 = arith.constant 48 : index
    %swap3A_42 = tpu.vector_load %arg7[%swap3A_41] {strides = array<i32>} : memref<128xi32, #tpu.memory_space<vmem>>, vector<16xi32>,
    %swap3A_43 = vector.shape_cast %swap3A_42 : vector<16xi32> to vector<16xi32>
    %swap3A_44 = vector.shape_cast %add3A_40 : vector<16xi32> to vector<16xi32>
    tpu.vector_store %arg7[%swap3A_41], %swap3A_44 {strides = array<i32>} : memref<128xi32, #tpu.memory_space<vmem>>, vector<16xi32>,
    %iota3A_45 = tpu.iota {dimensions = array<i32: 0>} : vector<16xi32>
    %mul3A_46 = arith.constant 128 : i32
    %mul3A_47 = arith.muli %arg1, %mul3A_46 : i32
    %add3A_48 = arith.constant 64 : i32
    %add3A_49 = arith.addi %mul3A_47, %add3A_48 : i32
    %add3A_50 = vector.broadcast %add3A_49 : i32 to vector<16xi32>
    %add3A_51 = arith.addi %iota3A_45, %add3A_50 : vector<16xi32>
    %swap3A_52 = arith.constant 64 : index
    %swap3A_53 = tpu.vector_load %arg7[%swap3A_52] {strides = array<i32>} : memref<128xi32, #tpu.memory_space<vmem>>, vector<16xi32>,
    %swap3A_54 = vector.shape_cast %swap3A_53 : vector<16xi32> to vector<16xi32>
    %swap3A_55 = vector.shape_cast %add3A_51 : vector<16xi32> to vector<16xi32>
    tpu.vector_store %arg7[%swap3A_52], %swap3A_55 {strides = array<i32>} : memref<128xi32, #tpu.memory_space<vmem>>, vector<16xi32>,
    %iota3A_56 = tpu.iota {dimensions = array<i32: 0>} : vector<16xi32>
    %mul3A_57 = arith.constant 128 : i32
    %mul3A_58 = arith.muli %arg1, %mul3A_57 : i32
    %add3A_59 = arith.constant 80 : i32
    %add3A_60 = arith.addi %mul3A_58, %add3A_59 : i32
    %add3A_61 = vector.broadcast %add3A_60 : i32 to vector<16xi32>
    %add3A_62 = arith.addi %iota3A_56, %add3A_61 : vector<16xi32>
    %swap3A_63 = arith.constant 80 : index
    %swap3A_64 = tpu.vector_load %arg7[%swap3A_63] {strides = array<i32>} : memref<128xi32, #tpu.memory_space<vmem>>, vector<16xi32>,
    %swap3A_65 = vector.shape_cast %swap3A_64 : vector<16xi32> to vector<16xi32>
    %swap3A_66 = vector.shape_cast %add3A_62 : vector<16xi32> to vector<16xi32>
    tpu.vector_store %arg7[%swap3A_63], %swap3A_66 {strides = array<i32>} : memref<128xi32, #tpu.memory_space<vmem>>, vector<16xi32>,
    %iota3A_67 = tpu.iota {dimensions = array<i32: 0>} : vector<16xi32>
    %mul3A_68 = arith.constant 128 : i32
    %mul3A_69 = arith.muli %arg1, %mul3A_68 : i32
    %add3A_70 = arith.constant 96 : i32
    %add3A_71 = arith.addi %mul3A_69, %add3A_70 : i32
    %add3A_72 = vector.broadcast %add3A_71 : i32 to vector<16xi32>
    %add3A_73 = arith.addi %iota3A_67, %add3A_72 : vector<16xi32>
    %swap3A_74 = arith.constant 96 : index
    %swap3A_75 = tpu.vector_load %arg7[%swap3A_74] {strides = array<i32>} : memref<128xi32, #tpu.memory_space<vmem>>, vector<16xi32>,
    %swap3A_76 = vector.shape_cast %swap3A_75 : vector<16xi32> to vector<16xi32>
    %swap3A_77 = vector.shape_cast %add3A_73 : vector<16xi32> to vector<16xi32>
    tpu.vector_store %arg7[%swap3A_74], %swap3A_77 {strides = array<i32>} : memref<128xi32, #tpu.memory_space<vmem>>, vector<16xi32>,
    %iota3A_78 = tpu.iota {dimensions = array<i32: 0>} : vector<16xi32>
    %mul3A_79 = arith.constant 128 : i32
    %mul3A_80 = arith.muli %arg1, %mul3A_79 : i32
    %add3A_81 = arith.constant 112 : i32
    %add3A_82 = arith.addi %mul3A_80, %add3A_81 : i32
    %add3A_83 = vector.broadcast %add3A_82 : i32 to vector<16xi32>
    %add3A_84 = arith.addi %iota3A_78, %add3A_83 : vector<16xi32>
    %swap3A_85 = arith.constant 112 : index
    %swap3A_86 = tpu.vector_load %arg7[%swap3A_85] {strides = array<i32>} : memref<128xi32, #tpu.memory_space<vmem>>, vector<16xi32>,
    %swap3A_87 = vector.shape_cast %swap3A_86 : vector<16xi32> to vector<16xi32>
    %swap3A_88 = vector.shape_cast %add3A_84 : vector<16xi32> to vector<16xi32>
    tpu.vector_store %arg7[%swap3A_85], %swap3A_88 {strides = array<i32>} : memref<128xi32, #tpu.memory_space<vmem>>, vector<16xi32>,
    %mul3A_89 = arith.constant 128 : i32
    %mul3A_90 = arith.muli %arg1, %mul3A_89 : i32
    "tpu.region"() ({
      %run_scoped3A = tpu.sem_alloc : memref<!tpu.dma_semaphore, #tpu.memory_space<semaphore_mem>>
      %dma_start3A_618 = arith.constant 0 : i32
      %dma_start3A_619 = tpu.memref_slice %arg9[%mul3A_90, %dma_start3A_618] : memref<2048x16xi32, #tpu.memory_space<vmem_shared>> -> memref<128x16xi32, #tpu.memory_space<vmem_shared>>
      tpu.enqueue_dma source(%arg4 : memref<128x16xi32, #tpu.memory_space<hbm>>) target(%dma_start3A_619 : memref<128x16xi32, #tpu.memory_space<vmem_shared>>) target_semaphore(%run_scoped3A : memref<!tpu.dma_semaphore, #tpu.memory_space<semaphore_mem>>)
      %dma_wait3A_620 = arith.constant 0 : i32
      %dma_wait3A_621 = tpu.memref_slice %arg9[%mul3A_90, %dma_wait3A_620] : memref<2048x16xi32, #tpu.memory_space<vmem_shared>> -> memref<128x16xi32, #tpu.memory_space<vmem_shared>>
      tpu.wait_dma2 semaphore(%run_scoped3A : memref<!tpu.dma_semaphore, #tpu.memory_space<semaphore_mem>>) src(%arg4 : memref<128x16xi32, #tpu.memory_space<hbm>>) dst(%dma_wait3A_621 : memref<128x16xi32, #tpu.memory_space<vmem_shared>>)
      tpu.yield
    }) : () -> ()
    %dma_start3A = arith.constant 0 : i32
    %dma_start3A_91 = arith.constant 0 : i32
    %dma_start3A_92 = arith.constant 0 : i32
    %dma_start3A_93 = arith.constant 0 : i32
    %dma_start3A_94 = tpu.memref_slice %arg8[%dma_start3A_91, %dma_start3A_92, %dma_start3A_93] : memref<12x128x16xi32, #tpu.memory_space<vmem>> -> memref<1x128x16xi32, #tpu.memory_space<vmem>>
    %dma_start3A_95 = tpu.memref_squeeze %dma_start3A_94 : memref<1x128x16xi32, #tpu.memory_space<vmem>> -> memref<128x16xi32, #tpu.memory_space<vmem>>
    %dma_start3A_96 = arith.constant 0 : i32
    %dma_start3A_97 = tpu.memref_slice %arg6[%dma_start3A, %dma_start3A_96] : memref<169x128xi32, #tpu.memory_space<vmem>> -> memref<1x128xi32, #tpu.memory_space<vmem>>
    %dma_start3A_98 = tpu.memref_squeeze %dma_start3A_97 : memref<1x128xi32, #tpu.memory_space<vmem>> -> memref<128xi32, #tpu.memory_space<vmem>>
    %dma_start3A_99 = arith.constant 0 : i32
    %dma_start3A_100 = arith.constant 0 : i32
    %dma_start3A_101 = tpu.memref_slice %arg2[%dma_start3A_99, %dma_start3A_100] : memref<262144x16xi32, #tpu.memory_space<hbm>> -> memref<262144x16xi32, #tpu.memory_space<hbm>>
    tpu.enqueue_indirect_dma source(%dma_start3A_101 : memref<262144x16xi32, #tpu.memory_space<hbm>>) target(%dma_start3A_95 : memref<128x16xi32, #tpu.memory_space<vmem>>) offsets(%dma_start3A_98 : memref<128xi32, #tpu.memory_space<vmem>>) semaphore(%arg10 : memref<!tpu.dma_semaphore, #tpu.memory_space<semaphore_mem>>)
    %dma_start3A_102 = arith.constant 1 : i32
    %dma_start3A_103 = arith.constant 1 : i32
    %dma_start3A_104 = arith.constant 0 : i32
    %dma_start3A_105 = arith.constant 0 : i32
    %dma_start3A_106 = tpu.memref_slice %arg8[%dma_start3A_103, %dma_start3A_104, %dma_start3A_105] : memref<12x128x16xi32, #tpu.memory_space<vmem>> -> memref<1x128x16xi32, #tpu.memory_space<vmem>>
    %dma_start3A_107 = tpu.memref_squeeze %dma_start3A_106 : memref<1x128x16xi32, #tpu.memory_space<vmem>> -> memref<128x16xi32, #tpu.memory_space<vmem>>
    %dma_start3A_108 = arith.constant 0 : i32
    %dma_start3A_109 = tpu.memref_slice %arg6[%dma_start3A_102, %dma_start3A_108] : memref<169x128xi32, #tpu.memory_space<vmem>> -> memref<1x128xi32, #tpu.memory_space<vmem>>
    %dma_start3A_110 = tpu.memref_squeeze %dma_start3A_109 : memref<1x128xi32, #tpu.memory_space<vmem>> -> memref<128xi32, #tpu.memory_space<vmem>>
    %dma_start3A_111 = arith.constant 0 : i32
    %dma_start3A_112 = arith.constant 0 : i32
    %dma_start3A_113 = tpu.memref_slice %arg2[%dma_start3A_111, %dma_start3A_112] : memref<262144x16xi32, #tpu.memory_space<hbm>> -> memref<262144x16xi32, #tpu.memory_space<hbm>>
    tpu.enqueue_indirect_dma source(%dma_start3A_113 : memref<262144x16xi32, #tpu.memory_space<hbm>>) target(%dma_start3A_107 : memref<128x16xi32, #tpu.memory_space<vmem>>) offsets(%dma_start3A_110 : memref<128xi32, #tpu.memory_space<vmem>>) semaphore(%arg11 : memref<!tpu.dma_semaphore, #tpu.memory_space<semaphore_mem>>)
    %dma_start3A_114 = arith.constant 2 : i32
    %dma_start3A_115 = arith.constant 2 : i32
    %dma_start3A_116 = arith.constant 0 : i32
    %dma_start3A_117 = arith.constant 0 : i32
    %dma_start3A_118 = tpu.memref_slice %arg8[%dma_start3A_115, %dma_start3A_116, %dma_start3A_117] : memref<12x128x16xi32, #tpu.memory_space<vmem>> -> memref<1x128x16xi32, #tpu.memory_space<vmem>>
    %dma_start3A_119 = tpu.memref_squeeze %dma_start3A_118 : memref<1x128x16xi32, #tpu.memory_space<vmem>> -> memref<128x16xi32, #tpu.memory_space<vmem>>
    %dma_start3A_120 = arith.constant 0 : i32
    %dma_start3A_121 = tpu.memref_slice %arg6[%dma_start3A_114, %dma_start3A_120] : memref<169x128xi32, #tpu.memory_space<vmem>> -> memref<1x128xi32, #tpu.memory_space<vmem>>
    %dma_start3A_122 = tpu.memref_squeeze %dma_start3A_121 : memref<1x128xi32, #tpu.memory_space<vmem>> -> memref<128xi32, #tpu.memory_space<vmem>>
    %dma_start3A_123 = arith.constant 0 : i32
    %dma_start3A_124 = arith.constant 0 : i32
    %dma_start3A_125 = tpu.memref_slice %arg2[%dma_start3A_123, %dma_start3A_124] : memref<262144x16xi32, #tpu.memory_space<hbm>> -> memref<262144x16xi32, #tpu.memory_space<hbm>>
    tpu.enqueue_indirect_dma source(%dma_start3A_125 : memref<262144x16xi32, #tpu.memory_space<hbm>>) target(%dma_start3A_119 : memref<128x16xi32, #tpu.memory_space<vmem>>) offsets(%dma_start3A_122 : memref<128xi32, #tpu.memory_space<vmem>>) semaphore(%arg12 : memref<!tpu.dma_semaphore, #tpu.memory_space<semaphore_mem>>)
    %dma_start3A_126 = arith.constant 3 : i32
    %dma_start3A_127 = arith.constant 3 : i32
    %dma_start3A_128 = arith.constant 0 : i32
    %dma_start3A_129 = arith.constant 0 : i32
    %dma_start3A_130 = tpu.memref_slice %arg8[%dma_start3A_127, %dma_start3A_128, %dma_start3A_129] : memref<12x128x16xi32, #tpu.memory_space<vmem>> -> memref<1x128x16xi32, #tpu.memory_space<vmem>>
    %dma_start3A_131 = tpu.memref_squeeze %dma_start3A_130 : memref<1x128x16xi32, #tpu.memory_space<vmem>> -> memref<128x16xi32, #tpu.memory_space<vmem>>
    %dma_start3A_132 = arith.constant 0 : i32
    %dma_start3A_133 = tpu.memref_slice %arg6[%dma_start3A_126, %dma_start3A_132] : memref<169x128xi32, #tpu.memory_space<vmem>> -> memref<1x128xi32, #tpu.memory_space<vmem>>
    %dma_start3A_134 = tpu.memref_squeeze %dma_start3A_133 : memref<1x128xi32, #tpu.memory_space<vmem>> -> memref<128xi32, #tpu.memory_space<vmem>>
    %dma_start3A_135 = arith.constant 0 : i32
    %dma_start3A_136 = arith.constant 0 : i32
    %dma_start3A_137 = tpu.memref_slice %arg2[%dma_start3A_135, %dma_start3A_136] : memref<262144x16xi32, #tpu.memory_space<hbm>> -> memref<262144x16xi32, #tpu.memory_space<hbm>>
    tpu.enqueue_indirect_dma source(%dma_start3A_137 : memref<262144x16xi32, #tpu.memory_space<hbm>>) target(%dma_start3A_131 : memref<128x16xi32, #tpu.memory_space<vmem>>) offsets(%dma_start3A_134 : memref<128xi32, #tpu.memory_space<vmem>>) semaphore(%arg13 : memref<!tpu.dma_semaphore, #tpu.memory_space<semaphore_mem>>)
    %dma_start3A_138 = arith.constant 4 : i32
    %dma_start3A_139 = arith.constant 4 : i32
    %dma_start3A_140 = arith.constant 0 : i32
    %dma_start3A_141 = arith.constant 0 : i32
    %dma_start3A_142 = tpu.memref_slice %arg8[%dma_start3A_139, %dma_start3A_140, %dma_start3A_141] : memref<12x128x16xi32, #tpu.memory_space<vmem>> -> memref<1x128x16xi32, #tpu.memory_space<vmem>>
    %dma_start3A_143 = tpu.memref_squeeze %dma_start3A_142 : memref<1x128x16xi32, #tpu.memory_space<vmem>> -> memref<128x16xi32, #tpu.memory_space<vmem>>
    %dma_start3A_144 = arith.constant 0 : i32
    %dma_start3A_145 = tpu.memref_slice %arg6[%dma_start3A_138, %dma_start3A_144] : memref<169x128xi32, #tpu.memory_space<vmem>> -> memref<1x128xi32, #tpu.memory_space<vmem>>
    %dma_start3A_146 = tpu.memref_squeeze %dma_start3A_145 : memref<1x128xi32, #tpu.memory_space<vmem>> -> memref<128xi32, #tpu.memory_space<vmem>>
    %dma_start3A_147 = arith.constant 0 : i32
    %dma_start3A_148 = arith.constant 0 : i32
    %dma_start3A_149 = tpu.memref_slice %arg2[%dma_start3A_147, %dma_start3A_148] : memref<262144x16xi32, #tpu.memory_space<hbm>> -> memref<262144x16xi32, #tpu.memory_space<hbm>>
    tpu.enqueue_indirect_dma source(%dma_start3A_149 : memref<262144x16xi32, #tpu.memory_space<hbm>>) target(%dma_start3A_143 : memref<128x16xi32, #tpu.memory_space<vmem>>) offsets(%dma_start3A_146 : memref<128xi32, #tpu.memory_space<vmem>>) semaphore(%arg14 : memref<!tpu.dma_semaphore, #tpu.memory_space<semaphore_mem>>)
    %dma_start3A_150 = arith.constant 5 : i32
    %dma_start3A_151 = arith.constant 5 : i32
    %dma_start3A_152 = arith.constant 0 : i32
    %dma_start3A_153 = arith.constant 0 : i32
    %dma_start3A_154 = tpu.memref_slice %arg8[%dma_start3A_151, %dma_start3A_152, %dma_start3A_153] : memref<12x128x16xi32, #tpu.memory_space<vmem>> -> memref<1x128x16xi32, #tpu.memory_space<vmem>>
    %dma_start3A_155 = tpu.memref_squeeze %dma_start3A_154 : memref<1x128x16xi32, #tpu.memory_space<vmem>> -> memref<128x16xi32, #tpu.memory_space<vmem>>
    %dma_start3A_156 = arith.constant 0 : i32
    %dma_start3A_157 = tpu.memref_slice %arg6[%dma_start3A_150, %dma_start3A_156] : memref<169x128xi32, #tpu.memory_space<vmem>> -> memref<1x128xi32, #tpu.memory_space<vmem>>
    %dma_start3A_158 = tpu.memref_squeeze %dma_start3A_157 : memref<1x128xi32, #tpu.memory_space<vmem>> -> memref<128xi32, #tpu.memory_space<vmem>>
    %dma_start3A_159 = arith.constant 0 : i32
    %dma_start3A_160 = arith.constant 0 : i32
    %dma_start3A_161 = tpu.memref_slice %arg2[%dma_start3A_159, %dma_start3A_160] : memref<262144x16xi32, #tpu.memory_space<hbm>> -> memref<262144x16xi32, #tpu.memory_space<hbm>>
    tpu.enqueue_indirect_dma source(%dma_start3A_161 : memref<262144x16xi32, #tpu.memory_space<hbm>>) target(%dma_start3A_155 : memref<128x16xi32, #tpu.memory_space<vmem>>) offsets(%dma_start3A_158 : memref<128xi32, #tpu.memory_space<vmem>>) semaphore(%arg15 : memref<!tpu.dma_semaphore, #tpu.memory_space<semaphore_mem>>)
    %dma_start3A_162 = arith.constant 6 : i32
    %dma_start3A_163 = arith.constant 6 : i32
    %dma_start3A_164 = arith.constant 0 : i32
    %dma_start3A_165 = arith.constant 0 : i32
    %dma_start3A_166 = tpu.memref_slice %arg8[%dma_start3A_163, %dma_start3A_164, %dma_start3A_165] : memref<12x128x16xi32, #tpu.memory_space<vmem>> -> memref<1x128x16xi32, #tpu.memory_space<vmem>>
    %dma_start3A_167 = tpu.memref_squeeze %dma_start3A_166 : memref<1x128x16xi32, #tpu.memory_space<vmem>> -> memref<128x16xi32, #tpu.memory_space<vmem>>
    %dma_start3A_168 = arith.constant 0 : i32
    %dma_start3A_169 = tpu.memref_slice %arg6[%dma_start3A_162, %dma_start3A_168] : memref<169x128xi32, #tpu.memory_space<vmem>> -> memref<1x128xi32, #tpu.memory_space<vmem>>
    %dma_start3A_170 = tpu.memref_squeeze %dma_start3A_169 : memref<1x128xi32, #tpu.memory_space<vmem>> -> memref<128xi32, #tpu.memory_space<vmem>>
    %dma_start3A_171 = arith.constant 0 : i32
    %dma_start3A_172 = arith.constant 0 : i32
    %dma_start3A_173 = tpu.memref_slice %arg2[%dma_start3A_171, %dma_start3A_172] : memref<262144x16xi32, #tpu.memory_space<hbm>> -> memref<262144x16xi32, #tpu.memory_space<hbm>>
    tpu.enqueue_indirect_dma source(%dma_start3A_173 : memref<262144x16xi32, #tpu.memory_space<hbm>>) target(%dma_start3A_167 : memref<128x16xi32, #tpu.memory_space<vmem>>) offsets(%dma_start3A_170 : memref<128xi32, #tpu.memory_space<vmem>>) semaphore(%arg16 : memref<!tpu.dma_semaphore, #tpu.memory_space<semaphore_mem>>)
    %dma_start3A_174 = arith.constant 7 : i32
    %dma_start3A_175 = arith.constant 7 : i32
    %dma_start3A_176 = arith.constant 0 : i32
    %dma_start3A_177 = arith.constant 0 : i32
    %dma_start3A_178 = tpu.memref_slice %arg8[%dma_start3A_175, %dma_start3A_176, %dma_start3A_177] : memref<12x128x16xi32, #tpu.memory_space<vmem>> -> memref<1x128x16xi32, #tpu.memory_space<vmem>>
    %dma_start3A_179 = tpu.memref_squeeze %dma_start3A_178 : memref<1x128x16xi32, #tpu.memory_space<vmem>> -> memref<128x16xi32, #tpu.memory_space<vmem>>
    %dma_start3A_180 = arith.constant 0 : i32
    %dma_start3A_181 = tpu.memref_slice %arg6[%dma_start3A_174, %dma_start3A_180] : memref<169x128xi32, #tpu.memory_space<vmem>> -> memref<1x128xi32, #tpu.memory_space<vmem>>
    %dma_start3A_182 = tpu.memref_squeeze %dma_start3A_181 : memref<1x128xi32, #tpu.memory_space<vmem>> -> memref<128xi32, #tpu.memory_space<vmem>>
    %dma_start3A_183 = arith.constant 0 : i32
    %dma_start3A_184 = arith.constant 0 : i32
    %dma_start3A_185 = tpu.memref_slice %arg2[%dma_start3A_183, %dma_start3A_184] : memref<262144x16xi32, #tpu.memory_space<hbm>> -> memref<262144x16xi32, #tpu.memory_space<hbm>>
    tpu.enqueue_indirect_dma source(%dma_start3A_185 : memref<262144x16xi32, #tpu.memory_space<hbm>>) target(%dma_start3A_179 : memref<128x16xi32, #tpu.memory_space<vmem>>) offsets(%dma_start3A_182 : memref<128xi32, #tpu.memory_space<vmem>>) semaphore(%arg17 : memref<!tpu.dma_semaphore, #tpu.memory_space<semaphore_mem>>)
    %dma_start3A_186 = arith.constant 8 : i32
    %dma_start3A_187 = arith.constant 8 : i32
    %dma_start3A_188 = arith.constant 0 : i32
    %dma_start3A_189 = arith.constant 0 : i32
    %dma_start3A_190 = tpu.memref_slice %arg8[%dma_start3A_187, %dma_start3A_188, %dma_start3A_189] : memref<12x128x16xi32, #tpu.memory_space<vmem>> -> memref<1x128x16xi32, #tpu.memory_space<vmem>>
    %dma_start3A_191 = tpu.memref_squeeze %dma_start3A_190 : memref<1x128x16xi32, #tpu.memory_space<vmem>> -> memref<128x16xi32, #tpu.memory_space<vmem>>
    %dma_start3A_192 = arith.constant 0 : i32
    %dma_start3A_193 = tpu.memref_slice %arg6[%dma_start3A_186, %dma_start3A_192] : memref<169x128xi32, #tpu.memory_space<vmem>> -> memref<1x128xi32, #tpu.memory_space<vmem>>
    %dma_start3A_194 = tpu.memref_squeeze %dma_start3A_193 : memref<1x128xi32, #tpu.memory_space<vmem>> -> memref<128xi32, #tpu.memory_space<vmem>>
    %dma_start3A_195 = arith.constant 0 : i32
    %dma_start3A_196 = arith.constant 0 : i32
    %dma_start3A_197 = tpu.memref_slice %arg2[%dma_start3A_195, %dma_start3A_196] : memref<262144x16xi32, #tpu.memory_space<hbm>> -> memref<262144x16xi32, #tpu.memory_space<hbm>>
    tpu.enqueue_indirect_dma source(%dma_start3A_197 : memref<262144x16xi32, #tpu.memory_space<hbm>>) target(%dma_start3A_191 : memref<128x16xi32, #tpu.memory_space<vmem>>) offsets(%dma_start3A_194 : memref<128xi32, #tpu.memory_space<vmem>>) semaphore(%arg18 : memref<!tpu.dma_semaphore, #tpu.memory_space<semaphore_mem>>)
    %dma_start3A_198 = arith.constant 9 : i32
    %dma_start3A_199 = arith.constant 9 : i32
    %dma_start3A_200 = arith.constant 0 : i32
    %dma_start3A_201 = arith.constant 0 : i32
    %dma_start3A_202 = tpu.memref_slice %arg8[%dma_start3A_199, %dma_start3A_200, %dma_start3A_201] : memref<12x128x16xi32, #tpu.memory_space<vmem>> -> memref<1x128x16xi32, #tpu.memory_space<vmem>>
    %dma_start3A_203 = tpu.memref_squeeze %dma_start3A_202 : memref<1x128x16xi32, #tpu.memory_space<vmem>> -> memref<128x16xi32, #tpu.memory_space<vmem>>
    %dma_start3A_204 = arith.constant 0 : i32
    %dma_start3A_205 = tpu.memref_slice %arg6[%dma_start3A_198, %dma_start3A_204] : memref<169x128xi32, #tpu.memory_space<vmem>> -> memref<1x128xi32, #tpu.memory_space<vmem>>
    %dma_start3A_206 = tpu.memref_squeeze %dma_start3A_205 : memref<1x128xi32, #tpu.memory_space<vmem>> -> memref<128xi32, #tpu.memory_space<vmem>>
    %dma_start3A_207 = arith.constant 0 : i32
    %dma_start3A_208 = arith.constant 0 : i32
    %dma_start3A_209 = tpu.memref_slice %arg2[%dma_start3A_207, %dma_start3A_208] : memref<262144x16xi32, #tpu.memory_space<hbm>> -> memref<262144x16xi32, #tpu.memory_space<hbm>>
    tpu.enqueue_indirect_dma source(%dma_start3A_209 : memref<262144x16xi32, #tpu.memory_space<hbm>>) target(%dma_start3A_203 : memref<128x16xi32, #tpu.memory_space<vmem>>) offsets(%dma_start3A_206 : memref<128xi32, #tpu.memory_space<vmem>>) semaphore(%arg19 : memref<!tpu.dma_semaphore, #tpu.memory_space<semaphore_mem>>)
    %dma_start3A_210 = arith.constant 10 : i32
    %dma_start3A_211 = arith.constant 10 : i32
    %dma_start3A_212 = arith.constant 0 : i32
    %dma_start3A_213 = arith.constant 0 : i32
    %dma_start3A_214 = tpu.memref_slice %arg8[%dma_start3A_211, %dma_start3A_212, %dma_start3A_213] : memref<12x128x16xi32, #tpu.memory_space<vmem>> -> memref<1x128x16xi32, #tpu.memory_space<vmem>>
    %dma_start3A_215 = tpu.memref_squeeze %dma_start3A_214 : memref<1x128x16xi32, #tpu.memory_space<vmem>> -> memref<128x16xi32, #tpu.memory_space<vmem>>
    %dma_start3A_216 = arith.constant 0 : i32
    %dma_start3A_217 = tpu.memref_slice %arg6[%dma_start3A_210, %dma_start3A_216] : memref<169x128xi32, #tpu.memory_space<vmem>> -> memref<1x128xi32, #tpu.memory_space<vmem>>
    %dma_start3A_218 = tpu.memref_squeeze %dma_start3A_217 : memref<1x128xi32, #tpu.memory_space<vmem>> -> memref<128xi32, #tpu.memory_space<vmem>>
    %dma_start3A_219 = arith.constant 0 : i32
    %dma_start3A_220 = arith.constant 0 : i32
    %dma_start3A_221 = tpu.memref_slice %arg2[%dma_start3A_219, %dma_start3A_220] : memref<262144x16xi32, #tpu.memory_space<hbm>> -> memref<262144x16xi32, #tpu.memory_space<hbm>>
    tpu.enqueue_indirect_dma source(%dma_start3A_221 : memref<262144x16xi32, #tpu.memory_space<hbm>>) target(%dma_start3A_215 : memref<128x16xi32, #tpu.memory_space<vmem>>) offsets(%dma_start3A_218 : memref<128xi32, #tpu.memory_space<vmem>>) semaphore(%arg20 : memref<!tpu.dma_semaphore, #tpu.memory_space<semaphore_mem>>)
    %dma_start3A_222 = arith.constant 11 : i32
    %dma_start3A_223 = arith.constant 11 : i32
    %dma_start3A_224 = arith.constant 0 : i32
    %dma_start3A_225 = arith.constant 0 : i32
    %dma_start3A_226 = tpu.memref_slice %arg8[%dma_start3A_223, %dma_start3A_224, %dma_start3A_225] : memref<12x128x16xi32, #tpu.memory_space<vmem>> -> memref<1x128x16xi32, #tpu.memory_space<vmem>>
    %dma_start3A_227 = tpu.memref_squeeze %dma_start3A_226 : memref<1x128x16xi32, #tpu.memory_space<vmem>> -> memref<128x16xi32, #tpu.memory_space<vmem>>
    %dma_start3A_228 = arith.constant 0 : i32
    %dma_start3A_229 = tpu.memref_slice %arg6[%dma_start3A_222, %dma_start3A_228] : memref<169x128xi32, #tpu.memory_space<vmem>> -> memref<1x128xi32, #tpu.memory_space<vmem>>
    %dma_start3A_230 = tpu.memref_squeeze %dma_start3A_229 : memref<1x128xi32, #tpu.memory_space<vmem>> -> memref<128xi32, #tpu.memory_space<vmem>>
    %dma_start3A_231 = arith.constant 0 : i32
    %dma_start3A_232 = arith.constant 0 : i32
    %dma_start3A_233 = tpu.memref_slice %arg2[%dma_start3A_231, %dma_start3A_232] : memref<262144x16xi32, #tpu.memory_space<hbm>> -> memref<262144x16xi32, #tpu.memory_space<hbm>>
    tpu.enqueue_indirect_dma source(%dma_start3A_233 : memref<262144x16xi32, #tpu.memory_space<hbm>>) target(%dma_start3A_227 : memref<128x16xi32, #tpu.memory_space<vmem>>) offsets(%dma_start3A_230 : memref<128xi32, #tpu.memory_space<vmem>>) semaphore(%arg21 : memref<!tpu.dma_semaphore, #tpu.memory_space<semaphore_mem>>)
    %scan3A = arith.constant 0 : i32
    %scan3A_234 = arith.constant 0 : i32
    %scan3A_235 = arith.constant 13 : i32
    %scan3A_236 = arith.addi %scan3A_234, %scan3A_235 : i32
    %scan3A_237 = arith.constant 1 : i32
    scf.for %scan3A_618 = %scan3A_234 to %scan3A_236 step %scan3A_237  : i32 {
      %mul3A_619 = arith.constant 12 : i32
      %mul3A_620 = arith.muli %mul3A_619, %scan3A_618 : i32
      %add3A_621 = arith.constant 0 : i32
      %add3A_622 = arith.addi %mul3A_620, %add3A_621 : i32
      %dma_wait3A_623 = arith.constant 0 : i32
      %dma_wait3A_624 = arith.constant 0 : i32
      %dma_wait3A_625 = arith.constant 0 : i32
      %dma_wait3A_626 = tpu.memref_slice %arg8[%dma_wait3A_623, %dma_wait3A_624, %dma_wait3A_625] : memref<12x128x16xi32, #tpu.memory_space<vmem>> -> memref<1x128x16xi32, #tpu.memory_space<vmem>>
      %dma_wait3A_627 = tpu.memref_squeeze %dma_wait3A_626 : memref<1x128x16xi32, #tpu.memory_space<vmem>> -> memref<128x16xi32, #tpu.memory_space<vmem>>
      %dma_wait3A_628 = arith.constant 0 : i32
      %dma_wait3A_629 = tpu.memref_slice %arg6[%add3A_622, %dma_wait3A_628] : memref<169x128xi32, #tpu.memory_space<vmem>> -> memref<1x128xi32, #tpu.memory_space<vmem>>
      %dma_wait3A_630 = tpu.memref_squeeze %dma_wait3A_629 : memref<1x128xi32, #tpu.memory_space<vmem>> -> memref<128xi32, #tpu.memory_space<vmem>>
      %dma_wait3A_631 = arith.constant 0 : i32
      %dma_wait3A_632 = arith.constant 0 : i32
      %dma_wait3A_633 = tpu.memref_slice %arg2[%dma_wait3A_631, %dma_wait3A_632] : memref<262144x16xi32, #tpu.memory_space<hbm>> -> memref<262144x16xi32, #tpu.memory_space<hbm>>
      tpu.wait_indirect_dma semaphore(%arg10 : memref<!tpu.dma_semaphore, #tpu.memory_space<semaphore_mem>>) src(%dma_wait3A_633 : memref<262144x16xi32, #tpu.memory_space<hbm>>) dst(%dma_wait3A_627 : memref<128x16xi32, #tpu.memory_space<vmem>>)
      %dma_start3A_634 = arith.constant 0 : i32
      %dma_start3A_635 = arith.constant 0 : i32
      %dma_start3A_636 = arith.constant 0 : i32
      %dma_start3A_637 = tpu.memref_slice %arg8[%dma_start3A_634, %dma_start3A_635, %dma_start3A_636] : memref<12x128x16xi32, #tpu.memory_space<vmem>> -> memref<1x128x16xi32, #tpu.memory_space<vmem>>
      %dma_start3A_638 = tpu.memref_squeeze %dma_start3A_637 : memref<1x128x16xi32, #tpu.memory_space<vmem>> -> memref<128x16xi32, #tpu.memory_space<vmem>>
      %dma_start3A_639 = arith.constant 0 : i32
      %dma_start3A_640 = arith.constant 0 : i32
      %dma_start3A_641 = tpu.memref_slice %arg9[%dma_start3A_639, %dma_start3A_640] : memref<2048x16xi32, #tpu.memory_space<vmem_shared>> -> memref<2048x16xi32, #tpu.memory_space<vmem_shared>>
      tpu.enqueue_indirect_dma source(%dma_start3A_638 : memref<128x16xi32, #tpu.memory_space<vmem>>) target(%dma_start3A_641 : memref<2048x16xi32, #tpu.memory_space<vmem_shared>>) offsets(%arg7 : memref<128xi32, #tpu.memory_space<vmem>>) semaphore(%arg22 : memref<!tpu.dma_semaphore, #tpu.memory_space<semaphore_mem>>) {add = true}
      %add3A_642 = arith.constant 1 : i32
      %add3A_643 = arith.addi %mul3A_620, %add3A_642 : i32
      %dma_wait3A_644 = arith.constant 1 : i32
      %dma_wait3A_645 = arith.constant 0 : i32
      %dma_wait3A_646 = arith.constant 0 : i32
      %dma_wait3A_647 = tpu.memref_slice %arg8[%dma_wait3A_644, %dma_wait3A_645, %dma_wait3A_646] : memref<12x128x16xi32, #tpu.memory_space<vmem>> -> memref<1x128x16xi32, #tpu.memory_space<vmem>>
      %dma_wait3A_648 = tpu.memref_squeeze %dma_wait3A_647 : memref<1x128x16xi32, #tpu.memory_space<vmem>> -> memref<128x16xi32, #tpu.memory_space<vmem>>
      %dma_wait3A_649 = arith.constant 0 : i32
      %dma_wait3A_650 = tpu.memref_slice %arg6[%add3A_643, %dma_wait3A_649] : memref<169x128xi32, #tpu.memory_space<vmem>> -> memref<1x128xi32, #tpu.memory_space<vmem>>
      %dma_wait3A_651 = tpu.memref_squeeze %dma_wait3A_650 : memref<1x128xi32, #tpu.memory_space<vmem>> -> memref<128xi32, #tpu.memory_space<vmem>>
      %dma_wait3A_652 = arith.constant 0 : i32
      %dma_wait3A_653 = arith.constant 0 : i32
      %dma_wait3A_654 = tpu.memref_slice %arg2[%dma_wait3A_652, %dma_wait3A_653] : memref<262144x16xi32, #tpu.memory_space<hbm>> -> memref<262144x16xi32, #tpu.memory_space<hbm>>
      tpu.wait_indirect_dma semaphore(%arg11 : memref<!tpu.dma_semaphore, #tpu.memory_space<semaphore_mem>>) src(%dma_wait3A_654 : memref<262144x16xi32, #tpu.memory_space<hbm>>) dst(%dma_wait3A_648 : memref<128x16xi32, #tpu.memory_space<vmem>>)
      %dma_start3A_655 = arith.constant 1 : i32
      %dma_start3A_656 = arith.constant 0 : i32
      %dma_start3A_657 = arith.constant 0 : i32
      %dma_start3A_658 = tpu.memref_slice %arg8[%dma_start3A_655, %dma_start3A_656, %dma_start3A_657] : memref<12x128x16xi32, #tpu.memory_space<vmem>> -> memref<1x128x16xi32, #tpu.memory_space<vmem>>
      %dma_start3A_659 = tpu.memref_squeeze %dma_start3A_658 : memref<1x128x16xi32, #tpu.memory_space<vmem>> -> memref<128x16xi32, #tpu.memory_space<vmem>>
      %dma_start3A_660 = arith.constant 0 : i32
      %dma_start3A_661 = arith.constant 0 : i32
      %dma_start3A_662 = tpu.memref_slice %arg9[%dma_start3A_660, %dma_start3A_661] : memref<2048x16xi32, #tpu.memory_space<vmem_shared>> -> memref<2048x16xi32, #tpu.memory_space<vmem_shared>>
      tpu.enqueue_indirect_dma source(%dma_start3A_659 : memref<128x16xi32, #tpu.memory_space<vmem>>) target(%dma_start3A_662 : memref<2048x16xi32, #tpu.memory_space<vmem_shared>>) offsets(%arg7 : memref<128xi32, #tpu.memory_space<vmem>>) semaphore(%arg23 : memref<!tpu.dma_semaphore, #tpu.memory_space<semaphore_mem>>) {add = true}
      %add3A_663 = arith.constant 2 : i32
      %add3A_664 = arith.addi %mul3A_620, %add3A_663 : i32
      %dma_wait3A_665 = arith.constant 2 : i32
      %dma_wait3A_666 = arith.constant 0 : i32
      %dma_wait3A_667 = arith.constant 0 : i32
      %dma_wait3A_668 = tpu.memref_slice %arg8[%dma_wait3A_665, %dma_wait3A_666, %dma_wait3A_667] : memref<12x128x16xi32, #tpu.memory_space<vmem>> -> memref<1x128x16xi32, #tpu.memory_space<vmem>>
      %dma_wait3A_669 = tpu.memref_squeeze %dma_wait3A_668 : memref<1x128x16xi32, #tpu.memory_space<vmem>> -> memref<128x16xi32, #tpu.memory_space<vmem>>
      %dma_wait3A_670 = arith.constant 0 : i32
      %dma_wait3A_671 = tpu.memref_slice %arg6[%add3A_664, %dma_wait3A_670] : memref<169x128xi32, #tpu.memory_space<vmem>> -> memref<1x128xi32, #tpu.memory_space<vmem>>
      %dma_wait3A_672 = tpu.memref_squeeze %dma_wait3A_671 : memref<1x128xi32, #tpu.memory_space<vmem>> -> memref<128xi32, #tpu.memory_space<vmem>>
      %dma_wait3A_673 = arith.constant 0 : i32
      %dma_wait3A_674 = arith.constant 0 : i32
      %dma_wait3A_675 = tpu.memref_slice %arg2[%dma_wait3A_673, %dma_wait3A_674] : memref<262144x16xi32, #tpu.memory_space<hbm>> -> memref<262144x16xi32, #tpu.memory_space<hbm>>
      tpu.wait_indirect_dma semaphore(%arg12 : memref<!tpu.dma_semaphore, #tpu.memory_space<semaphore_mem>>) src(%dma_wait3A_675 : memref<262144x16xi32, #tpu.memory_space<hbm>>) dst(%dma_wait3A_669 : memref<128x16xi32, #tpu.memory_space<vmem>>)
      %dma_start3A_676 = arith.constant 2 : i32
      %dma_start3A_677 = arith.constant 0 : i32
      %dma_start3A_678 = arith.constant 0 : i32
      %dma_start3A_679 = tpu.memref_slice %arg8[%dma_start3A_676, %dma_start3A_677, %dma_start3A_678] : memref<12x128x16xi32, #tpu.memory_space<vmem>> -> memref<1x128x16xi32, #tpu.memory_space<vmem>>
      %dma_start3A_680 = tpu.memref_squeeze %dma_start3A_679 : memref<1x128x16xi32, #tpu.memory_space<vmem>> -> memref<128x16xi32, #tpu.memory_space<vmem>>
      %dma_start3A_681 = arith.constant 0 : i32
      %dma_start3A_682 = arith.constant 0 : i32
      %dma_start3A_683 = tpu.memref_slice %arg9[%dma_start3A_681, %dma_start3A_682] : memref<2048x16xi32, #tpu.memory_space<vmem_shared>> -> memref<2048x16xi32, #tpu.memory_space<vmem_shared>>
      tpu.enqueue_indirect_dma source(%dma_start3A_680 : memref<128x16xi32, #tpu.memory_space<vmem>>) target(%dma_start3A_683 : memref<2048x16xi32, #tpu.memory_space<vmem_shared>>) offsets(%arg7 : memref<128xi32, #tpu.memory_space<vmem>>) semaphore(%arg24 : memref<!tpu.dma_semaphore, #tpu.memory_space<semaphore_mem>>) {add = true}
      %add3A_684 = arith.constant 3 : i32
      %add3A_685 = arith.addi %mul3A_620, %add3A_684 : i32
      %dma_wait3A_686 = arith.constant 3 : i32
      %dma_wait3A_687 = arith.constant 0 : i32
      %dma_wait3A_688 = arith.constant 0 : i32
      %dma_wait3A_689 = tpu.memref_slice %arg8[%dma_wait3A_686, %dma_wait3A_687, %dma_wait3A_688] : memref<12x128x16xi32, #tpu.memory_space<vmem>> -> memref<1x128x16xi32, #tpu.memory_space<vmem>>
      %dma_wait3A_690 = tpu.memref_squeeze %dma_wait3A_689 : memref<1x128x16xi32, #tpu.memory_space<vmem>> -> memref<128x16xi32, #tpu.memory_space<vmem>>
      %dma_wait3A_691 = arith.constant 0 : i32
      %dma_wait3A_692 = tpu.memref_slice %arg6[%add3A_685, %dma_wait3A_691] : memref<169x128xi32, #tpu.memory_space<vmem>> -> memref<1x128xi32, #tpu.memory_space<vmem>>
      %dma_wait3A_693 = tpu.memref_squeeze %dma_wait3A_692 : memref<1x128xi32, #tpu.memory_space<vmem>> -> memref<128xi32, #tpu.memory_space<vmem>>
      %dma_wait3A_694 = arith.constant 0 : i32
      %dma_wait3A_695 = arith.constant 0 : i32
      %dma_wait3A_696 = tpu.memref_slice %arg2[%dma_wait3A_694, %dma_wait3A_695] : memref<262144x16xi32, #tpu.memory_space<hbm>> -> memref<262144x16xi32, #tpu.memory_space<hbm>>
      tpu.wait_indirect_dma semaphore(%arg13 : memref<!tpu.dma_semaphore, #tpu.memory_space<semaphore_mem>>) src(%dma_wait3A_696 : memref<262144x16xi32, #tpu.memory_space<hbm>>) dst(%dma_wait3A_690 : memref<128x16xi32, #tpu.memory_space<vmem>>)
      %dma_start3A_697 = arith.constant 3 : i32
      %dma_start3A_698 = arith.constant 0 : i32
      %dma_start3A_699 = arith.constant 0 : i32
      %dma_start3A_700 = tpu.memref_slice %arg8[%dma_start3A_697, %dma_start3A_698, %dma_start3A_699] : memref<12x128x16xi32, #tpu.memory_space<vmem>> -> memref<1x128x16xi32, #tpu.memory_space<vmem>>
      %dma_start3A_701 = tpu.memref_squeeze %dma_start3A_700 : memref<1x128x16xi32, #tpu.memory_space<vmem>> -> memref<128x16xi32, #tpu.memory_space<vmem>>
      %dma_start3A_702 = arith.constant 0 : i32
      %dma_start3A_703 = arith.constant 0 : i32
      %dma_start3A_704 = tpu.memref_slice %arg9[%dma_start3A_702, %dma_start3A_703] : memref<2048x16xi32, #tpu.memory_space<vmem_shared>> -> memref<2048x16xi32, #tpu.memory_space<vmem_shared>>
      tpu.enqueue_indirect_dma source(%dma_start3A_701 : memref<128x16xi32, #tpu.memory_space<vmem>>) target(%dma_start3A_704 : memref<2048x16xi32, #tpu.memory_space<vmem_shared>>) offsets(%arg7 : memref<128xi32, #tpu.memory_space<vmem>>) semaphore(%arg25 : memref<!tpu.dma_semaphore, #tpu.memory_space<semaphore_mem>>) {add = true}
      %add3A_705 = arith.constant 4 : i32
      %add3A_706 = arith.addi %mul3A_620, %add3A_705 : i32
      %dma_wait3A_707 = arith.constant 4 : i32
      %dma_wait3A_708 = arith.constant 0 : i32
      %dma_wait3A_709 = arith.constant 0 : i32
      %dma_wait3A_710 = tpu.memref_slice %arg8[%dma_wait3A_707, %dma_wait3A_708, %dma_wait3A_709] : memref<12x128x16xi32, #tpu.memory_space<vmem>> -> memref<1x128x16xi32, #tpu.memory_space<vmem>>
      %dma_wait3A_711 = tpu.memref_squeeze %dma_wait3A_710 : memref<1x128x16xi32, #tpu.memory_space<vmem>> -> memref<128x16xi32, #tpu.memory_space<vmem>>
      %dma_wait3A_712 = arith.constant 0 : i32
      %dma_wait3A_713 = tpu.memref_slice %arg6[%add3A_706, %dma_wait3A_712] : memref<169x128xi32, #tpu.memory_space<vmem>> -> memref<1x128xi32, #tpu.memory_space<vmem>>
      %dma_wait3A_714 = tpu.memref_squeeze %dma_wait3A_713 : memref<1x128xi32, #tpu.memory_space<vmem>> -> memref<128xi32, #tpu.memory_space<vmem>>
      %dma_wait3A_715 = arith.constant 0 : i32
      %dma_wait3A_716 = arith.constant 0 : i32
      %dma_wait3A_717 = tpu.memref_slice %arg2[%dma_wait3A_715, %dma_wait3A_716] : memref<262144x16xi32, #tpu.memory_space<hbm>> -> memref<262144x16xi32, #tpu.memory_space<hbm>>
      tpu.wait_indirect_dma semaphore(%arg14 : memref<!tpu.dma_semaphore, #tpu.memory_space<semaphore_mem>>) src(%dma_wait3A_717 : memref<262144x16xi32, #tpu.memory_space<hbm>>) dst(%dma_wait3A_711 : memref<128x16xi32, #tpu.memory_space<vmem>>)
      %dma_start3A_718 = arith.constant 4 : i32
      %dma_start3A_719 = arith.constant 0 : i32
      %dma_start3A_720 = arith.constant 0 : i32
      %dma_start3A_721 = tpu.memref_slice %arg8[%dma_start3A_718, %dma_start3A_719, %dma_start3A_720] : memref<12x128x16xi32, #tpu.memory_space<vmem>> -> memref<1x128x16xi32, #tpu.memory_space<vmem>>
      %dma_start3A_722 = tpu.memref_squeeze %dma_start3A_721 : memref<1x128x16xi32, #tpu.memory_space<vmem>> -> memref<128x16xi32, #tpu.memory_space<vmem>>
      %dma_start3A_723 = arith.constant 0 : i32
      %dma_start3A_724 = arith.constant 0 : i32
      %dma_start3A_725 = tpu.memref_slice %arg9[%dma_start3A_723, %dma_start3A_724] : memref<2048x16xi32, #tpu.memory_space<vmem_shared>> -> memref<2048x16xi32, #tpu.memory_space<vmem_shared>>
      tpu.enqueue_indirect_dma source(%dma_start3A_722 : memref<128x16xi32, #tpu.memory_space<vmem>>) target(%dma_start3A_725 : memref<2048x16xi32, #tpu.memory_space<vmem_shared>>) offsets(%arg7 : memref<128xi32, #tpu.memory_space<vmem>>) semaphore(%arg26 : memref<!tpu.dma_semaphore, #tpu.memory_space<semaphore_mem>>) {add = true}
      %add3A_726 = arith.constant 5 : i32
      %add3A_727 = arith.addi %mul3A_620, %add3A_726 : i32
      %dma_wait3A_728 = arith.constant 5 : i32
      %dma_wait3A_729 = arith.constant 0 : i32
      %dma_wait3A_730 = arith.constant 0 : i32
      %dma_wait3A_731 = tpu.memref_slice %arg8[%dma_wait3A_728, %dma_wait3A_729, %dma_wait3A_730] : memref<12x128x16xi32, #tpu.memory_space<vmem>> -> memref<1x128x16xi32, #tpu.memory_space<vmem>>
      %dma_wait3A_732 = tpu.memref_squeeze %dma_wait3A_731 : memref<1x128x16xi32, #tpu.memory_space<vmem>> -> memref<128x16xi32, #tpu.memory_space<vmem>>
      %dma_wait3A_733 = arith.constant 0 : i32
      %dma_wait3A_734 = tpu.memref_slice %arg6[%add3A_727, %dma_wait3A_733] : memref<169x128xi32, #tpu.memory_space<vmem>> -> memref<1x128xi32, #tpu.memory_space<vmem>>
      %dma_wait3A_735 = tpu.memref_squeeze %dma_wait3A_734 : memref<1x128xi32, #tpu.memory_space<vmem>> -> memref<128xi32, #tpu.memory_space<vmem>>
      %dma_wait3A_736 = arith.constant 0 : i32
      %dma_wait3A_737 = arith.constant 0 : i32
      %dma_wait3A_738 = tpu.memref_slice %arg2[%dma_wait3A_736, %dma_wait3A_737] : memref<262144x16xi32, #tpu.memory_space<hbm>> -> memref<262144x16xi32, #tpu.memory_space<hbm>>
      tpu.wait_indirect_dma semaphore(%arg15 : memref<!tpu.dma_semaphore, #tpu.memory_space<semaphore_mem>>) src(%dma_wait3A_738 : memref<262144x16xi32, #tpu.memory_space<hbm>>) dst(%dma_wait3A_732 : memref<128x16xi32, #tpu.memory_space<vmem>>)
      %dma_start3A_739 = arith.constant 5 : i32
      %dma_start3A_740 = arith.constant 0 : i32
      %dma_start3A_741 = arith.constant 0 : i32
      %dma_start3A_742 = tpu.memref_slice %arg8[%dma_start3A_739, %dma_start3A_740, %dma_start3A_741] : memref<12x128x16xi32, #tpu.memory_space<vmem>> -> memref<1x128x16xi32, #tpu.memory_space<vmem>>
      %dma_start3A_743 = tpu.memref_squeeze %dma_start3A_742 : memref<1x128x16xi32, #tpu.memory_space<vmem>> -> memref<128x16xi32, #tpu.memory_space<vmem>>
      %dma_start3A_744 = arith.constant 0 : i32
      %dma_start3A_745 = arith.constant 0 : i32
      %dma_start3A_746 = tpu.memref_slice %arg9[%dma_start3A_744, %dma_start3A_745] : memref<2048x16xi32, #tpu.memory_space<vmem_shared>> -> memref<2048x16xi32, #tpu.memory_space<vmem_shared>>
      tpu.enqueue_indirect_dma source(%dma_start3A_743 : memref<128x16xi32, #tpu.memory_space<vmem>>) target(%dma_start3A_746 : memref<2048x16xi32, #tpu.memory_space<vmem_shared>>) offsets(%arg7 : memref<128xi32, #tpu.memory_space<vmem>>) semaphore(%arg27 : memref<!tpu.dma_semaphore, #tpu.memory_space<semaphore_mem>>) {add = true}
      %add3A_747 = arith.constant 6 : i32
      %add3A_748 = arith.addi %mul3A_620, %add3A_747 : i32
      %dma_wait3A_749 = arith.constant 6 : i32
      %dma_wait3A_750 = arith.constant 0 : i32
      %dma_wait3A_751 = arith.constant 0 : i32
      %dma_wait3A_752 = tpu.memref_slice %arg8[%dma_wait3A_749, %dma_wait3A_750, %dma_wait3A_751] : memref<12x128x16xi32, #tpu.memory_space<vmem>> -> memref<1x128x16xi32, #tpu.memory_space<vmem>>
      %dma_wait3A_753 = tpu.memref_squeeze %dma_wait3A_752 : memref<1x128x16xi32, #tpu.memory_space<vmem>> -> memref<128x16xi32, #tpu.memory_space<vmem>>
      %dma_wait3A_754 = arith.constant 0 : i32
      %dma_wait3A_755 = tpu.memref_slice %arg6[%add3A_748, %dma_wait3A_754] : memref<169x128xi32, #tpu.memory_space<vmem>> -> memref<1x128xi32, #tpu.memory_space<vmem>>
      %dma_wait3A_756 = tpu.memref_squeeze %dma_wait3A_755 : memref<1x128xi32, #tpu.memory_space<vmem>> -> memref<128xi32, #tpu.memory_space<vmem>>
      %dma_wait3A_757 = arith.constant 0 : i32
      %dma_wait3A_758 = arith.constant 0 : i32
      %dma_wait3A_759 = tpu.memref_slice %arg2[%dma_wait3A_757, %dma_wait3A_758] : memref<262144x16xi32, #tpu.memory_space<hbm>> -> memref<262144x16xi32, #tpu.memory_space<hbm>>
      tpu.wait_indirect_dma semaphore(%arg16 : memref<!tpu.dma_semaphore, #tpu.memory_space<semaphore_mem>>) src(%dma_wait3A_759 : memref<262144x16xi32, #tpu.memory_space<hbm>>) dst(%dma_wait3A_753 : memref<128x16xi32, #tpu.memory_space<vmem>>)
      %dma_start3A_760 = arith.constant 6 : i32
      %dma_start3A_761 = arith.constant 0 : i32
      %dma_start3A_762 = arith.constant 0 : i32
      %dma_start3A_763 = tpu.memref_slice %arg8[%dma_start3A_760, %dma_start3A_761, %dma_start3A_762] : memref<12x128x16xi32, #tpu.memory_space<vmem>> -> memref<1x128x16xi32, #tpu.memory_space<vmem>>
      %dma_start3A_764 = tpu.memref_squeeze %dma_start3A_763 : memref<1x128x16xi32, #tpu.memory_space<vmem>> -> memref<128x16xi32, #tpu.memory_space<vmem>>
      %dma_start3A_765 = arith.constant 0 : i32
      %dma_start3A_766 = arith.constant 0 : i32
      %dma_start3A_767 = tpu.memref_slice %arg9[%dma_start3A_765, %dma_start3A_766] : memref<2048x16xi32, #tpu.memory_space<vmem_shared>> -> memref<2048x16xi32, #tpu.memory_space<vmem_shared>>
      tpu.enqueue_indirect_dma source(%dma_start3A_764 : memref<128x16xi32, #tpu.memory_space<vmem>>) target(%dma_start3A_767 : memref<2048x16xi32, #tpu.memory_space<vmem_shared>>) offsets(%arg7 : memref<128xi32, #tpu.memory_space<vmem>>) semaphore(%arg28 : memref<!tpu.dma_semaphore, #tpu.memory_space<semaphore_mem>>) {add = true}
      %add3A_768 = arith.constant 7 : i32
      %add3A_769 = arith.addi %mul3A_620, %add3A_768 : i32
      %dma_wait3A_770 = arith.constant 7 : i32
      %dma_wait3A_771 = arith.constant 0 : i32
      %dma_wait3A_772 = arith.constant 0 : i32
      %dma_wait3A_773 = tpu.memref_slice %arg8[%dma_wait3A_770, %dma_wait3A_771, %dma_wait3A_772] : memref<12x128x16xi32, #tpu.memory_space<vmem>> -> memref<1x128x16xi32, #tpu.memory_space<vmem>>
      %dma_wait3A_774 = tpu.memref_squeeze %dma_wait3A_773 : memref<1x128x16xi32, #tpu.memory_space<vmem>> -> memref<128x16xi32, #tpu.memory_space<vmem>>
      %dma_wait3A_775 = arith.constant 0 : i32
      %dma_wait3A_776 = tpu.memref_slice %arg6[%add3A_769, %dma_wait3A_775] : memref<169x128xi32, #tpu.memory_space<vmem>> -> memref<1x128xi32, #tpu.memory_space<vmem>>
      %dma_wait3A_777 = tpu.memref_squeeze %dma_wait3A_776 : memref<1x128xi32, #tpu.memory_space<vmem>> -> memref<128xi32, #tpu.memory_space<vmem>>
      %dma_wait3A_778 = arith.constant 0 : i32
      %dma_wait3A_779 = arith.constant 0 : i32
      %dma_wait3A_780 = tpu.memref_slice %arg2[%dma_wait3A_778, %dma_wait3A_779] : memref<262144x16xi32, #tpu.memory_space<hbm>> -> memref<262144x16xi32, #tpu.memory_space<hbm>>
      tpu.wait_indirect_dma semaphore(%arg17 : memref<!tpu.dma_semaphore, #tpu.memory_space<semaphore_mem>>) src(%dma_wait3A_780 : memref<262144x16xi32, #tpu.memory_space<hbm>>) dst(%dma_wait3A_774 : memref<128x16xi32, #tpu.memory_space<vmem>>)
      %dma_start3A_781 = arith.constant 7 : i32
      %dma_start3A_782 = arith.constant 0 : i32
      %dma_start3A_783 = arith.constant 0 : i32
      %dma_start3A_784 = tpu.memref_slice %arg8[%dma_start3A_781, %dma_start3A_782, %dma_start3A_783] : memref<12x128x16xi32, #tpu.memory_space<vmem>> -> memref<1x128x16xi32, #tpu.memory_space<vmem>>
      %dma_start3A_785 = tpu.memref_squeeze %dma_start3A_784 : memref<1x128x16xi32, #tpu.memory_space<vmem>> -> memref<128x16xi32, #tpu.memory_space<vmem>>
      %dma_start3A_786 = arith.constant 0 : i32
      %dma_start3A_787 = arith.constant 0 : i32
      %dma_start3A_788 = tpu.memref_slice %arg9[%dma_start3A_786, %dma_start3A_787] : memref<2048x16xi32, #tpu.memory_space<vmem_shared>> -> memref<2048x16xi32, #tpu.memory_space<vmem_shared>>
      tpu.enqueue_indirect_dma source(%dma_start3A_785 : memref<128x16xi32, #tpu.memory_space<vmem>>) target(%dma_start3A_788 : memref<2048x16xi32, #tpu.memory_space<vmem_shared>>) offsets(%arg7 : memref<128xi32, #tpu.memory_space<vmem>>) semaphore(%arg29 : memref<!tpu.dma_semaphore, #tpu.memory_space<semaphore_mem>>) {add = true}
      %add3A_789 = arith.constant 8 : i32
      %add3A_790 = arith.addi %mul3A_620, %add3A_789 : i32
      %dma_wait3A_791 = arith.constant 8 : i32
      %dma_wait3A_792 = arith.constant 0 : i32
      %dma_wait3A_793 = arith.constant 0 : i32
      %dma_wait3A_794 = tpu.memref_slice %arg8[%dma_wait3A_791, %dma_wait3A_792, %dma_wait3A_793] : memref<12x128x16xi32, #tpu.memory_space<vmem>> -> memref<1x128x16xi32, #tpu.memory_space<vmem>>
      %dma_wait3A_795 = tpu.memref_squeeze %dma_wait3A_794 : memref<1x128x16xi32, #tpu.memory_space<vmem>> -> memref<128x16xi32, #tpu.memory_space<vmem>>
      %dma_wait3A_796 = arith.constant 0 : i32
      %dma_wait3A_797 = tpu.memref_slice %arg6[%add3A_790, %dma_wait3A_796] : memref<169x128xi32, #tpu.memory_space<vmem>> -> memref<1x128xi32, #tpu.memory_space<vmem>>
      %dma_wait3A_798 = tpu.memref_squeeze %dma_wait3A_797 : memref<1x128xi32, #tpu.memory_space<vmem>> -> memref<128xi32, #tpu.memory_space<vmem>>
      %dma_wait3A_799 = arith.constant 0 : i32
      %dma_wait3A_800 = arith.constant 0 : i32
      %dma_wait3A_801 = tpu.memref_slice %arg2[%dma_wait3A_799, %dma_wait3A_800] : memref<262144x16xi32, #tpu.memory_space<hbm>> -> memref<262144x16xi32, #tpu.memory_space<hbm>>
      tpu.wait_indirect_dma semaphore(%arg18 : memref<!tpu.dma_semaphore, #tpu.memory_space<semaphore_mem>>) src(%dma_wait3A_801 : memref<262144x16xi32, #tpu.memory_space<hbm>>) dst(%dma_wait3A_795 : memref<128x16xi32, #tpu.memory_space<vmem>>)
      %dma_start3A_802 = arith.constant 8 : i32
      %dma_start3A_803 = arith.constant 0 : i32
      %dma_start3A_804 = arith.constant 0 : i32
      %dma_start3A_805 = tpu.memref_slice %arg8[%dma_start3A_802, %dma_start3A_803, %dma_start3A_804] : memref<12x128x16xi32, #tpu.memory_space<vmem>> -> memref<1x128x16xi32, #tpu.memory_space<vmem>>
      %dma_start3A_806 = tpu.memref_squeeze %dma_start3A_805 : memref<1x128x16xi32, #tpu.memory_space<vmem>> -> memref<128x16xi32, #tpu.memory_space<vmem>>
      %dma_start3A_807 = arith.constant 0 : i32
      %dma_start3A_808 = arith.constant 0 : i32
      %dma_start3A_809 = tpu.memref_slice %arg9[%dma_start3A_807, %dma_start3A_808] : memref<2048x16xi32, #tpu.memory_space<vmem_shared>> -> memref<2048x16xi32, #tpu.memory_space<vmem_shared>>
      tpu.enqueue_indirect_dma source(%dma_start3A_806 : memref<128x16xi32, #tpu.memory_space<vmem>>) target(%dma_start3A_809 : memref<2048x16xi32, #tpu.memory_space<vmem_shared>>) offsets(%arg7 : memref<128xi32, #tpu.memory_space<vmem>>) semaphore(%arg30 : memref<!tpu.dma_semaphore, #tpu.memory_space<semaphore_mem>>) {add = true}
      %add3A_810 = arith.constant 9 : i32
      %add3A_811 = arith.addi %mul3A_620, %add3A_810 : i32
      %dma_wait3A_812 = arith.constant 9 : i32
      %dma_wait3A_813 = arith.constant 0 : i32
      %dma_wait3A_814 = arith.constant 0 : i32
      %dma_wait3A_815 = tpu.memref_slice %arg8[%dma_wait3A_812, %dma_wait3A_813, %dma_wait3A_814] : memref<12x128x16xi32, #tpu.memory_space<vmem>> -> memref<1x128x16xi32, #tpu.memory_space<vmem>>
      %dma_wait3A_816 = tpu.memref_squeeze %dma_wait3A_815 : memref<1x128x16xi32, #tpu.memory_space<vmem>> -> memref<128x16xi32, #tpu.memory_space<vmem>>
      %dma_wait3A_817 = arith.constant 0 : i32
      %dma_wait3A_818 = tpu.memref_slice %arg6[%add3A_811, %dma_wait3A_817] : memref<169x128xi32, #tpu.memory_space<vmem>> -> memref<1x128xi32, #tpu.memory_space<vmem>>
      %dma_wait3A_819 = tpu.memref_squeeze %dma_wait3A_818 : memref<1x128xi32, #tpu.memory_space<vmem>> -> memref<128xi32, #tpu.memory_space<vmem>>
      %dma_wait3A_820 = arith.constant 0 : i32
      %dma_wait3A_821 = arith.constant 0 : i32
      %dma_wait3A_822 = tpu.memref_slice %arg2[%dma_wait3A_820, %dma_wait3A_821] : memref<262144x16xi32, #tpu.memory_space<hbm>> -> memref<262144x16xi32, #tpu.memory_space<hbm>>
      tpu.wait_indirect_dma semaphore(%arg19 : memref<!tpu.dma_semaphore, #tpu.memory_space<semaphore_mem>>) src(%dma_wait3A_822 : memref<262144x16xi32, #tpu.memory_space<hbm>>) dst(%dma_wait3A_816 : memref<128x16xi32, #tpu.memory_space<vmem>>)
      %dma_start3A_823 = arith.constant 9 : i32
      %dma_start3A_824 = arith.constant 0 : i32
      %dma_start3A_825 = arith.constant 0 : i32
      %dma_start3A_826 = tpu.memref_slice %arg8[%dma_start3A_823, %dma_start3A_824, %dma_start3A_825] : memref<12x128x16xi32, #tpu.memory_space<vmem>> -> memref<1x128x16xi32, #tpu.memory_space<vmem>>
      %dma_start3A_827 = tpu.memref_squeeze %dma_start3A_826 : memref<1x128x16xi32, #tpu.memory_space<vmem>> -> memref<128x16xi32, #tpu.memory_space<vmem>>
      %dma_start3A_828 = arith.constant 0 : i32
      %dma_start3A_829 = arith.constant 0 : i32
      %dma_start3A_830 = tpu.memref_slice %arg9[%dma_start3A_828, %dma_start3A_829] : memref<2048x16xi32, #tpu.memory_space<vmem_shared>> -> memref<2048x16xi32, #tpu.memory_space<vmem_shared>>
      tpu.enqueue_indirect_dma source(%dma_start3A_827 : memref<128x16xi32, #tpu.memory_space<vmem>>) target(%dma_start3A_830 : memref<2048x16xi32, #tpu.memory_space<vmem_shared>>) offsets(%arg7 : memref<128xi32, #tpu.memory_space<vmem>>) semaphore(%arg31 : memref<!tpu.dma_semaphore, #tpu.memory_space<semaphore_mem>>) {add = true}
      %add3A_831 = arith.constant 10 : i32
      %add3A_832 = arith.addi %mul3A_620, %add3A_831 : i32
      %dma_wait3A_833 = arith.constant 10 : i32
      %dma_wait3A_834 = arith.constant 0 : i32
      %dma_wait3A_835 = arith.constant 0 : i32
      %dma_wait3A_836 = tpu.memref_slice %arg8[%dma_wait3A_833, %dma_wait3A_834, %dma_wait3A_835] : memref<12x128x16xi32, #tpu.memory_space<vmem>> -> memref<1x128x16xi32, #tpu.memory_space<vmem>>
      %dma_wait3A_837 = tpu.memref_squeeze %dma_wait3A_836 : memref<1x128x16xi32, #tpu.memory_space<vmem>> -> memref<128x16xi32, #tpu.memory_space<vmem>>
      %dma_wait3A_838 = arith.constant 0 : i32
      %dma_wait3A_839 = tpu.memref_slice %arg6[%add3A_832, %dma_wait3A_838] : memref<169x128xi32, #tpu.memory_space<vmem>> -> memref<1x128xi32, #tpu.memory_space<vmem>>
      %dma_wait3A_840 = tpu.memref_squeeze %dma_wait3A_839 : memref<1x128xi32, #tpu.memory_space<vmem>> -> memref<128xi32, #tpu.memory_space<vmem>>
      %dma_wait3A_841 = arith.constant 0 : i32
      %dma_wait3A_842 = arith.constant 0 : i32
      %dma_wait3A_843 = tpu.memref_slice %arg2[%dma_wait3A_841, %dma_wait3A_842] : memref<262144x16xi32, #tpu.memory_space<hbm>> -> memref<262144x16xi32, #tpu.memory_space<hbm>>
      tpu.wait_indirect_dma semaphore(%arg20 : memref<!tpu.dma_semaphore, #tpu.memory_space<semaphore_mem>>) src(%dma_wait3A_843 : memref<262144x16xi32, #tpu.memory_space<hbm>>) dst(%dma_wait3A_837 : memref<128x16xi32, #tpu.memory_space<vmem>>)
      %dma_start3A_844 = arith.constant 10 : i32
      %dma_start3A_845 = arith.constant 0 : i32
      %dma_start3A_846 = arith.constant 0 : i32
      %dma_start3A_847 = tpu.memref_slice %arg8[%dma_start3A_844, %dma_start3A_845, %dma_start3A_846] : memref<12x128x16xi32, #tpu.memory_space<vmem>> -> memref<1x128x16xi32, #tpu.memory_space<vmem>>
      %dma_start3A_848 = tpu.memref_squeeze %dma_start3A_847 : memref<1x128x16xi32, #tpu.memory_space<vmem>> -> memref<128x16xi32, #tpu.memory_space<vmem>>
      %dma_start3A_849 = arith.constant 0 : i32
      %dma_start3A_850 = arith.constant 0 : i32
      %dma_start3A_851 = tpu.memref_slice %arg9[%dma_start3A_849, %dma_start3A_850] : memref<2048x16xi32, #tpu.memory_space<vmem_shared>> -> memref<2048x16xi32, #tpu.memory_space<vmem_shared>>
      tpu.enqueue_indirect_dma source(%dma_start3A_848 : memref<128x16xi32, #tpu.memory_space<vmem>>) target(%dma_start3A_851 : memref<2048x16xi32, #tpu.memory_space<vmem_shared>>) offsets(%arg7 : memref<128xi32, #tpu.memory_space<vmem>>) semaphore(%arg32 : memref<!tpu.dma_semaphore, #tpu.memory_space<semaphore_mem>>) {add = true}
      %add3A_852 = arith.constant 11 : i32
      %add3A_853 = arith.addi %mul3A_620, %add3A_852 : i32
      %dma_wait3A_854 = arith.constant 11 : i32
      %dma_wait3A_855 = arith.constant 0 : i32
      %dma_wait3A_856 = arith.constant 0 : i32
      %dma_wait3A_857 = tpu.memref_slice %arg8[%dma_wait3A_854, %dma_wait3A_855, %dma_wait3A_856] : memref<12x128x16xi32, #tpu.memory_space<vmem>> -> memref<1x128x16xi32, #tpu.memory_space<vmem>>
      %dma_wait3A_858 = tpu.memref_squeeze %dma_wait3A_857 : memref<1x128x16xi32, #tpu.memory_space<vmem>> -> memref<128x16xi32, #tpu.memory_space<vmem>>
      %dma_wait3A_859 = arith.constant 0 : i32
      %dma_wait3A_860 = tpu.memref_slice %arg6[%add3A_853, %dma_wait3A_859] : memref<169x128xi32, #tpu.memory_space<vmem>> -> memref<1x128xi32, #tpu.memory_space<vmem>>
      %dma_wait3A_861 = tpu.memref_squeeze %dma_wait3A_860 : memref<1x128xi32, #tpu.memory_space<vmem>> -> memref<128xi32, #tpu.memory_space<vmem>>
      %dma_wait3A_862 = arith.constant 0 : i32
      %dma_wait3A_863 = arith.constant 0 : i32
      %dma_wait3A_864 = tpu.memref_slice %arg2[%dma_wait3A_862, %dma_wait3A_863] : memref<262144x16xi32, #tpu.memory_space<hbm>> -> memref<262144x16xi32, #tpu.memory_space<hbm>>
      tpu.wait_indirect_dma semaphore(%arg21 : memref<!tpu.dma_semaphore, #tpu.memory_space<semaphore_mem>>) src(%dma_wait3A_864 : memref<262144x16xi32, #tpu.memory_space<hbm>>) dst(%dma_wait3A_858 : memref<128x16xi32, #tpu.memory_space<vmem>>)
      %dma_start3A_865 = arith.constant 11 : i32
      %dma_start3A_866 = arith.constant 0 : i32
      %dma_start3A_867 = arith.constant 0 : i32
      %dma_start3A_868 = tpu.memref_slice %arg8[%dma_start3A_865, %dma_start3A_866, %dma_start3A_867] : memref<12x128x16xi32, #tpu.memory_space<vmem>> -> memref<1x128x16xi32, #tpu.memory_space<vmem>>
      %dma_start3A_869 = tpu.memref_squeeze %dma_start3A_868 : memref<1x128x16xi32, #tpu.memory_space<vmem>> -> memref<128x16xi32, #tpu.memory_space<vmem>>
      %dma_start3A_870 = arith.constant 0 : i32
      %dma_start3A_871 = arith.constant 0 : i32
      %dma_start3A_872 = tpu.memref_slice %arg9[%dma_start3A_870, %dma_start3A_871] : memref<2048x16xi32, #tpu.memory_space<vmem_shared>> -> memref<2048x16xi32, #tpu.memory_space<vmem_shared>>
      tpu.enqueue_indirect_dma source(%dma_start3A_869 : memref<128x16xi32, #tpu.memory_space<vmem>>) target(%dma_start3A_872 : memref<2048x16xi32, #tpu.memory_space<vmem_shared>>) offsets(%arg7 : memref<128xi32, #tpu.memory_space<vmem>>) semaphore(%arg33 : memref<!tpu.dma_semaphore, #tpu.memory_space<semaphore_mem>>) {add = true}
      %dma_wait3A_873 = arith.constant 0 : i32
      %dma_wait3A_874 = arith.constant 0 : i32
      %dma_wait3A_875 = arith.constant 0 : i32
      %dma_wait3A_876 = tpu.memref_slice %arg8[%dma_wait3A_873, %dma_wait3A_874, %dma_wait3A_875] : memref<12x128x16xi32, #tpu.memory_space<vmem>> -> memref<1x128x16xi32, #tpu.memory_space<vmem>>
      %dma_wait3A_877 = tpu.memref_squeeze %dma_wait3A_876 : memref<1x128x16xi32, #tpu.memory_space<vmem>> -> memref<128x16xi32, #tpu.memory_space<vmem>>
      %dma_wait3A_878 = arith.constant 0 : i32
      %dma_wait3A_879 = arith.constant 0 : i32
      %dma_wait3A_880 = tpu.memref_slice %arg9[%dma_wait3A_878, %dma_wait3A_879] : memref<2048x16xi32, #tpu.memory_space<vmem_shared>> -> memref<2048x16xi32, #tpu.memory_space<vmem_shared>>
      tpu.wait_indirect_dma semaphore(%arg22 : memref<!tpu.dma_semaphore, #tpu.memory_space<semaphore_mem>>) src(%dma_wait3A_877 : memref<128x16xi32, #tpu.memory_space<vmem>>) dst(%dma_wait3A_880 : memref<2048x16xi32, #tpu.memory_space<vmem_shared>>)
      %add3A_881 = arith.constant 12 : i32
      %add3A_882 = arith.addi %mul3A_620, %add3A_881 : i32
      %add3A_883 = arith.constant 0 : i32
      %add3A_884 = arith.addi %add3A_882, %add3A_883 : i32
      %dma_start3A_885 = arith.constant 0 : i32
      %dma_start3A_886 = arith.constant 0 : i32
      %dma_start3A_887 = arith.constant 0 : i32
      %dma_start3A_888 = tpu.memref_slice %arg8[%dma_start3A_885, %dma_start3A_886, %dma_start3A_887] : memref<12x128x16xi32, #tpu.memory_space<vmem>> -> memref<1x128x16xi32, #tpu.memory_space<vmem>>
      %dma_start3A_889 = tpu.memref_squeeze %dma_start3A_888 : memref<1x128x16xi32, #tpu.memory_space<vmem>> -> memref<128x16xi32, #tpu.memory_space<vmem>>
      %dma_start3A_890 = arith.constant 0 : i32
      %dma_start3A_891 = tpu.memref_slice %arg6[%add3A_884, %dma_start3A_890] : memref<169x128xi32, #tpu.memory_space<vmem>> -> memref<1x128xi32, #tpu.memory_space<vmem>>
      %dma_start3A_892 = tpu.memref_squeeze %dma_start3A_891 : memref<1x128xi32, #tpu.memory_space<vmem>> -> memref<128xi32, #tpu.memory_space<vmem>>
      %dma_start3A_893 = arith.constant 0 : i32
      %dma_start3A_894 = arith.constant 0 : i32
      %dma_start3A_895 = tpu.memref_slice %arg2[%dma_start3A_893, %dma_start3A_894] : memref<262144x16xi32, #tpu.memory_space<hbm>> -> memref<262144x16xi32, #tpu.memory_space<hbm>>
      tpu.enqueue_indirect_dma source(%dma_start3A_895 : memref<262144x16xi32, #tpu.memory_space<hbm>>) target(%dma_start3A_889 : memref<128x16xi32, #tpu.memory_space<vmem>>) offsets(%dma_start3A_892 : memref<128xi32, #tpu.memory_space<vmem>>) semaphore(%arg10 : memref<!tpu.dma_semaphore, #tpu.memory_space<semaphore_mem>>)
      %dma_wait3A_896 = arith.constant 1 : i32
      %dma_wait3A_897 = arith.constant 0 : i32
      %dma_wait3A_898 = arith.constant 0 : i32
      %dma_wait3A_899 = tpu.memref_slice %arg8[%dma_wait3A_896, %dma_wait3A_897, %dma_wait3A_898] : memref<12x128x16xi32, #tpu.memory_space<vmem>> -> memref<1x128x16xi32, #tpu.memory_space<vmem>>
      %dma_wait3A_900 = tpu.memref_squeeze %dma_wait3A_899 : memref<1x128x16xi32, #tpu.memory_space<vmem>> -> memref<128x16xi32, #tpu.memory_space<vmem>>
      %dma_wait3A_901 = arith.constant 0 : i32
      %dma_wait3A_902 = arith.constant 0 : i32
      %dma_wait3A_903 = tpu.memref_slice %arg9[%dma_wait3A_901, %dma_wait3A_902] : memref<2048x16xi32, #tpu.memory_space<vmem_shared>> -> memref<2048x16xi32, #tpu.memory_space<vmem_shared>>
      tpu.wait_indirect_dma semaphore(%arg23 : memref<!tpu.dma_semaphore, #tpu.memory_space<semaphore_mem>>) src(%dma_wait3A_900 : memref<128x16xi32, #tpu.memory_space<vmem>>) dst(%dma_wait3A_903 : memref<2048x16xi32, #tpu.memory_space<vmem_shared>>)
      %add3A_904 = arith.constant 12 : i32
      %add3A_905 = arith.addi %mul3A_620, %add3A_904 : i32
      %add3A_906 = arith.constant 1 : i32
      %add3A_907 = arith.addi %add3A_905, %add3A_906 : i32
      %dma_start3A_908 = arith.constant 1 : i32
      %dma_start3A_909 = arith.constant 0 : i32
      %dma_start3A_910 = arith.constant 0 : i32
      %dma_start3A_911 = tpu.memref_slice %arg8[%dma_start3A_908, %dma_start3A_909, %dma_start3A_910] : memref<12x128x16xi32, #tpu.memory_space<vmem>> -> memref<1x128x16xi32, #tpu.memory_space<vmem>>
      %dma_start3A_912 = tpu.memref_squeeze %dma_start3A_911 : memref<1x128x16xi32, #tpu.memory_space<vmem>> -> memref<128x16xi32, #tpu.memory_space<vmem>>
      %dma_start3A_913 = arith.constant 0 : i32
      %dma_start3A_914 = tpu.memref_slice %arg6[%add3A_907, %dma_start3A_913] : memref<169x128xi32, #tpu.memory_space<vmem>> -> memref<1x128xi32, #tpu.memory_space<vmem>>
      %dma_start3A_915 = tpu.memref_squeeze %dma_start3A_914 : memref<1x128xi32, #tpu.memory_space<vmem>> -> memref<128xi32, #tpu.memory_space<vmem>>
      %dma_start3A_916 = arith.constant 0 : i32
      %dma_start3A_917 = arith.constant 0 : i32
      %dma_start3A_918 = tpu.memref_slice %arg2[%dma_start3A_916, %dma_start3A_917] : memref<262144x16xi32, #tpu.memory_space<hbm>> -> memref<262144x16xi32, #tpu.memory_space<hbm>>
      tpu.enqueue_indirect_dma source(%dma_start3A_918 : memref<262144x16xi32, #tpu.memory_space<hbm>>) target(%dma_start3A_912 : memref<128x16xi32, #tpu.memory_space<vmem>>) offsets(%dma_start3A_915 : memref<128xi32, #tpu.memory_space<vmem>>) semaphore(%arg11 : memref<!tpu.dma_semaphore, #tpu.memory_space<semaphore_mem>>)
      %dma_wait3A_919 = arith.constant 2 : i32
      %dma_wait3A_920 = arith.constant 0 : i32
      %dma_wait3A_921 = arith.constant 0 : i32
      %dma_wait3A_922 = tpu.memref_slice %arg8[%dma_wait3A_919, %dma_wait3A_920, %dma_wait3A_921] : memref<12x128x16xi32, #tpu.memory_space<vmem>> -> memref<1x128x16xi32, #tpu.memory_space<vmem>>
      %dma_wait3A_923 = tpu.memref_squeeze %dma_wait3A_922 : memref<1x128x16xi32, #tpu.memory_space<vmem>> -> memref<128x16xi32, #tpu.memory_space<vmem>>
      %dma_wait3A_924 = arith.constant 0 : i32
      %dma_wait3A_925 = arith.constant 0 : i32
      %dma_wait3A_926 = tpu.memref_slice %arg9[%dma_wait3A_924, %dma_wait3A_925] : memref<2048x16xi32, #tpu.memory_space<vmem_shared>> -> memref<2048x16xi32, #tpu.memory_space<vmem_shared>>
      tpu.wait_indirect_dma semaphore(%arg24 : memref<!tpu.dma_semaphore, #tpu.memory_space<semaphore_mem>>) src(%dma_wait3A_923 : memref<128x16xi32, #tpu.memory_space<vmem>>) dst(%dma_wait3A_926 : memref<2048x16xi32, #tpu.memory_space<vmem_shared>>)
      %add3A_927 = arith.constant 12 : i32
      %add3A_928 = arith.addi %mul3A_620, %add3A_927 : i32
      %add3A_929 = arith.constant 2 : i32
      %add3A_930 = arith.addi %add3A_928, %add3A_929 : i32
      %dma_start3A_931 = arith.constant 2 : i32
      %dma_start3A_932 = arith.constant 0 : i32
      %dma_start3A_933 = arith.constant 0 : i32
      %dma_start3A_934 = tpu.memref_slice %arg8[%dma_start3A_931, %dma_start3A_932, %dma_start3A_933] : memref<12x128x16xi32, #tpu.memory_space<vmem>> -> memref<1x128x16xi32, #tpu.memory_space<vmem>>
      %dma_start3A_935 = tpu.memref_squeeze %dma_start3A_934 : memref<1x128x16xi32, #tpu.memory_space<vmem>> -> memref<128x16xi32, #tpu.memory_space<vmem>>
      %dma_start3A_936 = arith.constant 0 : i32
      %dma_start3A_937 = tpu.memref_slice %arg6[%add3A_930, %dma_start3A_936] : memref<169x128xi32, #tpu.memory_space<vmem>> -> memref<1x128xi32, #tpu.memory_space<vmem>>
      %dma_start3A_938 = tpu.memref_squeeze %dma_start3A_937 : memref<1x128xi32, #tpu.memory_space<vmem>> -> memref<128xi32, #tpu.memory_space<vmem>>
      %dma_start3A_939 = arith.constant 0 : i32
      %dma_start3A_940 = arith.constant 0 : i32
      %dma_start3A_941 = tpu.memref_slice %arg2[%dma_start3A_939, %dma_start3A_940] : memref<262144x16xi32, #tpu.memory_space<hbm>> -> memref<262144x16xi32, #tpu.memory_space<hbm>>
      tpu.enqueue_indirect_dma source(%dma_start3A_941 : memref<262144x16xi32, #tpu.memory_space<hbm>>) target(%dma_start3A_935 : memref<128x16xi32, #tpu.memory_space<vmem>>) offsets(%dma_start3A_938 : memref<128xi32, #tpu.memory_space<vmem>>) semaphore(%arg12 : memref<!tpu.dma_semaphore, #tpu.memory_space<semaphore_mem>>)
      %dma_wait3A_942 = arith.constant 3 : i32
      %dma_wait3A_943 = arith.constant 0 : i32
      %dma_wait3A_944 = arith.constant 0 : i32
      %dma_wait3A_945 = tpu.memref_slice %arg8[%dma_wait3A_942, %dma_wait3A_943, %dma_wait3A_944] : memref<12x128x16xi32, #tpu.memory_space<vmem>> -> memref<1x128x16xi32, #tpu.memory_space<vmem>>
      %dma_wait3A_946 = tpu.memref_squeeze %dma_wait3A_945 : memref<1x128x16xi32, #tpu.memory_space<vmem>> -> memref<128x16xi32, #tpu.memory_space<vmem>>
      %dma_wait3A_947 = arith.constant 0 : i32
      %dma_wait3A_948 = arith.constant 0 : i32
      %dma_wait3A_949 = tpu.memref_slice %arg9[%dma_wait3A_947, %dma_wait3A_948] : memref<2048x16xi32, #tpu.memory_space<vmem_shared>> -> memref<2048x16xi32, #tpu.memory_space<vmem_shared>>
      tpu.wait_indirect_dma semaphore(%arg25 : memref<!tpu.dma_semaphore, #tpu.memory_space<semaphore_mem>>) src(%dma_wait3A_946 : memref<128x16xi32, #tpu.memory_space<vmem>>) dst(%dma_wait3A_949 : memref<2048x16xi32, #tpu.memory_space<vmem_shared>>)
      %add3A_950 = arith.constant 12 : i32
      %add3A_951 = arith.addi %mul3A_620, %add3A_950 : i32
      %add3A_952 = arith.constant 3 : i32
      %add3A_953 = arith.addi %add3A_951, %add3A_952 : i32
      %dma_start3A_954 = arith.constant 3 : i32
      %dma_start3A_955 = arith.constant 0 : i32
      %dma_start3A_956 = arith.constant 0 : i32
      %dma_start3A_957 = tpu.memref_slice %arg8[%dma_start3A_954, %dma_start3A_955, %dma_start3A_956] : memref<12x128x16xi32, #tpu.memory_space<vmem>> -> memref<1x128x16xi32, #tpu.memory_space<vmem>>
      %dma_start3A_958 = tpu.memref_squeeze %dma_start3A_957 : memref<1x128x16xi32, #tpu.memory_space<vmem>> -> memref<128x16xi32, #tpu.memory_space<vmem>>
      %dma_start3A_959 = arith.constant 0 : i32
      %dma_start3A_960 = tpu.memref_slice %arg6[%add3A_953, %dma_start3A_959] : memref<169x128xi32, #tpu.memory_space<vmem>> -> memref<1x128xi32, #tpu.memory_space<vmem>>
      %dma_start3A_961 = tpu.memref_squeeze %dma_start3A_960 : memref<1x128xi32, #tpu.memory_space<vmem>> -> memref<128xi32, #tpu.memory_space<vmem>>
      %dma_start3A_962 = arith.constant 0 : i32
      %dma_start3A_963 = arith.constant 0 : i32
      %dma_start3A_964 = tpu.memref_slice %arg2[%dma_start3A_962, %dma_start3A_963] : memref<262144x16xi32, #tpu.memory_space<hbm>> -> memref<262144x16xi32, #tpu.memory_space<hbm>>
      tpu.enqueue_indirect_dma source(%dma_start3A_964 : memref<262144x16xi32, #tpu.memory_space<hbm>>) target(%dma_start3A_958 : memref<128x16xi32, #tpu.memory_space<vmem>>) offsets(%dma_start3A_961 : memref<128xi32, #tpu.memory_space<vmem>>) semaphore(%arg13 : memref<!tpu.dma_semaphore, #tpu.memory_space<semaphore_mem>>)
      %dma_wait3A_965 = arith.constant 4 : i32
      %dma_wait3A_966 = arith.constant 0 : i32
      %dma_wait3A_967 = arith.constant 0 : i32
      %dma_wait3A_968 = tpu.memref_slice %arg8[%dma_wait3A_965, %dma_wait3A_966, %dma_wait3A_967] : memref<12x128x16xi32, #tpu.memory_space<vmem>> -> memref<1x128x16xi32, #tpu.memory_space<vmem>>
      %dma_wait3A_969 = tpu.memref_squeeze %dma_wait3A_968 : memref<1x128x16xi32, #tpu.memory_space<vmem>> -> memref<128x16xi32, #tpu.memory_space<vmem>>
      %dma_wait3A_970 = arith.constant 0 : i32
      %dma_wait3A_971 = arith.constant 0 : i32
      %dma_wait3A_972 = tpu.memref_slice %arg9[%dma_wait3A_970, %dma_wait3A_971] : memref<2048x16xi32, #tpu.memory_space<vmem_shared>> -> memref<2048x16xi32, #tpu.memory_space<vmem_shared>>
      tpu.wait_indirect_dma semaphore(%arg26 : memref<!tpu.dma_semaphore, #tpu.memory_space<semaphore_mem>>) src(%dma_wait3A_969 : memref<128x16xi32, #tpu.memory_space<vmem>>) dst(%dma_wait3A_972 : memref<2048x16xi32, #tpu.memory_space<vmem_shared>>)
      %add3A_973 = arith.constant 12 : i32
      %add3A_974 = arith.addi %mul3A_620, %add3A_973 : i32
      %add3A_975 = arith.constant 4 : i32
      %add3A_976 = arith.addi %add3A_974, %add3A_975 : i32
      %dma_start3A_977 = arith.constant 4 : i32
      %dma_start3A_978 = arith.constant 0 : i32
      %dma_start3A_979 = arith.constant 0 : i32
      %dma_start3A_980 = tpu.memref_slice %arg8[%dma_start3A_977, %dma_start3A_978, %dma_start3A_979] : memref<12x128x16xi32, #tpu.memory_space<vmem>> -> memref<1x128x16xi32, #tpu.memory_space<vmem>>
      %dma_start3A_981 = tpu.memref_squeeze %dma_start3A_980 : memref<1x128x16xi32, #tpu.memory_space<vmem>> -> memref<128x16xi32, #tpu.memory_space<vmem>>
      %dma_start3A_982 = arith.constant 0 : i32
      %dma_start3A_983 = tpu.memref_slice %arg6[%add3A_976, %dma_start3A_982] : memref<169x128xi32, #tpu.memory_space<vmem>> -> memref<1x128xi32, #tpu.memory_space<vmem>>
      %dma_start3A_984 = tpu.memref_squeeze %dma_start3A_983 : memref<1x128xi32, #tpu.memory_space<vmem>> -> memref<128xi32, #tpu.memory_space<vmem>>
      %dma_start3A_985 = arith.constant 0 : i32
      %dma_start3A_986 = arith.constant 0 : i32
      %dma_start3A_987 = tpu.memref_slice %arg2[%dma_start3A_985, %dma_start3A_986] : memref<262144x16xi32, #tpu.memory_space<hbm>> -> memref<262144x16xi32, #tpu.memory_space<hbm>>
      tpu.enqueue_indirect_dma source(%dma_start3A_987 : memref<262144x16xi32, #tpu.memory_space<hbm>>) target(%dma_start3A_981 : memref<128x16xi32, #tpu.memory_space<vmem>>) offsets(%dma_start3A_984 : memref<128xi32, #tpu.memory_space<vmem>>) semaphore(%arg14 : memref<!tpu.dma_semaphore, #tpu.memory_space<semaphore_mem>>)
      %dma_wait3A_988 = arith.constant 5 : i32
      %dma_wait3A_989 = arith.constant 0 : i32
      %dma_wait3A_990 = arith.constant 0 : i32
      %dma_wait3A_991 = tpu.memref_slice %arg8[%dma_wait3A_988, %dma_wait3A_989, %dma_wait3A_990] : memref<12x128x16xi32, #tpu.memory_space<vmem>> -> memref<1x128x16xi32, #tpu.memory_space<vmem>>
      %dma_wait3A_992 = tpu.memref_squeeze %dma_wait3A_991 : memref<1x128x16xi32, #tpu.memory_space<vmem>> -> memref<128x16xi32, #tpu.memory_space<vmem>>
      %dma_wait3A_993 = arith.constant 0 : i32
      %dma_wait3A_994 = arith.constant 0 : i32
      %dma_wait3A_995 = tpu.memref_slice %arg9[%dma_wait3A_993, %dma_wait3A_994] : memref<2048x16xi32, #tpu.memory_space<vmem_shared>> -> memref<2048x16xi32, #tpu.memory_space<vmem_shared>>
      tpu.wait_indirect_dma semaphore(%arg27 : memref<!tpu.dma_semaphore, #tpu.memory_space<semaphore_mem>>) src(%dma_wait3A_992 : memref<128x16xi32, #tpu.memory_space<vmem>>) dst(%dma_wait3A_995 : memref<2048x16xi32, #tpu.memory_space<vmem_shared>>)
      %add3A_996 = arith.constant 12 : i32
      %add3A_997 = arith.addi %mul3A_620, %add3A_996 : i32
      %add3A_998 = arith.constant 5 : i32
      %add3A_999 = arith.addi %add3A_997, %add3A_998 : i32
      %dma_start3A_1000 = arith.constant 5 : i32
      %dma_start3A_1001 = arith.constant 0 : i32
      %dma_start3A_1002 = arith.constant 0 : i32
      %dma_start3A_1003 = tpu.memref_slice %arg8[%dma_start3A_1000, %dma_start3A_1001, %dma_start3A_1002] : memref<12x128x16xi32, #tpu.memory_space<vmem>> -> memref<1x128x16xi32, #tpu.memory_space<vmem>>
      %dma_start3A_1004 = tpu.memref_squeeze %dma_start3A_1003 : memref<1x128x16xi32, #tpu.memory_space<vmem>> -> memref<128x16xi32, #tpu.memory_space<vmem>>
      %dma_start3A_1005 = arith.constant 0 : i32
      %dma_start3A_1006 = tpu.memref_slice %arg6[%add3A_999, %dma_start3A_1005] : memref<169x128xi32, #tpu.memory_space<vmem>> -> memref<1x128xi32, #tpu.memory_space<vmem>>
      %dma_start3A_1007 = tpu.memref_squeeze %dma_start3A_1006 : memref<1x128xi32, #tpu.memory_space<vmem>> -> memref<128xi32, #tpu.memory_space<vmem>>
      %dma_start3A_1008 = arith.constant 0 : i32
      %dma_start3A_1009 = arith.constant 0 : i32
      %dma_start3A_1010 = tpu.memref_slice %arg2[%dma_start3A_1008, %dma_start3A_1009] : memref<262144x16xi32, #tpu.memory_space<hbm>> -> memref<262144x16xi32, #tpu.memory_space<hbm>>
      tpu.enqueue_indirect_dma source(%dma_start3A_1010 : memref<262144x16xi32, #tpu.memory_space<hbm>>) target(%dma_start3A_1004 : memref<128x16xi32, #tpu.memory_space<vmem>>) offsets(%dma_start3A_1007 : memref<128xi32, #tpu.memory_space<vmem>>) semaphore(%arg15 : memref<!tpu.dma_semaphore, #tpu.memory_space<semaphore_mem>>)
      %dma_wait3A_1011 = arith.constant 6 : i32
      %dma_wait3A_1012 = arith.constant 0 : i32
      %dma_wait3A_1013 = arith.constant 0 : i32
      %dma_wait3A_1014 = tpu.memref_slice %arg8[%dma_wait3A_1011, %dma_wait3A_1012, %dma_wait3A_1013] : memref<12x128x16xi32, #tpu.memory_space<vmem>> -> memref<1x128x16xi32, #tpu.memory_space<vmem>>
      %dma_wait3A_1015 = tpu.memref_squeeze %dma_wait3A_1014 : memref<1x128x16xi32, #tpu.memory_space<vmem>> -> memref<128x16xi32, #tpu.memory_space<vmem>>
      %dma_wait3A_1016 = arith.constant 0 : i32
      %dma_wait3A_1017 = arith.constant 0 : i32
      %dma_wait3A_1018 = tpu.memref_slice %arg9[%dma_wait3A_1016, %dma_wait3A_1017] : memref<2048x16xi32, #tpu.memory_space<vmem_shared>> -> memref<2048x16xi32, #tpu.memory_space<vmem_shared>>
      tpu.wait_indirect_dma semaphore(%arg28 : memref<!tpu.dma_semaphore, #tpu.memory_space<semaphore_mem>>) src(%dma_wait3A_1015 : memref<128x16xi32, #tpu.memory_space<vmem>>) dst(%dma_wait3A_1018 : memref<2048x16xi32, #tpu.memory_space<vmem_shared>>)
      %add3A_1019 = arith.constant 12 : i32
      %add3A_1020 = arith.addi %mul3A_620, %add3A_1019 : i32
      %add3A_1021 = arith.constant 6 : i32
      %add3A_1022 = arith.addi %add3A_1020, %add3A_1021 : i32
      %dma_start3A_1023 = arith.constant 6 : i32
      %dma_start3A_1024 = arith.constant 0 : i32
      %dma_start3A_1025 = arith.constant 0 : i32
      %dma_start3A_1026 = tpu.memref_slice %arg8[%dma_start3A_1023, %dma_start3A_1024, %dma_start3A_1025] : memref<12x128x16xi32, #tpu.memory_space<vmem>> -> memref<1x128x16xi32, #tpu.memory_space<vmem>>
      %dma_start3A_1027 = tpu.memref_squeeze %dma_start3A_1026 : memref<1x128x16xi32, #tpu.memory_space<vmem>> -> memref<128x16xi32, #tpu.memory_space<vmem>>
      %dma_start3A_1028 = arith.constant 0 : i32
      %dma_start3A_1029 = tpu.memref_slice %arg6[%add3A_1022, %dma_start3A_1028] : memref<169x128xi32, #tpu.memory_space<vmem>> -> memref<1x128xi32, #tpu.memory_space<vmem>>
      %dma_start3A_1030 = tpu.memref_squeeze %dma_start3A_1029 : memref<1x128xi32, #tpu.memory_space<vmem>> -> memref<128xi32, #tpu.memory_space<vmem>>
      %dma_start3A_1031 = arith.constant 0 : i32
      %dma_start3A_1032 = arith.constant 0 : i32
      %dma_start3A_1033 = tpu.memref_slice %arg2[%dma_start3A_1031, %dma_start3A_1032] : memref<262144x16xi32, #tpu.memory_space<hbm>> -> memref<262144x16xi32, #tpu.memory_space<hbm>>
      tpu.enqueue_indirect_dma source(%dma_start3A_1033 : memref<262144x16xi32, #tpu.memory_space<hbm>>) target(%dma_start3A_1027 : memref<128x16xi32, #tpu.memory_space<vmem>>) offsets(%dma_start3A_1030 : memref<128xi32, #tpu.memory_space<vmem>>) semaphore(%arg16 : memref<!tpu.dma_semaphore, #tpu.memory_space<semaphore_mem>>)
      %dma_wait3A_1034 = arith.constant 7 : i32
      %dma_wait3A_1035 = arith.constant 0 : i32
      %dma_wait3A_1036 = arith.constant 0 : i32
      %dma_wait3A_1037 = tpu.memref_slice %arg8[%dma_wait3A_1034, %dma_wait3A_1035, %dma_wait3A_1036] : memref<12x128x16xi32, #tpu.memory_space<vmem>> -> memref<1x128x16xi32, #tpu.memory_space<vmem>>
      %dma_wait3A_1038 = tpu.memref_squeeze %dma_wait3A_1037 : memref<1x128x16xi32, #tpu.memory_space<vmem>> -> memref<128x16xi32, #tpu.memory_space<vmem>>
      %dma_wait3A_1039 = arith.constant 0 : i32
      %dma_wait3A_1040 = arith.constant 0 : i32
      %dma_wait3A_1041 = tpu.memref_slice %arg9[%dma_wait3A_1039, %dma_wait3A_1040] : memref<2048x16xi32, #tpu.memory_space<vmem_shared>> -> memref<2048x16xi32, #tpu.memory_space<vmem_shared>>
      tpu.wait_indirect_dma semaphore(%arg29 : memref<!tpu.dma_semaphore, #tpu.memory_space<semaphore_mem>>) src(%dma_wait3A_1038 : memref<128x16xi32, #tpu.memory_space<vmem>>) dst(%dma_wait3A_1041 : memref<2048x16xi32, #tpu.memory_space<vmem_shared>>)
      %add3A_1042 = arith.constant 12 : i32
      %add3A_1043 = arith.addi %mul3A_620, %add3A_1042 : i32
      %add3A_1044 = arith.constant 7 : i32
      %add3A_1045 = arith.addi %add3A_1043, %add3A_1044 : i32
      %dma_start3A_1046 = arith.constant 7 : i32
      %dma_start3A_1047 = arith.constant 0 : i32
      %dma_start3A_1048 = arith.constant 0 : i32
      %dma_start3A_1049 = tpu.memref_slice %arg8[%dma_start3A_1046, %dma_start3A_1047, %dma_start3A_1048] : memref<12x128x16xi32, #tpu.memory_space<vmem>> -> memref<1x128x16xi32, #tpu.memory_space<vmem>>
      %dma_start3A_1050 = tpu.memref_squeeze %dma_start3A_1049 : memref<1x128x16xi32, #tpu.memory_space<vmem>> -> memref<128x16xi32, #tpu.memory_space<vmem>>
      %dma_start3A_1051 = arith.constant 0 : i32
      %dma_start3A_1052 = tpu.memref_slice %arg6[%add3A_1045, %dma_start3A_1051] : memref<169x128xi32, #tpu.memory_space<vmem>> -> memref<1x128xi32, #tpu.memory_space<vmem>>
      %dma_start3A_1053 = tpu.memref_squeeze %dma_start3A_1052 : memref<1x128xi32, #tpu.memory_space<vmem>> -> memref<128xi32, #tpu.memory_space<vmem>>
      %dma_start3A_1054 = arith.constant 0 : i32
      %dma_start3A_1055 = arith.constant 0 : i32
      %dma_start3A_1056 = tpu.memref_slice %arg2[%dma_start3A_1054, %dma_start3A_1055] : memref<262144x16xi32, #tpu.memory_space<hbm>> -> memref<262144x16xi32, #tpu.memory_space<hbm>>
      tpu.enqueue_indirect_dma source(%dma_start3A_1056 : memref<262144x16xi32, #tpu.memory_space<hbm>>) target(%dma_start3A_1050 : memref<128x16xi32, #tpu.memory_space<vmem>>) offsets(%dma_start3A_1053 : memref<128xi32, #tpu.memory_space<vmem>>) semaphore(%arg17 : memref<!tpu.dma_semaphore, #tpu.memory_space<semaphore_mem>>)
      %dma_wait3A_1057 = arith.constant 8 : i32
      %dma_wait3A_1058 = arith.constant 0 : i32
      %dma_wait3A_1059 = arith.constant 0 : i32
      %dma_wait3A_1060 = tpu.memref_slice %arg8[%dma_wait3A_1057, %dma_wait3A_1058, %dma_wait3A_1059] : memref<12x128x16xi32, #tpu.memory_space<vmem>> -> memref<1x128x16xi32, #tpu.memory_space<vmem>>
      %dma_wait3A_1061 = tpu.memref_squeeze %dma_wait3A_1060 : memref<1x128x16xi32, #tpu.memory_space<vmem>> -> memref<128x16xi32, #tpu.memory_space<vmem>>
      %dma_wait3A_1062 = arith.constant 0 : i32
      %dma_wait3A_1063 = arith.constant 0 : i32
      %dma_wait3A_1064 = tpu.memref_slice %arg9[%dma_wait3A_1062, %dma_wait3A_1063] : memref<2048x16xi32, #tpu.memory_space<vmem_shared>> -> memref<2048x16xi32, #tpu.memory_space<vmem_shared>>
      tpu.wait_indirect_dma semaphore(%arg30 : memref<!tpu.dma_semaphore, #tpu.memory_space<semaphore_mem>>) src(%dma_wait3A_1061 : memref<128x16xi32, #tpu.memory_space<vmem>>) dst(%dma_wait3A_1064 : memref<2048x16xi32, #tpu.memory_space<vmem_shared>>)
      %add3A_1065 = arith.constant 12 : i32
      %add3A_1066 = arith.addi %mul3A_620, %add3A_1065 : i32
      %add3A_1067 = arith.constant 8 : i32
      %add3A_1068 = arith.addi %add3A_1066, %add3A_1067 : i32
      %dma_start3A_1069 = arith.constant 8 : i32
      %dma_start3A_1070 = arith.constant 0 : i32
      %dma_start3A_1071 = arith.constant 0 : i32
      %dma_start3A_1072 = tpu.memref_slice %arg8[%dma_start3A_1069, %dma_start3A_1070, %dma_start3A_1071] : memref<12x128x16xi32, #tpu.memory_space<vmem>> -> memref<1x128x16xi32, #tpu.memory_space<vmem>>
      %dma_start3A_1073 = tpu.memref_squeeze %dma_start3A_1072 : memref<1x128x16xi32, #tpu.memory_space<vmem>> -> memref<128x16xi32, #tpu.memory_space<vmem>>
      %dma_start3A_1074 = arith.constant 0 : i32
      %dma_start3A_1075 = tpu.memref_slice %arg6[%add3A_1068, %dma_start3A_1074] : memref<169x128xi32, #tpu.memory_space<vmem>> -> memref<1x128xi32, #tpu.memory_space<vmem>>
      %dma_start3A_1076 = tpu.memref_squeeze %dma_start3A_1075 : memref<1x128xi32, #tpu.memory_space<vmem>> -> memref<128xi32, #tpu.memory_space<vmem>>
      %dma_start3A_1077 = arith.constant 0 : i32
      %dma_start3A_1078 = arith.constant 0 : i32
      %dma_start3A_1079 = tpu.memref_slice %arg2[%dma_start3A_1077, %dma_start3A_1078] : memref<262144x16xi32, #tpu.memory_space<hbm>> -> memref<262144x16xi32, #tpu.memory_space<hbm>>
      tpu.enqueue_indirect_dma source(%dma_start3A_1079 : memref<262144x16xi32, #tpu.memory_space<hbm>>) target(%dma_start3A_1073 : memref<128x16xi32, #tpu.memory_space<vmem>>) offsets(%dma_start3A_1076 : memref<128xi32, #tpu.memory_space<vmem>>) semaphore(%arg18 : memref<!tpu.dma_semaphore, #tpu.memory_space<semaphore_mem>>)
      %dma_wait3A_1080 = arith.constant 9 : i32
      %dma_wait3A_1081 = arith.constant 0 : i32
      %dma_wait3A_1082 = arith.constant 0 : i32
      %dma_wait3A_1083 = tpu.memref_slice %arg8[%dma_wait3A_1080, %dma_wait3A_1081, %dma_wait3A_1082] : memref<12x128x16xi32, #tpu.memory_space<vmem>> -> memref<1x128x16xi32, #tpu.memory_space<vmem>>
      %dma_wait3A_1084 = tpu.memref_squeeze %dma_wait3A_1083 : memref<1x128x16xi32, #tpu.memory_space<vmem>> -> memref<128x16xi32, #tpu.memory_space<vmem>>
      %dma_wait3A_1085 = arith.constant 0 : i32
      %dma_wait3A_1086 = arith.constant 0 : i32
      %dma_wait3A_1087 = tpu.memref_slice %arg9[%dma_wait3A_1085, %dma_wait3A_1086] : memref<2048x16xi32, #tpu.memory_space<vmem_shared>> -> memref<2048x16xi32, #tpu.memory_space<vmem_shared>>
      tpu.wait_indirect_dma semaphore(%arg31 : memref<!tpu.dma_semaphore, #tpu.memory_space<semaphore_mem>>) src(%dma_wait3A_1084 : memref<128x16xi32, #tpu.memory_space<vmem>>) dst(%dma_wait3A_1087 : memref<2048x16xi32, #tpu.memory_space<vmem_shared>>)
      %add3A_1088 = arith.constant 12 : i32
      %add3A_1089 = arith.addi %mul3A_620, %add3A_1088 : i32
      %add3A_1090 = arith.constant 9 : i32
      %add3A_1091 = arith.addi %add3A_1089, %add3A_1090 : i32
      %dma_start3A_1092 = arith.constant 9 : i32
      %dma_start3A_1093 = arith.constant 0 : i32
      %dma_start3A_1094 = arith.constant 0 : i32
      %dma_start3A_1095 = tpu.memref_slice %arg8[%dma_start3A_1092, %dma_start3A_1093, %dma_start3A_1094] : memref<12x128x16xi32, #tpu.memory_space<vmem>> -> memref<1x128x16xi32, #tpu.memory_space<vmem>>
      %dma_start3A_1096 = tpu.memref_squeeze %dma_start3A_1095 : memref<1x128x16xi32, #tpu.memory_space<vmem>> -> memref<128x16xi32, #tpu.memory_space<vmem>>
      %dma_start3A_1097 = arith.constant 0 : i32
      %dma_start3A_1098 = tpu.memref_slice %arg6[%add3A_1091, %dma_start3A_1097] : memref<169x128xi32, #tpu.memory_space<vmem>> -> memref<1x128xi32, #tpu.memory_space<vmem>>
      %dma_start3A_1099 = tpu.memref_squeeze %dma_start3A_1098 : memref<1x128xi32, #tpu.memory_space<vmem>> -> memref<128xi32, #tpu.memory_space<vmem>>
      %dma_start3A_1100 = arith.constant 0 : i32
      %dma_start3A_1101 = arith.constant 0 : i32
      %dma_start3A_1102 = tpu.memref_slice %arg2[%dma_start3A_1100, %dma_start3A_1101] : memref<262144x16xi32, #tpu.memory_space<hbm>> -> memref<262144x16xi32, #tpu.memory_space<hbm>>
      tpu.enqueue_indirect_dma source(%dma_start3A_1102 : memref<262144x16xi32, #tpu.memory_space<hbm>>) target(%dma_start3A_1096 : memref<128x16xi32, #tpu.memory_space<vmem>>) offsets(%dma_start3A_1099 : memref<128xi32, #tpu.memory_space<vmem>>) semaphore(%arg19 : memref<!tpu.dma_semaphore, #tpu.memory_space<semaphore_mem>>)
      %dma_wait3A_1103 = arith.constant 10 : i32
      %dma_wait3A_1104 = arith.constant 0 : i32
      %dma_wait3A_1105 = arith.constant 0 : i32
      %dma_wait3A_1106 = tpu.memref_slice %arg8[%dma_wait3A_1103, %dma_wait3A_1104, %dma_wait3A_1105] : memref<12x128x16xi32, #tpu.memory_space<vmem>> -> memref<1x128x16xi32, #tpu.memory_space<vmem>>
      %dma_wait3A_1107 = tpu.memref_squeeze %dma_wait3A_1106 : memref<1x128x16xi32, #tpu.memory_space<vmem>> -> memref<128x16xi32, #tpu.memory_space<vmem>>
      %dma_wait3A_1108 = arith.constant 0 : i32
      %dma_wait3A_1109 = arith.constant 0 : i32
      %dma_wait3A_1110 = tpu.memref_slice %arg9[%dma_wait3A_1108, %dma_wait3A_1109] : memref<2048x16xi32, #tpu.memory_space<vmem_shared>> -> memref<2048x16xi32, #tpu.memory_space<vmem_shared>>
      tpu.wait_indirect_dma semaphore(%arg32 : memref<!tpu.dma_semaphore, #tpu.memory_space<semaphore_mem>>) src(%dma_wait3A_1107 : memref<128x16xi32, #tpu.memory_space<vmem>>) dst(%dma_wait3A_1110 : memref<2048x16xi32, #tpu.memory_space<vmem_shared>>)
      %add3A_1111 = arith.constant 12 : i32
      %add3A_1112 = arith.addi %mul3A_620, %add3A_1111 : i32
      %add3A_1113 = arith.constant 10 : i32
      %add3A_1114 = arith.addi %add3A_1112, %add3A_1113 : i32
      %dma_start3A_1115 = arith.constant 10 : i32
      %dma_start3A_1116 = arith.constant 0 : i32
      %dma_start3A_1117 = arith.constant 0 : i32
      %dma_start3A_1118 = tpu.memref_slice %arg8[%dma_start3A_1115, %dma_start3A_1116, %dma_start3A_1117] : memref<12x128x16xi32, #tpu.memory_space<vmem>> -> memref<1x128x16xi32, #tpu.memory_space<vmem>>
      %dma_start3A_1119 = tpu.memref_squeeze %dma_start3A_1118 : memref<1x128x16xi32, #tpu.memory_space<vmem>> -> memref<128x16xi32, #tpu.memory_space<vmem>>
      %dma_start3A_1120 = arith.constant 0 : i32
      %dma_start3A_1121 = tpu.memref_slice %arg6[%add3A_1114, %dma_start3A_1120] : memref<169x128xi32, #tpu.memory_space<vmem>> -> memref<1x128xi32, #tpu.memory_space<vmem>>
      %dma_start3A_1122 = tpu.memref_squeeze %dma_start3A_1121 : memref<1x128xi32, #tpu.memory_space<vmem>> -> memref<128xi32, #tpu.memory_space<vmem>>
      %dma_start3A_1123 = arith.constant 0 : i32
      %dma_start3A_1124 = arith.constant 0 : i32
      %dma_start3A_1125 = tpu.memref_slice %arg2[%dma_start3A_1123, %dma_start3A_1124] : memref<262144x16xi32, #tpu.memory_space<hbm>> -> memref<262144x16xi32, #tpu.memory_space<hbm>>
      tpu.enqueue_indirect_dma source(%dma_start3A_1125 : memref<262144x16xi32, #tpu.memory_space<hbm>>) target(%dma_start3A_1119 : memref<128x16xi32, #tpu.memory_space<vmem>>) offsets(%dma_start3A_1122 : memref<128xi32, #tpu.memory_space<vmem>>) semaphore(%arg20 : memref<!tpu.dma_semaphore, #tpu.memory_space<semaphore_mem>>)
      %dma_wait3A_1126 = arith.constant 11 : i32
      %dma_wait3A_1127 = arith.constant 0 : i32
      %dma_wait3A_1128 = arith.constant 0 : i32
      %dma_wait3A_1129 = tpu.memref_slice %arg8[%dma_wait3A_1126, %dma_wait3A_1127, %dma_wait3A_1128] : memref<12x128x16xi32, #tpu.memory_space<vmem>> -> memref<1x128x16xi32, #tpu.memory_space<vmem>>
      %dma_wait3A_1130 = tpu.memref_squeeze %dma_wait3A_1129 : memref<1x128x16xi32, #tpu.memory_space<vmem>> -> memref<128x16xi32, #tpu.memory_space<vmem>>
      %dma_wait3A_1131 = arith.constant 0 : i32
      %dma_wait3A_1132 = arith.constant 0 : i32
      %dma_wait3A_1133 = tpu.memref_slice %arg9[%dma_wait3A_1131, %dma_wait3A_1132] : memref<2048x16xi32, #tpu.memory_space<vmem_shared>> -> memref<2048x16xi32, #tpu.memory_space<vmem_shared>>
      tpu.wait_indirect_dma semaphore(%arg33 : memref<!tpu.dma_semaphore, #tpu.memory_space<semaphore_mem>>) src(%dma_wait3A_1130 : memref<128x16xi32, #tpu.memory_space<vmem>>) dst(%dma_wait3A_1133 : memref<2048x16xi32, #tpu.memory_space<vmem_shared>>)
      %add3A_1134 = arith.constant 12 : i32
      %add3A_1135 = arith.addi %mul3A_620, %add3A_1134 : i32
      %add3A_1136 = arith.constant 11 : i32
      %add3A_1137 = arith.addi %add3A_1135, %add3A_1136 : i32
      %dma_start3A_1138 = arith.constant 11 : i32
      %dma_start3A_1139 = arith.constant 0 : i32
      %dma_start3A_1140 = arith.constant 0 : i32
      %dma_start3A_1141 = tpu.memref_slice %arg8[%dma_start3A_1138, %dma_start3A_1139, %dma_start3A_1140] : memref<12x128x16xi32, #tpu.memory_space<vmem>> -> memref<1x128x16xi32, #tpu.memory_space<vmem>>
      %dma_start3A_1142 = tpu.memref_squeeze %dma_start3A_1141 : memref<1x128x16xi32, #tpu.memory_space<vmem>> -> memref<128x16xi32, #tpu.memory_space<vmem>>
      %dma_start3A_1143 = arith.constant 0 : i32
      %dma_start3A_1144 = tpu.memref_slice %arg6[%add3A_1137, %dma_start3A_1143] : memref<169x128xi32, #tpu.memory_space<vmem>> -> memref<1x128xi32, #tpu.memory_space<vmem>>
      %dma_start3A_1145 = tpu.memref_squeeze %dma_start3A_1144 : memref<1x128xi32, #tpu.memory_space<vmem>> -> memref<128xi32, #tpu.memory_space<vmem>>
      %dma_start3A_1146 = arith.constant 0 : i32
      %dma_start3A_1147 = arith.constant 0 : i32
      %dma_start3A_1148 = tpu.memref_slice %arg2[%dma_start3A_1146, %dma_start3A_1147] : memref<262144x16xi32, #tpu.memory_space<hbm>> -> memref<262144x16xi32, #tpu.memory_space<hbm>>
      tpu.enqueue_indirect_dma source(%dma_start3A_1148 : memref<262144x16xi32, #tpu.memory_space<hbm>>) target(%dma_start3A_1142 : memref<128x16xi32, #tpu.memory_space<vmem>>) offsets(%dma_start3A_1145 : memref<128xi32, #tpu.memory_space<vmem>>) semaphore(%arg21 : memref<!tpu.dma_semaphore, #tpu.memory_space<semaphore_mem>>)
    }
    %scan3A_238 = arith.constant 13 : i32
    %dma_wait3A = arith.constant 156 : i32
    %dma_wait3A_239 = arith.constant 0 : i32
    %dma_wait3A_240 = arith.constant 0 : i32
    %dma_wait3A_241 = arith.constant 0 : i32
    %dma_wait3A_242 = tpu.memref_slice %arg8[%dma_wait3A_239, %dma_wait3A_240, %dma_wait3A_241] : memref<12x128x16xi32, #tpu.memory_space<vmem>> -> memref<1x128x16xi32, #tpu.memory_space<vmem>>
    %dma_wait3A_243 = tpu.memref_squeeze %dma_wait3A_242 : memref<1x128x16xi32, #tpu.memory_space<vmem>> -> memref<128x16xi32, #tpu.memory_space<vmem>>
    %dma_wait3A_244 = arith.constant 0 : i32
    %dma_wait3A_245 = tpu.memref_slice %arg6[%dma_wait3A, %dma_wait3A_244] : memref<169x128xi32, #tpu.memory_space<vmem>> -> memref<1x128xi32, #tpu.memory_space<vmem>>
    %dma_wait3A_246 = tpu.memref_squeeze %dma_wait3A_245 : memref<1x128xi32, #tpu.memory_space<vmem>> -> memref<128xi32, #tpu.memory_space<vmem>>
    %dma_wait3A_247 = arith.constant 0 : i32
    %dma_wait3A_248 = arith.constant 0 : i32
    %dma_wait3A_249 = tpu.memref_slice %arg2[%dma_wait3A_247, %dma_wait3A_248] : memref<262144x16xi32, #tpu.memory_space<hbm>> -> memref<262144x16xi32, #tpu.memory_space<hbm>>
    tpu.wait_indirect_dma semaphore(%arg10 : memref<!tpu.dma_semaphore, #tpu.memory_space<semaphore_mem>>) src(%dma_wait3A_249 : memref<262144x16xi32, #tpu.memory_space<hbm>>) dst(%dma_wait3A_243 : memref<128x16xi32, #tpu.memory_space<vmem>>)
    %dma_start3A_250 = arith.constant 0 : i32
    %dma_start3A_251 = arith.constant 0 : i32
    %dma_start3A_252 = arith.constant 0 : i32
    %dma_start3A_253 = tpu.memref_slice %arg8[%dma_start3A_250, %dma_start3A_251, %dma_start3A_252] : memref<12x128x16xi32, #tpu.memory_space<vmem>> -> memref<1x128x16xi32, #tpu.memory_space<vmem>>
    %dma_start3A_254 = tpu.memref_squeeze %dma_start3A_253 : memref<1x128x16xi32, #tpu.memory_space<vmem>> -> memref<128x16xi32, #tpu.memory_space<vmem>>
    %dma_start3A_255 = arith.constant 0 : i32
    %dma_start3A_256 = arith.constant 0 : i32
    %dma_start3A_257 = tpu.memref_slice %arg9[%dma_start3A_255, %dma_start3A_256] : memref<2048x16xi32, #tpu.memory_space<vmem_shared>> -> memref<2048x16xi32, #tpu.memory_space<vmem_shared>>
    tpu.enqueue_indirect_dma source(%dma_start3A_254 : memref<128x16xi32, #tpu.memory_space<vmem>>) target(%dma_start3A_257 : memref<2048x16xi32, #tpu.memory_space<vmem_shared>>) offsets(%arg7 : memref<128xi32, #tpu.memory_space<vmem>>) semaphore(%arg22 : memref<!tpu.dma_semaphore, #tpu.memory_space<semaphore_mem>>) {add = true}
    %dma_wait3A_258 = arith.constant 157 : i32
    %dma_wait3A_259 = arith.constant 1 : i32
    %dma_wait3A_260 = arith.constant 0 : i32
    %dma_wait3A_261 = arith.constant 0 : i32
    %dma_wait3A_262 = tpu.memref_slice %arg8[%dma_wait3A_259, %dma_wait3A_260, %dma_wait3A_261] : memref<12x128x16xi32, #tpu.memory_space<vmem>> -> memref<1x128x16xi32, #tpu.memory_space<vmem>>
    %dma_wait3A_263 = tpu.memref_squeeze %dma_wait3A_262 : memref<1x128x16xi32, #tpu.memory_space<vmem>> -> memref<128x16xi32, #tpu.memory_space<vmem>>
    %dma_wait3A_264 = arith.constant 0 : i32
    %dma_wait3A_265 = tpu.memref_slice %arg6[%dma_wait3A_258, %dma_wait3A_264] : memref<169x128xi32, #tpu.memory_space<vmem>> -> memref<1x128xi32, #tpu.memory_space<vmem>>
    %dma_wait3A_266 = tpu.memref_squeeze %dma_wait3A_265 : memref<1x128xi32, #tpu.memory_space<vmem>> -> memref<128xi32, #tpu.memory_space<vmem>>
    %dma_wait3A_267 = arith.constant 0 : i32
    %dma_wait3A_268 = arith.constant 0 : i32
    %dma_wait3A_269 = tpu.memref_slice %arg2[%dma_wait3A_267, %dma_wait3A_268] : memref<262144x16xi32, #tpu.memory_space<hbm>> -> memref<262144x16xi32, #tpu.memory_space<hbm>>
    tpu.wait_indirect_dma semaphore(%arg11 : memref<!tpu.dma_semaphore, #tpu.memory_space<semaphore_mem>>) src(%dma_wait3A_269 : memref<262144x16xi32, #tpu.memory_space<hbm>>) dst(%dma_wait3A_263 : memref<128x16xi32, #tpu.memory_space<vmem>>)
    %dma_start3A_270 = arith.constant 1 : i32
    %dma_start3A_271 = arith.constant 0 : i32
    %dma_start3A_272 = arith.constant 0 : i32
    %dma_start3A_273 = tpu.memref_slice %arg8[%dma_start3A_270, %dma_start3A_271, %dma_start3A_272] : memref<12x128x16xi32, #tpu.memory_space<vmem>> -> memref<1x128x16xi32, #tpu.memory_space<vmem>>
    %dma_start3A_274 = tpu.memref_squeeze %dma_start3A_273 : memref<1x128x16xi32, #tpu.memory_space<vmem>> -> memref<128x16xi32, #tpu.memory_space<vmem>>
    %dma_start3A_275 = arith.constant 0 : i32
    %dma_start3A_276 = arith.constant 0 : i32
    %dma_start3A_277 = tpu.memref_slice %arg9[%dma_start3A_275, %dma_start3A_276] : memref<2048x16xi32, #tpu.memory_space<vmem_shared>> -> memref<2048x16xi32, #tpu.memory_space<vmem_shared>>
    tpu.enqueue_indirect_dma source(%dma_start3A_274 : memref<128x16xi32, #tpu.memory_space<vmem>>) target(%dma_start3A_277 : memref<2048x16xi32, #tpu.memory_space<vmem_shared>>) offsets(%arg7 : memref<128xi32, #tpu.memory_space<vmem>>) semaphore(%arg23 : memref<!tpu.dma_semaphore, #tpu.memory_space<semaphore_mem>>) {add = true}
    %dma_wait3A_278 = arith.constant 158 : i32
    %dma_wait3A_279 = arith.constant 2 : i32
    %dma_wait3A_280 = arith.constant 0 : i32
    %dma_wait3A_281 = arith.constant 0 : i32
    %dma_wait3A_282 = tpu.memref_slice %arg8[%dma_wait3A_279, %dma_wait3A_280, %dma_wait3A_281] : memref<12x128x16xi32, #tpu.memory_space<vmem>> -> memref<1x128x16xi32, #tpu.memory_space<vmem>>
    %dma_wait3A_283 = tpu.memref_squeeze %dma_wait3A_282 : memref<1x128x16xi32, #tpu.memory_space<vmem>> -> memref<128x16xi32, #tpu.memory_space<vmem>>
    %dma_wait3A_284 = arith.constant 0 : i32
    %dma_wait3A_285 = tpu.memref_slice %arg6[%dma_wait3A_278, %dma_wait3A_284] : memref<169x128xi32, #tpu.memory_space<vmem>> -> memref<1x128xi32, #tpu.memory_space<vmem>>
    %dma_wait3A_286 = tpu.memref_squeeze %dma_wait3A_285 : memref<1x128xi32, #tpu.memory_space<vmem>> -> memref<128xi32, #tpu.memory_space<vmem>>
    %dma_wait3A_287 = arith.constant 0 : i32
    %dma_wait3A_288 = arith.constant 0 : i32
    %dma_wait3A_289 = tpu.memref_slice %arg2[%dma_wait3A_287, %dma_wait3A_288] : memref<262144x16xi32, #tpu.memory_space<hbm>> -> memref<262144x16xi32, #tpu.memory_space<hbm>>
    tpu.wait_indirect_dma semaphore(%arg12 : memref<!tpu.dma_semaphore, #tpu.memory_space<semaphore_mem>>) src(%dma_wait3A_289 : memref<262144x16xi32, #tpu.memory_space<hbm>>) dst(%dma_wait3A_283 : memref<128x16xi32, #tpu.memory_space<vmem>>)
    %dma_start3A_290 = arith.constant 2 : i32
    %dma_start3A_291 = arith.constant 0 : i32
    %dma_start3A_292 = arith.constant 0 : i32
    %dma_start3A_293 = tpu.memref_slice %arg8[%dma_start3A_290, %dma_start3A_291, %dma_start3A_292] : memref<12x128x16xi32, #tpu.memory_space<vmem>> -> memref<1x128x16xi32, #tpu.memory_space<vmem>>
    %dma_start3A_294 = tpu.memref_squeeze %dma_start3A_293 : memref<1x128x16xi32, #tpu.memory_space<vmem>> -> memref<128x16xi32, #tpu.memory_space<vmem>>
    %dma_start3A_295 = arith.constant 0 : i32
    %dma_start3A_296 = arith.constant 0 : i32
    %dma_start3A_297 = tpu.memref_slice %arg9[%dma_start3A_295, %dma_start3A_296] : memref<2048x16xi32, #tpu.memory_space<vmem_shared>> -> memref<2048x16xi32, #tpu.memory_space<vmem_shared>>
    tpu.enqueue_indirect_dma source(%dma_start3A_294 : memref<128x16xi32, #tpu.memory_space<vmem>>) target(%dma_start3A_297 : memref<2048x16xi32, #tpu.memory_space<vmem_shared>>) offsets(%arg7 : memref<128xi32, #tpu.memory_space<vmem>>) semaphore(%arg24 : memref<!tpu.dma_semaphore, #tpu.memory_space<semaphore_mem>>) {add = true}
    %dma_wait3A_298 = arith.constant 159 : i32
    %dma_wait3A_299 = arith.constant 3 : i32
    %dma_wait3A_300 = arith.constant 0 : i32
    %dma_wait3A_301 = arith.constant 0 : i32
    %dma_wait3A_302 = tpu.memref_slice %arg8[%dma_wait3A_299, %dma_wait3A_300, %dma_wait3A_301] : memref<12x128x16xi32, #tpu.memory_space<vmem>> -> memref<1x128x16xi32, #tpu.memory_space<vmem>>
    %dma_wait3A_303 = tpu.memref_squeeze %dma_wait3A_302 : memref<1x128x16xi32, #tpu.memory_space<vmem>> -> memref<128x16xi32, #tpu.memory_space<vmem>>
    %dma_wait3A_304 = arith.constant 0 : i32
    %dma_wait3A_305 = tpu.memref_slice %arg6[%dma_wait3A_298, %dma_wait3A_304] : memref<169x128xi32, #tpu.memory_space<vmem>> -> memref<1x128xi32, #tpu.memory_space<vmem>>
    %dma_wait3A_306 = tpu.memref_squeeze %dma_wait3A_305 : memref<1x128xi32, #tpu.memory_space<vmem>> -> memref<128xi32, #tpu.memory_space<vmem>>
    %dma_wait3A_307 = arith.constant 0 : i32
    %dma_wait3A_308 = arith.constant 0 : i32
    %dma_wait3A_309 = tpu.memref_slice %arg2[%dma_wait3A_307, %dma_wait3A_308] : memref<262144x16xi32, #tpu.memory_space<hbm>> -> memref<262144x16xi32, #tpu.memory_space<hbm>>
    tpu.wait_indirect_dma semaphore(%arg13 : memref<!tpu.dma_semaphore, #tpu.memory_space<semaphore_mem>>) src(%dma_wait3A_309 : memref<262144x16xi32, #tpu.memory_space<hbm>>) dst(%dma_wait3A_303 : memref<128x16xi32, #tpu.memory_space<vmem>>)
    %dma_start3A_310 = arith.constant 3 : i32
    %dma_start3A_311 = arith.constant 0 : i32
    %dma_start3A_312 = arith.constant 0 : i32
    %dma_start3A_313 = tpu.memref_slice %arg8[%dma_start3A_310, %dma_start3A_311, %dma_start3A_312] : memref<12x128x16xi32, #tpu.memory_space<vmem>> -> memref<1x128x16xi32, #tpu.memory_space<vmem>>
    %dma_start3A_314 = tpu.memref_squeeze %dma_start3A_313 : memref<1x128x16xi32, #tpu.memory_space<vmem>> -> memref<128x16xi32, #tpu.memory_space<vmem>>
    %dma_start3A_315 = arith.constant 0 : i32
    %dma_start3A_316 = arith.constant 0 : i32
    %dma_start3A_317 = tpu.memref_slice %arg9[%dma_start3A_315, %dma_start3A_316] : memref<2048x16xi32, #tpu.memory_space<vmem_shared>> -> memref<2048x16xi32, #tpu.memory_space<vmem_shared>>
    tpu.enqueue_indirect_dma source(%dma_start3A_314 : memref<128x16xi32, #tpu.memory_space<vmem>>) target(%dma_start3A_317 : memref<2048x16xi32, #tpu.memory_space<vmem_shared>>) offsets(%arg7 : memref<128xi32, #tpu.memory_space<vmem>>) semaphore(%arg25 : memref<!tpu.dma_semaphore, #tpu.memory_space<semaphore_mem>>) {add = true}
    %dma_wait3A_318 = arith.constant 160 : i32
    %dma_wait3A_319 = arith.constant 4 : i32
    %dma_wait3A_320 = arith.constant 0 : i32
    %dma_wait3A_321 = arith.constant 0 : i32
    %dma_wait3A_322 = tpu.memref_slice %arg8[%dma_wait3A_319, %dma_wait3A_320, %dma_wait3A_321] : memref<12x128x16xi32, #tpu.memory_space<vmem>> -> memref<1x128x16xi32, #tpu.memory_space<vmem>>
    %dma_wait3A_323 = tpu.memref_squeeze %dma_wait3A_322 : memref<1x128x16xi32, #tpu.memory_space<vmem>> -> memref<128x16xi32, #tpu.memory_space<vmem>>
    %dma_wait3A_324 = arith.constant 0 : i32
    %dma_wait3A_325 = tpu.memref_slice %arg6[%dma_wait3A_318, %dma_wait3A_324] : memref<169x128xi32, #tpu.memory_space<vmem>> -> memref<1x128xi32, #tpu.memory_space<vmem>>
    %dma_wait3A_326 = tpu.memref_squeeze %dma_wait3A_325 : memref<1x128xi32, #tpu.memory_space<vmem>> -> memref<128xi32, #tpu.memory_space<vmem>>
    %dma_wait3A_327 = arith.constant 0 : i32
    %dma_wait3A_328 = arith.constant 0 : i32
    %dma_wait3A_329 = tpu.memref_slice %arg2[%dma_wait3A_327, %dma_wait3A_328] : memref<262144x16xi32, #tpu.memory_space<hbm>> -> memref<262144x16xi32, #tpu.memory_space<hbm>>
    tpu.wait_indirect_dma semaphore(%arg14 : memref<!tpu.dma_semaphore, #tpu.memory_space<semaphore_mem>>) src(%dma_wait3A_329 : memref<262144x16xi32, #tpu.memory_space<hbm>>) dst(%dma_wait3A_323 : memref<128x16xi32, #tpu.memory_space<vmem>>)
    %dma_start3A_330 = arith.constant 4 : i32
    %dma_start3A_331 = arith.constant 0 : i32
    %dma_start3A_332 = arith.constant 0 : i32
    %dma_start3A_333 = tpu.memref_slice %arg8[%dma_start3A_330, %dma_start3A_331, %dma_start3A_332] : memref<12x128x16xi32, #tpu.memory_space<vmem>> -> memref<1x128x16xi32, #tpu.memory_space<vmem>>
    %dma_start3A_334 = tpu.memref_squeeze %dma_start3A_333 : memref<1x128x16xi32, #tpu.memory_space<vmem>> -> memref<128x16xi32, #tpu.memory_space<vmem>>
    %dma_start3A_335 = arith.constant 0 : i32
    %dma_start3A_336 = arith.constant 0 : i32
    %dma_start3A_337 = tpu.memref_slice %arg9[%dma_start3A_335, %dma_start3A_336] : memref<2048x16xi32, #tpu.memory_space<vmem_shared>> -> memref<2048x16xi32, #tpu.memory_space<vmem_shared>>
    tpu.enqueue_indirect_dma source(%dma_start3A_334 : memref<128x16xi32, #tpu.memory_space<vmem>>) target(%dma_start3A_337 : memref<2048x16xi32, #tpu.memory_space<vmem_shared>>) offsets(%arg7 : memref<128xi32, #tpu.memory_space<vmem>>) semaphore(%arg26 : memref<!tpu.dma_semaphore, #tpu.memory_space<semaphore_mem>>) {add = true}
    %dma_wait3A_338 = arith.constant 161 : i32
    %dma_wait3A_339 = arith.constant 5 : i32
    %dma_wait3A_340 = arith.constant 0 : i32
    %dma_wait3A_341 = arith.constant 0 : i32
    %dma_wait3A_342 = tpu.memref_slice %arg8[%dma_wait3A_339, %dma_wait3A_340, %dma_wait3A_341] : memref<12x128x16xi32, #tpu.memory_space<vmem>> -> memref<1x128x16xi32, #tpu.memory_space<vmem>>
    %dma_wait3A_343 = tpu.memref_squeeze %dma_wait3A_342 : memref<1x128x16xi32, #tpu.memory_space<vmem>> -> memref<128x16xi32, #tpu.memory_space<vmem>>
    %dma_wait3A_344 = arith.constant 0 : i32
    %dma_wait3A_345 = tpu.memref_slice %arg6[%dma_wait3A_338, %dma_wait3A_344] : memref<169x128xi32, #tpu.memory_space<vmem>> -> memref<1x128xi32, #tpu.memory_space<vmem>>
    %dma_wait3A_346 = tpu.memref_squeeze %dma_wait3A_345 : memref<1x128xi32, #tpu.memory_space<vmem>> -> memref<128xi32, #tpu.memory_space<vmem>>
    %dma_wait3A_347 = arith.constant 0 : i32
    %dma_wait3A_348 = arith.constant 0 : i32
    %dma_wait3A_349 = tpu.memref_slice %arg2[%dma_wait3A_347, %dma_wait3A_348] : memref<262144x16xi32, #tpu.memory_space<hbm>> -> memref<262144x16xi32, #tpu.memory_space<hbm>>
    tpu.wait_indirect_dma semaphore(%arg15 : memref<!tpu.dma_semaphore, #tpu.memory_space<semaphore_mem>>) src(%dma_wait3A_349 : memref<262144x16xi32, #tpu.memory_space<hbm>>) dst(%dma_wait3A_343 : memref<128x16xi32, #tpu.memory_space<vmem>>)
    %dma_start3A_350 = arith.constant 5 : i32
    %dma_start3A_351 = arith.constant 0 : i32
    %dma_start3A_352 = arith.constant 0 : i32
    %dma_start3A_353 = tpu.memref_slice %arg8[%dma_start3A_350, %dma_start3A_351, %dma_start3A_352] : memref<12x128x16xi32, #tpu.memory_space<vmem>> -> memref<1x128x16xi32, #tpu.memory_space<vmem>>
    %dma_start3A_354 = tpu.memref_squeeze %dma_start3A_353 : memref<1x128x16xi32, #tpu.memory_space<vmem>> -> memref<128x16xi32, #tpu.memory_space<vmem>>
    %dma_start3A_355 = arith.constant 0 : i32
    %dma_start3A_356 = arith.constant 0 : i32
    %dma_start3A_357 = tpu.memref_slice %arg9[%dma_start3A_355, %dma_start3A_356] : memref<2048x16xi32, #tpu.memory_space<vmem_shared>> -> memref<2048x16xi32, #tpu.memory_space<vmem_shared>>
    tpu.enqueue_indirect_dma source(%dma_start3A_354 : memref<128x16xi32, #tpu.memory_space<vmem>>) target(%dma_start3A_357 : memref<2048x16xi32, #tpu.memory_space<vmem_shared>>) offsets(%arg7 : memref<128xi32, #tpu.memory_space<vmem>>) semaphore(%arg27 : memref<!tpu.dma_semaphore, #tpu.memory_space<semaphore_mem>>) {add = true}
    %dma_wait3A_358 = arith.constant 162 : i32
    %dma_wait3A_359 = arith.constant 6 : i32
    %dma_wait3A_360 = arith.constant 0 : i32
    %dma_wait3A_361 = arith.constant 0 : i32
    %dma_wait3A_362 = tpu.memref_slice %arg8[%dma_wait3A_359, %dma_wait3A_360, %dma_wait3A_361] : memref<12x128x16xi32, #tpu.memory_space<vmem>> -> memref<1x128x16xi32, #tpu.memory_space<vmem>>
    %dma_wait3A_363 = tpu.memref_squeeze %dma_wait3A_362 : memref<1x128x16xi32, #tpu.memory_space<vmem>> -> memref<128x16xi32, #tpu.memory_space<vmem>>
    %dma_wait3A_364 = arith.constant 0 : i32
    %dma_wait3A_365 = tpu.memref_slice %arg6[%dma_wait3A_358, %dma_wait3A_364] : memref<169x128xi32, #tpu.memory_space<vmem>> -> memref<1x128xi32, #tpu.memory_space<vmem>>
    %dma_wait3A_366 = tpu.memref_squeeze %dma_wait3A_365 : memref<1x128xi32, #tpu.memory_space<vmem>> -> memref<128xi32, #tpu.memory_space<vmem>>
    %dma_wait3A_367 = arith.constant 0 : i32
    %dma_wait3A_368 = arith.constant 0 : i32
    %dma_wait3A_369 = tpu.memref_slice %arg2[%dma_wait3A_367, %dma_wait3A_368] : memref<262144x16xi32, #tpu.memory_space<hbm>> -> memref<262144x16xi32, #tpu.memory_space<hbm>>
    tpu.wait_indirect_dma semaphore(%arg16 : memref<!tpu.dma_semaphore, #tpu.memory_space<semaphore_mem>>) src(%dma_wait3A_369 : memref<262144x16xi32, #tpu.memory_space<hbm>>) dst(%dma_wait3A_363 : memref<128x16xi32, #tpu.memory_space<vmem>>)
    %dma_start3A_370 = arith.constant 6 : i32
    %dma_start3A_371 = arith.constant 0 : i32
    %dma_start3A_372 = arith.constant 0 : i32
    %dma_start3A_373 = tpu.memref_slice %arg8[%dma_start3A_370, %dma_start3A_371, %dma_start3A_372] : memref<12x128x16xi32, #tpu.memory_space<vmem>> -> memref<1x128x16xi32, #tpu.memory_space<vmem>>
    %dma_start3A_374 = tpu.memref_squeeze %dma_start3A_373 : memref<1x128x16xi32, #tpu.memory_space<vmem>> -> memref<128x16xi32, #tpu.memory_space<vmem>>
    %dma_start3A_375 = arith.constant 0 : i32
    %dma_start3A_376 = arith.constant 0 : i32
    %dma_start3A_377 = tpu.memref_slice %arg9[%dma_start3A_375, %dma_start3A_376] : memref<2048x16xi32, #tpu.memory_space<vmem_shared>> -> memref<2048x16xi32, #tpu.memory_space<vmem_shared>>
    tpu.enqueue_indirect_dma source(%dma_start3A_374 : memref<128x16xi32, #tpu.memory_space<vmem>>) target(%dma_start3A_377 : memref<2048x16xi32, #tpu.memory_space<vmem_shared>>) offsets(%arg7 : memref<128xi32, #tpu.memory_space<vmem>>) semaphore(%arg28 : memref<!tpu.dma_semaphore, #tpu.memory_space<semaphore_mem>>) {add = true}
    %dma_wait3A_378 = arith.constant 163 : i32
    %dma_wait3A_379 = arith.constant 7 : i32
    %dma_wait3A_380 = arith.constant 0 : i32
    %dma_wait3A_381 = arith.constant 0 : i32
    %dma_wait3A_382 = tpu.memref_slice %arg8[%dma_wait3A_379, %dma_wait3A_380, %dma_wait3A_381] : memref<12x128x16xi32, #tpu.memory_space<vmem>> -> memref<1x128x16xi32, #tpu.memory_space<vmem>>
    %dma_wait3A_383 = tpu.memref_squeeze %dma_wait3A_382 : memref<1x128x16xi32, #tpu.memory_space<vmem>> -> memref<128x16xi32, #tpu.memory_space<vmem>>
    %dma_wait3A_384 = arith.constant 0 : i32
    %dma_wait3A_385 = tpu.memref_slice %arg6[%dma_wait3A_378, %dma_wait3A_384] : memref<169x128xi32, #tpu.memory_space<vmem>> -> memref<1x128xi32, #tpu.memory_space<vmem>>
    %dma_wait3A_386 = tpu.memref_squeeze %dma_wait3A_385 : memref<1x128xi32, #tpu.memory_space<vmem>> -> memref<128xi32, #tpu.memory_space<vmem>>
    %dma_wait3A_387 = arith.constant 0 : i32
    %dma_wait3A_388 = arith.constant 0 : i32
    %dma_wait3A_389 = tpu.memref_slice %arg2[%dma_wait3A_387, %dma_wait3A_388] : memref<262144x16xi32, #tpu.memory_space<hbm>> -> memref<262144x16xi32, #tpu.memory_space<hbm>>
    tpu.wait_indirect_dma semaphore(%arg17 : memref<!tpu.dma_semaphore, #tpu.memory_space<semaphore_mem>>) src(%dma_wait3A_389 : memref<262144x16xi32, #tpu.memory_space<hbm>>) dst(%dma_wait3A_383 : memref<128x16xi32, #tpu.memory_space<vmem>>)
    %dma_start3A_390 = arith.constant 7 : i32
    %dma_start3A_391 = arith.constant 0 : i32
    %dma_start3A_392 = arith.constant 0 : i32
    %dma_start3A_393 = tpu.memref_slice %arg8[%dma_start3A_390, %dma_start3A_391, %dma_start3A_392] : memref<12x128x16xi32, #tpu.memory_space<vmem>> -> memref<1x128x16xi32, #tpu.memory_space<vmem>>
    %dma_start3A_394 = tpu.memref_squeeze %dma_start3A_393 : memref<1x128x16xi32, #tpu.memory_space<vmem>> -> memref<128x16xi32, #tpu.memory_space<vmem>>
    %dma_start3A_395 = arith.constant 0 : i32
    %dma_start3A_396 = arith.constant 0 : i32
    %dma_start3A_397 = tpu.memref_slice %arg9[%dma_start3A_395, %dma_start3A_396] : memref<2048x16xi32, #tpu.memory_space<vmem_shared>> -> memref<2048x16xi32, #tpu.memory_space<vmem_shared>>
    tpu.enqueue_indirect_dma source(%dma_start3A_394 : memref<128x16xi32, #tpu.memory_space<vmem>>) target(%dma_start3A_397 : memref<2048x16xi32, #tpu.memory_space<vmem_shared>>) offsets(%arg7 : memref<128xi32, #tpu.memory_space<vmem>>) semaphore(%arg29 : memref<!tpu.dma_semaphore, #tpu.memory_space<semaphore_mem>>) {add = true}
    %dma_wait3A_398 = arith.constant 164 : i32
    %dma_wait3A_399 = arith.constant 8 : i32
    %dma_wait3A_400 = arith.constant 0 : i32
    %dma_wait3A_401 = arith.constant 0 : i32
    %dma_wait3A_402 = tpu.memref_slice %arg8[%dma_wait3A_399, %dma_wait3A_400, %dma_wait3A_401] : memref<12x128x16xi32, #tpu.memory_space<vmem>> -> memref<1x128x16xi32, #tpu.memory_space<vmem>>
    %dma_wait3A_403 = tpu.memref_squeeze %dma_wait3A_402 : memref<1x128x16xi32, #tpu.memory_space<vmem>> -> memref<128x16xi32, #tpu.memory_space<vmem>>
    %dma_wait3A_404 = arith.constant 0 : i32
    %dma_wait3A_405 = tpu.memref_slice %arg6[%dma_wait3A_398, %dma_wait3A_404] : memref<169x128xi32, #tpu.memory_space<vmem>> -> memref<1x128xi32, #tpu.memory_space<vmem>>
    %dma_wait3A_406 = tpu.memref_squeeze %dma_wait3A_405 : memref<1x128xi32, #tpu.memory_space<vmem>> -> memref<128xi32, #tpu.memory_space<vmem>>
    %dma_wait3A_407 = arith.constant 0 : i32
    %dma_wait3A_408 = arith.constant 0 : i32
    %dma_wait3A_409 = tpu.memref_slice %arg2[%dma_wait3A_407, %dma_wait3A_408] : memref<262144x16xi32, #tpu.memory_space<hbm>> -> memref<262144x16xi32, #tpu.memory_space<hbm>>
    tpu.wait_indirect_dma semaphore(%arg18 : memref<!tpu.dma_semaphore, #tpu.memory_space<semaphore_mem>>) src(%dma_wait3A_409 : memref<262144x16xi32, #tpu.memory_space<hbm>>) dst(%dma_wait3A_403 : memref<128x16xi32, #tpu.memory_space<vmem>>)
    %dma_start3A_410 = arith.constant 8 : i32
    %dma_start3A_411 = arith.constant 0 : i32
    %dma_start3A_412 = arith.constant 0 : i32
    %dma_start3A_413 = tpu.memref_slice %arg8[%dma_start3A_410, %dma_start3A_411, %dma_start3A_412] : memref<12x128x16xi32, #tpu.memory_space<vmem>> -> memref<1x128x16xi32, #tpu.memory_space<vmem>>
    %dma_start3A_414 = tpu.memref_squeeze %dma_start3A_413 : memref<1x128x16xi32, #tpu.memory_space<vmem>> -> memref<128x16xi32, #tpu.memory_space<vmem>>
    %dma_start3A_415 = arith.constant 0 : i32
    %dma_start3A_416 = arith.constant 0 : i32
    %dma_start3A_417 = tpu.memref_slice %arg9[%dma_start3A_415, %dma_start3A_416] : memref<2048x16xi32, #tpu.memory_space<vmem_shared>> -> memref<2048x16xi32, #tpu.memory_space<vmem_shared>>
    tpu.enqueue_indirect_dma source(%dma_start3A_414 : memref<128x16xi32, #tpu.memory_space<vmem>>) target(%dma_start3A_417 : memref<2048x16xi32, #tpu.memory_space<vmem_shared>>) offsets(%arg7 : memref<128xi32, #tpu.memory_space<vmem>>) semaphore(%arg30 : memref<!tpu.dma_semaphore, #tpu.memory_space<semaphore_mem>>) {add = true}
    %dma_wait3A_418 = arith.constant 165 : i32
    %dma_wait3A_419 = arith.constant 9 : i32
    %dma_wait3A_420 = arith.constant 0 : i32
    %dma_wait3A_421 = arith.constant 0 : i32
    %dma_wait3A_422 = tpu.memref_slice %arg8[%dma_wait3A_419, %dma_wait3A_420, %dma_wait3A_421] : memref<12x128x16xi32, #tpu.memory_space<vmem>> -> memref<1x128x16xi32, #tpu.memory_space<vmem>>
    %dma_wait3A_423 = tpu.memref_squeeze %dma_wait3A_422 : memref<1x128x16xi32, #tpu.memory_space<vmem>> -> memref<128x16xi32, #tpu.memory_space<vmem>>
    %dma_wait3A_424 = arith.constant 0 : i32
    %dma_wait3A_425 = tpu.memref_slice %arg6[%dma_wait3A_418, %dma_wait3A_424] : memref<169x128xi32, #tpu.memory_space<vmem>> -> memref<1x128xi32, #tpu.memory_space<vmem>>
    %dma_wait3A_426 = tpu.memref_squeeze %dma_wait3A_425 : memref<1x128xi32, #tpu.memory_space<vmem>> -> memref<128xi32, #tpu.memory_space<vmem>>
    %dma_wait3A_427 = arith.constant 0 : i32
    %dma_wait3A_428 = arith.constant 0 : i32
    %dma_wait3A_429 = tpu.memref_slice %arg2[%dma_wait3A_427, %dma_wait3A_428] : memref<262144x16xi32, #tpu.memory_space<hbm>> -> memref<262144x16xi32, #tpu.memory_space<hbm>>
    tpu.wait_indirect_dma semaphore(%arg19 : memref<!tpu.dma_semaphore, #tpu.memory_space<semaphore_mem>>) src(%dma_wait3A_429 : memref<262144x16xi32, #tpu.memory_space<hbm>>) dst(%dma_wait3A_423 : memref<128x16xi32, #tpu.memory_space<vmem>>)
    %dma_start3A_430 = arith.constant 9 : i32
    %dma_start3A_431 = arith.constant 0 : i32
    %dma_start3A_432 = arith.constant 0 : i32
    %dma_start3A_433 = tpu.memref_slice %arg8[%dma_start3A_430, %dma_start3A_431, %dma_start3A_432] : memref<12x128x16xi32, #tpu.memory_space<vmem>> -> memref<1x128x16xi32, #tpu.memory_space<vmem>>
    %dma_start3A_434 = tpu.memref_squeeze %dma_start3A_433 : memref<1x128x16xi32, #tpu.memory_space<vmem>> -> memref<128x16xi32, #tpu.memory_space<vmem>>
    %dma_start3A_435 = arith.constant 0 : i32
    %dma_start3A_436 = arith.constant 0 : i32
    %dma_start3A_437 = tpu.memref_slice %arg9[%dma_start3A_435, %dma_start3A_436] : memref<2048x16xi32, #tpu.memory_space<vmem_shared>> -> memref<2048x16xi32, #tpu.memory_space<vmem_shared>>
    tpu.enqueue_indirect_dma source(%dma_start3A_434 : memref<128x16xi32, #tpu.memory_space<vmem>>) target(%dma_start3A_437 : memref<2048x16xi32, #tpu.memory_space<vmem_shared>>) offsets(%arg7 : memref<128xi32, #tpu.memory_space<vmem>>) semaphore(%arg31 : memref<!tpu.dma_semaphore, #tpu.memory_space<semaphore_mem>>) {add = true}
    %dma_wait3A_438 = arith.constant 166 : i32
    %dma_wait3A_439 = arith.constant 10 : i32
    %dma_wait3A_440 = arith.constant 0 : i32
    %dma_wait3A_441 = arith.constant 0 : i32
    %dma_wait3A_442 = tpu.memref_slice %arg8[%dma_wait3A_439, %dma_wait3A_440, %dma_wait3A_441] : memref<12x128x16xi32, #tpu.memory_space<vmem>> -> memref<1x128x16xi32, #tpu.memory_space<vmem>>
    %dma_wait3A_443 = tpu.memref_squeeze %dma_wait3A_442 : memref<1x128x16xi32, #tpu.memory_space<vmem>> -> memref<128x16xi32, #tpu.memory_space<vmem>>
    %dma_wait3A_444 = arith.constant 0 : i32
    %dma_wait3A_445 = tpu.memref_slice %arg6[%dma_wait3A_438, %dma_wait3A_444] : memref<169x128xi32, #tpu.memory_space<vmem>> -> memref<1x128xi32, #tpu.memory_space<vmem>>
    %dma_wait3A_446 = tpu.memref_squeeze %dma_wait3A_445 : memref<1x128xi32, #tpu.memory_space<vmem>> -> memref<128xi32, #tpu.memory_space<vmem>>
    %dma_wait3A_447 = arith.constant 0 : i32
    %dma_wait3A_448 = arith.constant 0 : i32
    %dma_wait3A_449 = tpu.memref_slice %arg2[%dma_wait3A_447, %dma_wait3A_448] : memref<262144x16xi32, #tpu.memory_space<hbm>> -> memref<262144x16xi32, #tpu.memory_space<hbm>>
    tpu.wait_indirect_dma semaphore(%arg20 : memref<!tpu.dma_semaphore, #tpu.memory_space<semaphore_mem>>) src(%dma_wait3A_449 : memref<262144x16xi32, #tpu.memory_space<hbm>>) dst(%dma_wait3A_443 : memref<128x16xi32, #tpu.memory_space<vmem>>)
    %dma_start3A_450 = arith.constant 10 : i32
    %dma_start3A_451 = arith.constant 0 : i32
    %dma_start3A_452 = arith.constant 0 : i32
    %dma_start3A_453 = tpu.memref_slice %arg8[%dma_start3A_450, %dma_start3A_451, %dma_start3A_452] : memref<12x128x16xi32, #tpu.memory_space<vmem>> -> memref<1x128x16xi32, #tpu.memory_space<vmem>>
    %dma_start3A_454 = tpu.memref_squeeze %dma_start3A_453 : memref<1x128x16xi32, #tpu.memory_space<vmem>> -> memref<128x16xi32, #tpu.memory_space<vmem>>
    %dma_start3A_455 = arith.constant 0 : i32
    %dma_start3A_456 = arith.constant 0 : i32
    %dma_start3A_457 = tpu.memref_slice %arg9[%dma_start3A_455, %dma_start3A_456] : memref<2048x16xi32, #tpu.memory_space<vmem_shared>> -> memref<2048x16xi32, #tpu.memory_space<vmem_shared>>
    tpu.enqueue_indirect_dma source(%dma_start3A_454 : memref<128x16xi32, #tpu.memory_space<vmem>>) target(%dma_start3A_457 : memref<2048x16xi32, #tpu.memory_space<vmem_shared>>) offsets(%arg7 : memref<128xi32, #tpu.memory_space<vmem>>) semaphore(%arg32 : memref<!tpu.dma_semaphore, #tpu.memory_space<semaphore_mem>>) {add = true}
    %dma_wait3A_458 = arith.constant 167 : i32
    %dma_wait3A_459 = arith.constant 11 : i32
    %dma_wait3A_460 = arith.constant 0 : i32
    %dma_wait3A_461 = arith.constant 0 : i32
    %dma_wait3A_462 = tpu.memref_slice %arg8[%dma_wait3A_459, %dma_wait3A_460, %dma_wait3A_461] : memref<12x128x16xi32, #tpu.memory_space<vmem>> -> memref<1x128x16xi32, #tpu.memory_space<vmem>>
    %dma_wait3A_463 = tpu.memref_squeeze %dma_wait3A_462 : memref<1x128x16xi32, #tpu.memory_space<vmem>> -> memref<128x16xi32, #tpu.memory_space<vmem>>
    %dma_wait3A_464 = arith.constant 0 : i32
    %dma_wait3A_465 = tpu.memref_slice %arg6[%dma_wait3A_458, %dma_wait3A_464] : memref<169x128xi32, #tpu.memory_space<vmem>> -> memref<1x128xi32, #tpu.memory_space<vmem>>
    %dma_wait3A_466 = tpu.memref_squeeze %dma_wait3A_465 : memref<1x128xi32, #tpu.memory_space<vmem>> -> memref<128xi32, #tpu.memory_space<vmem>>
    %dma_wait3A_467 = arith.constant 0 : i32
    %dma_wait3A_468 = arith.constant 0 : i32
    %dma_wait3A_469 = tpu.memref_slice %arg2[%dma_wait3A_467, %dma_wait3A_468] : memref<262144x16xi32, #tpu.memory_space<hbm>> -> memref<262144x16xi32, #tpu.memory_space<hbm>>
    tpu.wait_indirect_dma semaphore(%arg21 : memref<!tpu.dma_semaphore, #tpu.memory_space<semaphore_mem>>) src(%dma_wait3A_469 : memref<262144x16xi32, #tpu.memory_space<hbm>>) dst(%dma_wait3A_463 : memref<128x16xi32, #tpu.memory_space<vmem>>)
    %dma_start3A_470 = arith.constant 11 : i32
    %dma_start3A_471 = arith.constant 0 : i32
    %dma_start3A_472 = arith.constant 0 : i32
    %dma_start3A_473 = tpu.memref_slice %arg8[%dma_start3A_470, %dma_start3A_471, %dma_start3A_472] : memref<12x128x16xi32, #tpu.memory_space<vmem>> -> memref<1x128x16xi32, #tpu.memory_space<vmem>>
    %dma_start3A_474 = tpu.memref_squeeze %dma_start3A_473 : memref<1x128x16xi32, #tpu.memory_space<vmem>> -> memref<128x16xi32, #tpu.memory_space<vmem>>
    %dma_start3A_475 = arith.constant 0 : i32
    %dma_start3A_476 = arith.constant 0 : i32
    %dma_start3A_477 = tpu.memref_slice %arg9[%dma_start3A_475, %dma_start3A_476] : memref<2048x16xi32, #tpu.memory_space<vmem_shared>> -> memref<2048x16xi32, #tpu.memory_space<vmem_shared>>
    tpu.enqueue_indirect_dma source(%dma_start3A_474 : memref<128x16xi32, #tpu.memory_space<vmem>>) target(%dma_start3A_477 : memref<2048x16xi32, #tpu.memory_space<vmem_shared>>) offsets(%arg7 : memref<128xi32, #tpu.memory_space<vmem>>) semaphore(%arg33 : memref<!tpu.dma_semaphore, #tpu.memory_space<semaphore_mem>>) {add = true}
    %dma_wait3A_478 = arith.constant 0 : i32
    %dma_wait3A_479 = arith.constant 0 : i32
    %dma_wait3A_480 = arith.constant 0 : i32
    %dma_wait3A_481 = tpu.memref_slice %arg8[%dma_wait3A_478, %dma_wait3A_479, %dma_wait3A_480] : memref<12x128x16xi32, #tpu.memory_space<vmem>> -> memref<1x128x16xi32, #tpu.memory_space<vmem>>
    %dma_wait3A_482 = tpu.memref_squeeze %dma_wait3A_481 : memref<1x128x16xi32, #tpu.memory_space<vmem>> -> memref<128x16xi32, #tpu.memory_space<vmem>>
    %dma_wait3A_483 = arith.constant 0 : i32
    %dma_wait3A_484 = arith.constant 0 : i32
    %dma_wait3A_485 = tpu.memref_slice %arg9[%dma_wait3A_483, %dma_wait3A_484] : memref<2048x16xi32, #tpu.memory_space<vmem_shared>> -> memref<2048x16xi32, #tpu.memory_space<vmem_shared>>
    tpu.wait_indirect_dma semaphore(%arg22 : memref<!tpu.dma_semaphore, #tpu.memory_space<semaphore_mem>>) src(%dma_wait3A_482 : memref<128x16xi32, #tpu.memory_space<vmem>>) dst(%dma_wait3A_485 : memref<2048x16xi32, #tpu.memory_space<vmem_shared>>)
    %dma_start3A_486 = arith.constant 168 : i32
    %dma_start3A_487 = arith.constant 0 : i32
    %dma_start3A_488 = arith.constant 0 : i32
    %dma_start3A_489 = arith.constant 0 : i32
    %dma_start3A_490 = tpu.memref_slice %arg8[%dma_start3A_487, %dma_start3A_488, %dma_start3A_489] : memref<12x128x16xi32, #tpu.memory_space<vmem>> -> memref<1x128x16xi32, #tpu.memory_space<vmem>>
    %dma_start3A_491 = tpu.memref_squeeze %dma_start3A_490 : memref<1x128x16xi32, #tpu.memory_space<vmem>> -> memref<128x16xi32, #tpu.memory_space<vmem>>
    %dma_start3A_492 = arith.constant 0 : i32
    %dma_start3A_493 = tpu.memref_slice %arg6[%dma_start3A_486, %dma_start3A_492] : memref<169x128xi32, #tpu.memory_space<vmem>> -> memref<1x128xi32, #tpu.memory_space<vmem>>
    %dma_start3A_494 = tpu.memref_squeeze %dma_start3A_493 : memref<1x128xi32, #tpu.memory_space<vmem>> -> memref<128xi32, #tpu.memory_space<vmem>>
    %dma_start3A_495 = arith.constant 0 : i32
    %dma_start3A_496 = arith.constant 0 : i32
    %dma_start3A_497 = tpu.memref_slice %arg2[%dma_start3A_495, %dma_start3A_496] : memref<262144x16xi32, #tpu.memory_space<hbm>> -> memref<262144x16xi32, #tpu.memory_space<hbm>>
    tpu.enqueue_indirect_dma source(%dma_start3A_497 : memref<262144x16xi32, #tpu.memory_space<hbm>>) target(%dma_start3A_491 : memref<128x16xi32, #tpu.memory_space<vmem>>) offsets(%dma_start3A_494 : memref<128xi32, #tpu.memory_space<vmem>>) semaphore(%arg10 : memref<!tpu.dma_semaphore, #tpu.memory_space<semaphore_mem>>)
    %dma_wait3A_498 = arith.constant 1 : i32
    %dma_wait3A_499 = arith.constant 0 : i32
    %dma_wait3A_500 = arith.constant 0 : i32
    %dma_wait3A_501 = tpu.memref_slice %arg8[%dma_wait3A_498, %dma_wait3A_499, %dma_wait3A_500] : memref<12x128x16xi32, #tpu.memory_space<vmem>> -> memref<1x128x16xi32, #tpu.memory_space<vmem>>
    %dma_wait3A_502 = tpu.memref_squeeze %dma_wait3A_501 : memref<1x128x16xi32, #tpu.memory_space<vmem>> -> memref<128x16xi32, #tpu.memory_space<vmem>>
    %dma_wait3A_503 = arith.constant 0 : i32
    %dma_wait3A_504 = arith.constant 0 : i32
    %dma_wait3A_505 = tpu.memref_slice %arg9[%dma_wait3A_503, %dma_wait3A_504] : memref<2048x16xi32, #tpu.memory_space<vmem_shared>> -> memref<2048x16xi32, #tpu.memory_space<vmem_shared>>
    tpu.wait_indirect_dma semaphore(%arg23 : memref<!tpu.dma_semaphore, #tpu.memory_space<semaphore_mem>>) src(%dma_wait3A_502 : memref<128x16xi32, #tpu.memory_space<vmem>>) dst(%dma_wait3A_505 : memref<2048x16xi32, #tpu.memory_space<vmem_shared>>)
    %dma_wait3A_506 = arith.constant 2 : i32
    %dma_wait3A_507 = arith.constant 0 : i32
    %dma_wait3A_508 = arith.constant 0 : i32
    %dma_wait3A_509 = tpu.memref_slice %arg8[%dma_wait3A_506, %dma_wait3A_507, %dma_wait3A_508] : memref<12x128x16xi32, #tpu.memory_space<vmem>> -> memref<1x128x16xi32, #tpu.memory_space<vmem>>
    %dma_wait3A_510 = tpu.memref_squeeze %dma_wait3A_509 : memref<1x128x16xi32, #tpu.memory_space<vmem>> -> memref<128x16xi32, #tpu.memory_space<vmem>>
    %dma_wait3A_511 = arith.constant 0 : i32
    %dma_wait3A_512 = arith.constant 0 : i32
    %dma_wait3A_513 = tpu.memref_slice %arg9[%dma_wait3A_511, %dma_wait3A_512] : memref<2048x16xi32, #tpu.memory_space<vmem_shared>> -> memref<2048x16xi32, #tpu.memory_space<vmem_shared>>
    tpu.wait_indirect_dma semaphore(%arg24 : memref<!tpu.dma_semaphore, #tpu.memory_space<semaphore_mem>>) src(%dma_wait3A_510 : memref<128x16xi32, #tpu.memory_space<vmem>>) dst(%dma_wait3A_513 : memref<2048x16xi32, #tpu.memory_space<vmem_shared>>)
    %dma_wait3A_514 = arith.constant 3 : i32
    %dma_wait3A_515 = arith.constant 0 : i32
    %dma_wait3A_516 = arith.constant 0 : i32
    %dma_wait3A_517 = tpu.memref_slice %arg8[%dma_wait3A_514, %dma_wait3A_515, %dma_wait3A_516] : memref<12x128x16xi32, #tpu.memory_space<vmem>> -> memref<1x128x16xi32, #tpu.memory_space<vmem>>
    %dma_wait3A_518 = tpu.memref_squeeze %dma_wait3A_517 : memref<1x128x16xi32, #tpu.memory_space<vmem>> -> memref<128x16xi32, #tpu.memory_space<vmem>>
    %dma_wait3A_519 = arith.constant 0 : i32
    %dma_wait3A_520 = arith.constant 0 : i32
    %dma_wait3A_521 = tpu.memref_slice %arg9[%dma_wait3A_519, %dma_wait3A_520] : memref<2048x16xi32, #tpu.memory_space<vmem_shared>> -> memref<2048x16xi32, #tpu.memory_space<vmem_shared>>
    tpu.wait_indirect_dma semaphore(%arg25 : memref<!tpu.dma_semaphore, #tpu.memory_space<semaphore_mem>>) src(%dma_wait3A_518 : memref<128x16xi32, #tpu.memory_space<vmem>>) dst(%dma_wait3A_521 : memref<2048x16xi32, #tpu.memory_space<vmem_shared>>)
    %dma_wait3A_522 = arith.constant 4 : i32
    %dma_wait3A_523 = arith.constant 0 : i32
    %dma_wait3A_524 = arith.constant 0 : i32
    %dma_wait3A_525 = tpu.memref_slice %arg8[%dma_wait3A_522, %dma_wait3A_523, %dma_wait3A_524] : memref<12x128x16xi32, #tpu.memory_space<vmem>> -> memref<1x128x16xi32, #tpu.memory_space<vmem>>
    %dma_wait3A_526 = tpu.memref_squeeze %dma_wait3A_525 : memref<1x128x16xi32, #tpu.memory_space<vmem>> -> memref<128x16xi32, #tpu.memory_space<vmem>>
    %dma_wait3A_527 = arith.constant 0 : i32
    %dma_wait3A_528 = arith.constant 0 : i32
    %dma_wait3A_529 = tpu.memref_slice %arg9[%dma_wait3A_527, %dma_wait3A_528] : memref<2048x16xi32, #tpu.memory_space<vmem_shared>> -> memref<2048x16xi32, #tpu.memory_space<vmem_shared>>
    tpu.wait_indirect_dma semaphore(%arg26 : memref<!tpu.dma_semaphore, #tpu.memory_space<semaphore_mem>>) src(%dma_wait3A_526 : memref<128x16xi32, #tpu.memory_space<vmem>>) dst(%dma_wait3A_529 : memref<2048x16xi32, #tpu.memory_space<vmem_shared>>)
    %dma_wait3A_530 = arith.constant 5 : i32
    %dma_wait3A_531 = arith.constant 0 : i32
    %dma_wait3A_532 = arith.constant 0 : i32
    %dma_wait3A_533 = tpu.memref_slice %arg8[%dma_wait3A_530, %dma_wait3A_531, %dma_wait3A_532] : memref<12x128x16xi32, #tpu.memory_space<vmem>> -> memref<1x128x16xi32, #tpu.memory_space<vmem>>
    %dma_wait3A_534 = tpu.memref_squeeze %dma_wait3A_533 : memref<1x128x16xi32, #tpu.memory_space<vmem>> -> memref<128x16xi32, #tpu.memory_space<vmem>>
    %dma_wait3A_535 = arith.constant 0 : i32
    %dma_wait3A_536 = arith.constant 0 : i32
    %dma_wait3A_537 = tpu.memref_slice %arg9[%dma_wait3A_535, %dma_wait3A_536] : memref<2048x16xi32, #tpu.memory_space<vmem_shared>> -> memref<2048x16xi32, #tpu.memory_space<vmem_shared>>
    tpu.wait_indirect_dma semaphore(%arg27 : memref<!tpu.dma_semaphore, #tpu.memory_space<semaphore_mem>>) src(%dma_wait3A_534 : memref<128x16xi32, #tpu.memory_space<vmem>>) dst(%dma_wait3A_537 : memref<2048x16xi32, #tpu.memory_space<vmem_shared>>)
    %dma_wait3A_538 = arith.constant 6 : i32
    %dma_wait3A_539 = arith.constant 0 : i32
    %dma_wait3A_540 = arith.constant 0 : i32
    %dma_wait3A_541 = tpu.memref_slice %arg8[%dma_wait3A_538, %dma_wait3A_539, %dma_wait3A_540] : memref<12x128x16xi32, #tpu.memory_space<vmem>> -> memref<1x128x16xi32, #tpu.memory_space<vmem>>
    %dma_wait3A_542 = tpu.memref_squeeze %dma_wait3A_541 : memref<1x128x16xi32, #tpu.memory_space<vmem>> -> memref<128x16xi32, #tpu.memory_space<vmem>>
    %dma_wait3A_543 = arith.constant 0 : i32
    %dma_wait3A_544 = arith.constant 0 : i32
    %dma_wait3A_545 = tpu.memref_slice %arg9[%dma_wait3A_543, %dma_wait3A_544] : memref<2048x16xi32, #tpu.memory_space<vmem_shared>> -> memref<2048x16xi32, #tpu.memory_space<vmem_shared>>
    tpu.wait_indirect_dma semaphore(%arg28 : memref<!tpu.dma_semaphore, #tpu.memory_space<semaphore_mem>>) src(%dma_wait3A_542 : memref<128x16xi32, #tpu.memory_space<vmem>>) dst(%dma_wait3A_545 : memref<2048x16xi32, #tpu.memory_space<vmem_shared>>)
    %dma_wait3A_546 = arith.constant 7 : i32
    %dma_wait3A_547 = arith.constant 0 : i32
    %dma_wait3A_548 = arith.constant 0 : i32
    %dma_wait3A_549 = tpu.memref_slice %arg8[%dma_wait3A_546, %dma_wait3A_547, %dma_wait3A_548] : memref<12x128x16xi32, #tpu.memory_space<vmem>> -> memref<1x128x16xi32, #tpu.memory_space<vmem>>
    %dma_wait3A_550 = tpu.memref_squeeze %dma_wait3A_549 : memref<1x128x16xi32, #tpu.memory_space<vmem>> -> memref<128x16xi32, #tpu.memory_space<vmem>>
    %dma_wait3A_551 = arith.constant 0 : i32
    %dma_wait3A_552 = arith.constant 0 : i32
    %dma_wait3A_553 = tpu.memref_slice %arg9[%dma_wait3A_551, %dma_wait3A_552] : memref<2048x16xi32, #tpu.memory_space<vmem_shared>> -> memref<2048x16xi32, #tpu.memory_space<vmem_shared>>
    tpu.wait_indirect_dma semaphore(%arg29 : memref<!tpu.dma_semaphore, #tpu.memory_space<semaphore_mem>>) src(%dma_wait3A_550 : memref<128x16xi32, #tpu.memory_space<vmem>>) dst(%dma_wait3A_553 : memref<2048x16xi32, #tpu.memory_space<vmem_shared>>)
    %dma_wait3A_554 = arith.constant 8 : i32
    %dma_wait3A_555 = arith.constant 0 : i32
    %dma_wait3A_556 = arith.constant 0 : i32
    %dma_wait3A_557 = tpu.memref_slice %arg8[%dma_wait3A_554, %dma_wait3A_555, %dma_wait3A_556] : memref<12x128x16xi32, #tpu.memory_space<vmem>> -> memref<1x128x16xi32, #tpu.memory_space<vmem>>
    %dma_wait3A_558 = tpu.memref_squeeze %dma_wait3A_557 : memref<1x128x16xi32, #tpu.memory_space<vmem>> -> memref<128x16xi32, #tpu.memory_space<vmem>>
    %dma_wait3A_559 = arith.constant 0 : i32
    %dma_wait3A_560 = arith.constant 0 : i32
    %dma_wait3A_561 = tpu.memref_slice %arg9[%dma_wait3A_559, %dma_wait3A_560] : memref<2048x16xi32, #tpu.memory_space<vmem_shared>> -> memref<2048x16xi32, #tpu.memory_space<vmem_shared>>
    tpu.wait_indirect_dma semaphore(%arg30 : memref<!tpu.dma_semaphore, #tpu.memory_space<semaphore_mem>>) src(%dma_wait3A_558 : memref<128x16xi32, #tpu.memory_space<vmem>>) dst(%dma_wait3A_561 : memref<2048x16xi32, #tpu.memory_space<vmem_shared>>)
    %dma_wait3A_562 = arith.constant 9 : i32
    %dma_wait3A_563 = arith.constant 0 : i32
    %dma_wait3A_564 = arith.constant 0 : i32
    %dma_wait3A_565 = tpu.memref_slice %arg8[%dma_wait3A_562, %dma_wait3A_563, %dma_wait3A_564] : memref<12x128x16xi32, #tpu.memory_space<vmem>> -> memref<1x128x16xi32, #tpu.memory_space<vmem>>
    %dma_wait3A_566 = tpu.memref_squeeze %dma_wait3A_565 : memref<1x128x16xi32, #tpu.memory_space<vmem>> -> memref<128x16xi32, #tpu.memory_space<vmem>>
    %dma_wait3A_567 = arith.constant 0 : i32
    %dma_wait3A_568 = arith.constant 0 : i32
    %dma_wait3A_569 = tpu.memref_slice %arg9[%dma_wait3A_567, %dma_wait3A_568] : memref<2048x16xi32, #tpu.memory_space<vmem_shared>> -> memref<2048x16xi32, #tpu.memory_space<vmem_shared>>
    tpu.wait_indirect_dma semaphore(%arg31 : memref<!tpu.dma_semaphore, #tpu.memory_space<semaphore_mem>>) src(%dma_wait3A_566 : memref<128x16xi32, #tpu.memory_space<vmem>>) dst(%dma_wait3A_569 : memref<2048x16xi32, #tpu.memory_space<vmem_shared>>)
    %dma_wait3A_570 = arith.constant 10 : i32
    %dma_wait3A_571 = arith.constant 0 : i32
    %dma_wait3A_572 = arith.constant 0 : i32
    %dma_wait3A_573 = tpu.memref_slice %arg8[%dma_wait3A_570, %dma_wait3A_571, %dma_wait3A_572] : memref<12x128x16xi32, #tpu.memory_space<vmem>> -> memref<1x128x16xi32, #tpu.memory_space<vmem>>
    %dma_wait3A_574 = tpu.memref_squeeze %dma_wait3A_573 : memref<1x128x16xi32, #tpu.memory_space<vmem>> -> memref<128x16xi32, #tpu.memory_space<vmem>>
    %dma_wait3A_575 = arith.constant 0 : i32
    %dma_wait3A_576 = arith.constant 0 : i32
    %dma_wait3A_577 = tpu.memref_slice %arg9[%dma_wait3A_575, %dma_wait3A_576] : memref<2048x16xi32, #tpu.memory_space<vmem_shared>> -> memref<2048x16xi32, #tpu.memory_space<vmem_shared>>
    tpu.wait_indirect_dma semaphore(%arg32 : memref<!tpu.dma_semaphore, #tpu.memory_space<semaphore_mem>>) src(%dma_wait3A_574 : memref<128x16xi32, #tpu.memory_space<vmem>>) dst(%dma_wait3A_577 : memref<2048x16xi32, #tpu.memory_space<vmem_shared>>)
    %dma_wait3A_578 = arith.constant 11 : i32
    %dma_wait3A_579 = arith.constant 0 : i32
    %dma_wait3A_580 = arith.constant 0 : i32
    %dma_wait3A_581 = tpu.memref_slice %arg8[%dma_wait3A_578, %dma_wait3A_579, %dma_wait3A_580] : memref<12x128x16xi32, #tpu.memory_space<vmem>> -> memref<1x128x16xi32, #tpu.memory_space<vmem>>
    %dma_wait3A_582 = tpu.memref_squeeze %dma_wait3A_581 : memref<1x128x16xi32, #tpu.memory_space<vmem>> -> memref<128x16xi32, #tpu.memory_space<vmem>>
    %dma_wait3A_583 = arith.constant 0 : i32
    %dma_wait3A_584 = arith.constant 0 : i32
    %dma_wait3A_585 = tpu.memref_slice %arg9[%dma_wait3A_583, %dma_wait3A_584] : memref<2048x16xi32, #tpu.memory_space<vmem_shared>> -> memref<2048x16xi32, #tpu.memory_space<vmem_shared>>
    tpu.wait_indirect_dma semaphore(%arg33 : memref<!tpu.dma_semaphore, #tpu.memory_space<semaphore_mem>>) src(%dma_wait3A_582 : memref<128x16xi32, #tpu.memory_space<vmem>>) dst(%dma_wait3A_585 : memref<2048x16xi32, #tpu.memory_space<vmem_shared>>)
    %dma_wait3A_586 = arith.constant 168 : i32
    %dma_wait3A_587 = arith.constant 0 : i32
    %dma_wait3A_588 = arith.constant 0 : i32
    %dma_wait3A_589 = arith.constant 0 : i32
    %dma_wait3A_590 = tpu.memref_slice %arg8[%dma_wait3A_587, %dma_wait3A_588, %dma_wait3A_589] : memref<12x128x16xi32, #tpu.memory_space<vmem>> -> memref<1x128x16xi32, #tpu.memory_space<vmem>>
    %dma_wait3A_591 = tpu.memref_squeeze %dma_wait3A_590 : memref<1x128x16xi32, #tpu.memory_space<vmem>> -> memref<128x16xi32, #tpu.memory_space<vmem>>
    %dma_wait3A_592 = arith.constant 0 : i32
    %dma_wait3A_593 = tpu.memref_slice %arg6[%dma_wait3A_586, %dma_wait3A_592] : memref<169x128xi32, #tpu.memory_space<vmem>> -> memref<1x128xi32, #tpu.memory_space<vmem>>
    %dma_wait3A_594 = tpu.memref_squeeze %dma_wait3A_593 : memref<1x128xi32, #tpu.memory_space<vmem>> -> memref<128xi32, #tpu.memory_space<vmem>>
    %dma_wait3A_595 = arith.constant 0 : i32
    %dma_wait3A_596 = arith.constant 0 : i32
    %dma_wait3A_597 = tpu.memref_slice %arg2[%dma_wait3A_595, %dma_wait3A_596] : memref<262144x16xi32, #tpu.memory_space<hbm>> -> memref<262144x16xi32, #tpu.memory_space<hbm>>
    tpu.wait_indirect_dma semaphore(%arg10 : memref<!tpu.dma_semaphore, #tpu.memory_space<semaphore_mem>>) src(%dma_wait3A_597 : memref<262144x16xi32, #tpu.memory_space<hbm>>) dst(%dma_wait3A_591 : memref<128x16xi32, #tpu.memory_space<vmem>>)
    %dma_start3A_598 = arith.constant 0 : i32
    %dma_start3A_599 = arith.constant 0 : i32
    %dma_start3A_600 = arith.constant 0 : i32
    %dma_start3A_601 = tpu.memref_slice %arg8[%dma_start3A_598, %dma_start3A_599, %dma_start3A_600] : memref<12x128x16xi32, #tpu.memory_space<vmem>> -> memref<1x128x16xi32, #tpu.memory_space<vmem>>
    %dma_start3A_602 = tpu.memref_squeeze %dma_start3A_601 : memref<1x128x16xi32, #tpu.memory_space<vmem>> -> memref<128x16xi32, #tpu.memory_space<vmem>>
    %dma_start3A_603 = arith.constant 0 : i32
    %dma_start3A_604 = arith.constant 0 : i32
    %dma_start3A_605 = tpu.memref_slice %arg9[%dma_start3A_603, %dma_start3A_604] : memref<2048x16xi32, #tpu.memory_space<vmem_shared>> -> memref<2048x16xi32, #tpu.memory_space<vmem_shared>>
    tpu.enqueue_indirect_dma source(%dma_start3A_602 : memref<128x16xi32, #tpu.memory_space<vmem>>) target(%dma_start3A_605 : memref<2048x16xi32, #tpu.memory_space<vmem_shared>>) offsets(%arg7 : memref<128xi32, #tpu.memory_space<vmem>>) semaphore(%arg22 : memref<!tpu.dma_semaphore, #tpu.memory_space<semaphore_mem>>) {add = true}
    %dma_wait3A_606 = arith.constant 0 : i32
    %dma_wait3A_607 = arith.constant 0 : i32
    %dma_wait3A_608 = arith.constant 0 : i32
    %dma_wait3A_609 = tpu.memref_slice %arg8[%dma_wait3A_606, %dma_wait3A_607, %dma_wait3A_608] : memref<12x128x16xi32, #tpu.memory_space<vmem>> -> memref<1x128x16xi32, #tpu.memory_space<vmem>>
    %dma_wait3A_610 = tpu.memref_squeeze %dma_wait3A_609 : memref<1x128x16xi32, #tpu.memory_space<vmem>> -> memref<128x16xi32, #tpu.memory_space<vmem>>
    %dma_wait3A_611 = arith.constant 0 : i32
    %dma_wait3A_612 = arith.constant 0 : i32
    %dma_wait3A_613 = tpu.memref_slice %arg9[%dma_wait3A_611, %dma_wait3A_612] : memref<2048x16xi32, #tpu.memory_space<vmem_shared>> -> memref<2048x16xi32, #tpu.memory_space<vmem_shared>>
    tpu.wait_indirect_dma semaphore(%arg22 : memref<!tpu.dma_semaphore, #tpu.memory_space<semaphore_mem>>) src(%dma_wait3A_610 : memref<128x16xi32, #tpu.memory_space<vmem>>) dst(%dma_wait3A_613 : memref<2048x16xi32, #tpu.memory_space<vmem_shared>>)
    %mul3A_614 = arith.constant 128 : i32
    %mul3A_615 = arith.muli %arg1, %mul3A_614 : i32
    %mul3A_616 = arith.constant 128 : i32
    %mul3A_617 = arith.muli %add3A, %mul3A_616 : i32
    "tpu.region"() ({
      %run_scoped3A = tpu.sem_alloc : memref<!tpu.dma_semaphore, #tpu.memory_space<semaphore_mem>>
      %dma_start3A_618 = arith.constant 0 : i32
      %dma_start3A_619 = tpu.memref_slice %arg5[%mul3A_617, %dma_start3A_618] : memref<4096x16xi32, #tpu.memory_space<hbm>> -> memref<128x16xi32, #tpu.memory_space<hbm>>
      %dma_start3A_620 = arith.constant 0 : i32
      %dma_start3A_621 = tpu.memref_slice %arg9[%mul3A_615, %dma_start3A_620] : memref<2048x16xi32, #tpu.memory_space<vmem_shared>> -> memref<128x16xi32, #tpu.memory_space<vmem_shared>>
      tpu.enqueue_dma source(%dma_start3A_621 : memref<128x16xi32, #tpu.memory_space<vmem_shared>>) target(%dma_start3A_619 : memref<128x16xi32, #tpu.memory_space<hbm>>) target_semaphore(%run_scoped3A : memref<!tpu.dma_semaphore, #tpu.memory_space<semaphore_mem>>)
      %dma_wait3A_622 = arith.constant 0 : i32
      %dma_wait3A_623 = tpu.memref_slice %arg5[%mul3A_617, %dma_wait3A_622] : memref<4096x16xi32, #tpu.memory_space<hbm>> -> memref<128x16xi32, #tpu.memory_space<hbm>>
      %dma_wait3A_624 = arith.constant 0 : i32
      %dma_wait3A_625 = tpu.memref_slice %arg9[%mul3A_615, %dma_wait3A_624] : memref<2048x16xi32, #tpu.memory_space<vmem_shared>> -> memref<128x16xi32, #tpu.memory_space<vmem_shared>>
      tpu.wait_dma2 semaphore(%run_scoped3A : memref<!tpu.dma_semaphore, #tpu.memory_space<semaphore_mem>>) src(%dma_wait3A_625 : memref<128x16xi32, #tpu.memory_space<vmem_shared>>) dst(%dma_wait3A_623 : memref<128x16xi32, #tpu.memory_space<hbm>>)
      tpu.yield
    }) : () -> ()
    return
  }
}

module attributes {stable_mosaic.version = 14 : i64} {
  func.func @_quant_body(%arg0: i32, %arg1: memref<2048x256xf32, #tpu.memory_space<vmem>>, %arg2: memref<2048x128xi32, #tpu.memory_space<vmem>>) attributes {dimension_semantics = [#tpu.dimension_semantics<arbitrary>], iteration_bounds = array<i64: 16>, scalar_prefetch = 0 : i64, scratch_operands = 0 : i64, tpu.core_type = #tpu.core_type<tc>, window_params = [{transform_indices = @transform_0, window_bounds = array<i64: 2048, 256>}, {transform_indices = @transform_1, window_bounds = array<i64: 2048, 128>}]} {
    %get3A = arith.constant 0 : index
    %get3A_0 = arith.constant 0 : index
    %get3A_1 = vector.load %arg1[%get3A, %get3A_0] : memref<2048x256xf32, #tpu.memory_space<vmem>>, vector<2048x256xf32>
    %jit3A = arith.constant -1.000000e+00 : f32
    %jit3A_2 = arith.constant 0.9921875 : f32
    %max3A = vector.broadcast %jit3A : f32 to vector<2048x256xf32>
    %max3A_3 = arith.maximumf %max3A, %get3A_1 : vector<2048x256xf32>
    %min3A = vector.broadcast %jit3A_2 : f32 to vector<2048x256xf32>
    %min3A_4 = arith.minimumf %min3A, %max3A_3 : vector<2048x256xf32>
    %mul3A = arith.constant 1.280000e+02 : f32
    %mul3A_5 = vector.broadcast %mul3A : f32 to vector<2048x256xf32>
    %mul3A_6 = arith.mulf %min3A_4, %mul3A_5 : vector<2048x256xf32>
    %round3A = math.roundeven %mul3A_6 : vector<2048x256xf32>
    %convert_element_type3A = arith.fptosi %round3A : vector<2048x256xf32> to vector<2048x256xi32>
    %add3A = arith.constant 128 : i32
    %add3A_7 = vector.broadcast %add3A : i32 to vector<2048x256xi32>
    %add3A_8 = arith.addi %convert_element_type3A, %add3A_7 : vector<2048x256xi32>
    %slice3A = vector.extract_strided_slice %add3A_8 {offsets = [0, 0], sizes = [2048, 16], strides = [1, 1]} : vector<2048x256xi32> to vector<2048x16xi32>
    %slice3A_9 = vector.extract_strided_slice %add3A_8 {offsets = [0, 32], sizes = [2048, 16], strides = [1, 1]} : vector<2048x256xi32> to vector<2048x16xi32>
    %slice3A_10 = vector.extract_strided_slice %add3A_8 {offsets = [0, 64], sizes = [2048, 16], strides = [1, 1]} : vector<2048x256xi32> to vector<2048x16xi32>
    %slice3A_11 = vector.extract_strided_slice %add3A_8 {offsets = [0, 96], sizes = [2048, 16], strides = [1, 1]} : vector<2048x256xi32> to vector<2048x16xi32>
    %slice3A_12 = vector.extract_strided_slice %add3A_8 {offsets = [0, 128], sizes = [2048, 16], strides = [1, 1]} : vector<2048x256xi32> to vector<2048x16xi32>
    %slice3A_13 = vector.extract_strided_slice %add3A_8 {offsets = [0, 160], sizes = [2048, 16], strides = [1, 1]} : vector<2048x256xi32> to vector<2048x16xi32>
    %slice3A_14 = vector.extract_strided_slice %add3A_8 {offsets = [0, 192], sizes = [2048, 16], strides = [1, 1]} : vector<2048x256xi32> to vector<2048x16xi32>
    %slice3A_15 = vector.extract_strided_slice %add3A_8 {offsets = [0, 224], sizes = [2048, 16], strides = [1, 1]} : vector<2048x256xi32> to vector<2048x16xi32>
    %concatenate3A = tpu.concatenate %slice3A, %slice3A_9, %slice3A_10, %slice3A_11, %slice3A_12, %slice3A_13, %slice3A_14, %slice3A_15 in 1 : vector<2048x16xi32>, vector<2048x16xi32>, vector<2048x16xi32>, vector<2048x16xi32>, vector<2048x16xi32>, vector<2048x16xi32>, vector<2048x16xi32>, vector<2048x16xi32> -> vector<2048x128xi32>
    %slice3A_16 = vector.extract_strided_slice %add3A_8 {offsets = [0, 16], sizes = [2048, 16], strides = [1, 1]} : vector<2048x256xi32> to vector<2048x16xi32>
    %slice3A_17 = vector.extract_strided_slice %add3A_8 {offsets = [0, 48], sizes = [2048, 16], strides = [1, 1]} : vector<2048x256xi32> to vector<2048x16xi32>
    %slice3A_18 = vector.extract_strided_slice %add3A_8 {offsets = [0, 80], sizes = [2048, 16], strides = [1, 1]} : vector<2048x256xi32> to vector<2048x16xi32>
    %slice3A_19 = vector.extract_strided_slice %add3A_8 {offsets = [0, 112], sizes = [2048, 16], strides = [1, 1]} : vector<2048x256xi32> to vector<2048x16xi32>
    %slice3A_20 = vector.extract_strided_slice %add3A_8 {offsets = [0, 144], sizes = [2048, 16], strides = [1, 1]} : vector<2048x256xi32> to vector<2048x16xi32>
    %slice3A_21 = vector.extract_strided_slice %add3A_8 {offsets = [0, 176], sizes = [2048, 16], strides = [1, 1]} : vector<2048x256xi32> to vector<2048x16xi32>
    %slice3A_22 = vector.extract_strided_slice %add3A_8 {offsets = [0, 208], sizes = [2048, 16], strides = [1, 1]} : vector<2048x256xi32> to vector<2048x16xi32>
    %slice3A_23 = vector.extract_strided_slice %add3A_8 {offsets = [0, 240], sizes = [2048, 16], strides = [1, 1]} : vector<2048x256xi32> to vector<2048x16xi32>
    %concatenate3A_24 = tpu.concatenate %slice3A_16, %slice3A_17, %slice3A_18, %slice3A_19, %slice3A_20, %slice3A_21, %slice3A_22, %slice3A_23 in 1 : vector<2048x16xi32>, vector<2048x16xi32>, vector<2048x16xi32>, vector<2048x16xi32>, vector<2048x16xi32>, vector<2048x16xi32>, vector<2048x16xi32>, vector<2048x16xi32> -> vector<2048x128xi32>
    %mul3A_25 = arith.constant 65536 : i32
    %mul3A_26 = vector.broadcast %mul3A_25 : i32 to vector<2048x128xi32>
    %mul3A_27 = arith.muli %concatenate3A_24, %mul3A_26 : vector<2048x128xi32>
    %add3A_28 = arith.addi %concatenate3A, %mul3A_27 : vector<2048x128xi32>
    %swap3A = arith.constant 0 : index
    %swap3A_29 = arith.constant 0 : index
    %swap3A_30 = vector.load %arg2[%swap3A, %swap3A_29] : memref<2048x128xi32, #tpu.memory_space<vmem>>, vector<2048x128xi32>
    tpu.vector_store %arg2[%swap3A, %swap3A_29], %add3A_28 {strides = array<i32>} : memref<2048x128xi32, #tpu.memory_space<vmem>>, vector<2048x128xi32>,
    return
  }
  func.func @transform_0(%arg0: i32) -> (i32, i32) {
    %c0_i32 = arith.constant 0 : i32
    %c0_i32_0 = arith.constant 0 : i32
    return %arg0, %c0_i32 : i32, i32
  }
  func.func @transform_1(%arg0: i32) -> (i32, i32) {
    %c0_i32 = arith.constant 0 : i32
    %c0_i32_0 = arith.constant 0 : i32
    return %arg0, %c0_i32 : i32, i32
  }
}

module attributes {stable_mosaic.version = 14 : i64} {
  func.func @_index_body(%arg0: i32, %arg1: memref<450x169xf32, #tpu.memory_space<vmem>>, %arg2: memref<512x450xf32, #tpu.memory_space<vmem>>, %arg3: memref<169x512xi32, #tpu.memory_space<vmem>>) attributes {dimension_semantics = [#tpu.dimension_semantics<arbitrary>], iteration_bounds = array<i64: 8>, scalar_prefetch = 0 : i64, scratch_operands = 0 : i64, tpu.core_type = #tpu.core_type<tc>, window_params = [{pipeline_mode = #tpu.pipeline_mode<synchronous>, transform_indices = @transform_0, window_bounds = array<i64: 450, 169>}, {transform_indices = @transform_1, window_bounds = array<i64: 512, 450>}, {transform_indices = @transform_2, window_bounds = array<i64: 169, 512>}]} {
    %get3A = arith.constant 0 : index
    %get3A_0 = arith.constant 0 : index
    %get3A_1 = vector.load %arg1[%get3A, %get3A_0] : memref<450x169xf32, #tpu.memory_space<vmem>>, vector<450x169xf32>
    %get3A_2 = arith.constant 0 : index
    %get3A_3 = arith.constant 0 : index
    %get3A_4 = vector.load %arg2[%get3A_2, %get3A_3] : memref<512x450xf32, #tpu.memory_space<vmem>>, vector<512x450xf32>
    %dot_general3A = arith.constant dense<0.000000e+00> : vector<169x512xf32>
    %dot_general3A_5 = tpu.matmul %get3A_1, %get3A_4, %dot_general3A {dimension_numbers = #tpu.dot_dimension_numbers<[0], [1], [1], [0], [0, 1, 1, 0], [], []>, transpose_lhs_hint = false} : vector<450x169xf32>, vector<512x450xf32>, vector<169x512xf32> -> vector<169x512xf32>
    %convert_element_type3A = arith.fptosi %dot_general3A_5 : vector<169x512xf32> to vector<169x512xi32>
    %swap3A = arith.constant 0 : index
    %swap3A_6 = arith.constant 0 : index
    %swap3A_7 = vector.load %arg3[%swap3A, %swap3A_6] : memref<169x512xi32, #tpu.memory_space<vmem>>, vector<169x512xi32>
    tpu.vector_store %arg3[%swap3A, %swap3A_6], %convert_element_type3A {strides = array<i32>} : memref<169x512xi32, #tpu.memory_space<vmem>>, vector<169x512xi32>,
    return
  }
  func.func @transform_0(%arg0: i32) -> (i32, i32) {
    %c0_i32 = arith.constant 0 : i32
    %c0_i32_0 = arith.constant 0 : i32
    %c0_i32_1 = arith.constant 0 : i32
    return %c0_i32, %c0_i32_0 : i32, i32
  }
  func.func @transform_1(%arg0: i32) -> (i32, i32) {
    %c0_i32 = arith.constant 0 : i32
    %c0_i32_0 = arith.constant 0 : i32
    return %arg0, %c0_i32 : i32, i32
  }
  func.func @transform_2(%arg0: i32) -> (i32, i32) {
    %c0_i32 = arith.constant 0 : i32
    %c0_i32_0 = arith.constant 0 : i32
    return %c0_i32, %arg0 : i32, i32
  }
}

module attributes {stable_mosaic.version = 14 : i64} {
  func.func @_mlp_body(%arg0: memref<4096x16xi32, #tpu.memory_space<vmem>>, %arg1: memref<32x32xf32, #tpu.memory_space<vmem>>, %arg2: memref<1x32xf32, #tpu.memory_space<vmem>>, %arg3: memref<32x32xf32, #tpu.memory_space<vmem>>, %arg4: memref<1x32xf32, #tpu.memory_space<vmem>>, %arg5: memref<3x32xf32, #tpu.memory_space<vmem>>, %arg6: memref<1x3xf32, #tpu.memory_space<vmem>>, %arg7: memref<4096x3xf32, #tpu.memory_space<vmem>>) attributes {dimension_semantics = [], scalar_prefetch = 0 : i64, scratch_operands = 0 : i64, tpu.core_type = #tpu.core_type<tc>} {
    %get3A = arith.constant 0 : index
    %get3A_0 = arith.constant 0 : index
    %get3A_1 = vector.load %arg0[%get3A, %get3A_0] : memref<4096x16xi32, #tpu.memory_space<vmem>>, vector<4096x16xi32>
    %and3A = arith.constant 65535 : i32
    %and3A_2 = vector.broadcast %and3A : i32 to vector<4096x16xi32>
    %and3A_3 = arith.andi %get3A_1, %and3A_2 : vector<4096x16xi32>
    %sub3A = arith.constant 21632 : i32
    %sub3A_4 = vector.broadcast %sub3A : i32 to vector<4096x16xi32>
    %sub3A_5 = arith.subi %and3A_3, %sub3A_4 : vector<4096x16xi32>
    %convert_element_type3A = arith.sitofp %sub3A_5 : vector<4096x16xi32> to vector<4096x16xf32>
    %shift_right_logical3A = arith.constant 16 : i32
    %shift_right_logical3A_6 = vector.broadcast %shift_right_logical3A : i32 to vector<4096x16xi32>
    %shift_right_logical3A_7 = arith.shrui %get3A_1, %shift_right_logical3A_6 : vector<4096x16xi32>
    %sub3A_8 = arith.constant 21632 : i32
    %sub3A_9 = vector.broadcast %sub3A_8 : i32 to vector<4096x16xi32>
    %sub3A_10 = arith.subi %shift_right_logical3A_7, %sub3A_9 : vector<4096x16xi32>
    %convert_element_type3A_11 = arith.sitofp %sub3A_10 : vector<4096x16xi32> to vector<4096x16xf32>
    %concatenate3A = tpu.concatenate %convert_element_type3A, %convert_element_type3A_11 in 1 : vector<4096x16xf32>, vector<4096x16xf32> -> vector<4096x32xf32>
    %mul3A = arith.constant 7.812500e-03 : f32
    %mul3A_12 = vector.broadcast %mul3A : f32 to vector<4096x32xf32>
    %mul3A_13 = arith.mulf %concatenate3A, %mul3A_12 : vector<4096x32xf32>
    %jit3A = arith.constant -1.000000e+00 : f32
    %jit3A_14 = arith.constant 0.9921875 : f32
    %max3A = vector.broadcast %jit3A : f32 to vector<4096x32xf32>
    %max3A_15 = arith.maximumf %max3A, %mul3A_13 : vector<4096x32xf32>
    %min3A = vector.broadcast %jit3A_14 : f32 to vector<4096x32xf32>
    %min3A_16 = arith.minimumf %min3A, %max3A_15 : vector<4096x32xf32>
    %get3A_17 = arith.constant 0 : index
    %get3A_18 = arith.constant 0 : index
    %get3A_19 = vector.load %arg1[%get3A_17, %get3A_18] : memref<32x32xf32, #tpu.memory_space<vmem>>, vector<32x32xf32>
    %mul3A_20 = arith.constant 1.280000e+02 : f32
    %mul3A_21 = vector.broadcast %mul3A_20 : f32 to vector<32x32xf32>
    %mul3A_22 = arith.mulf %get3A_19, %mul3A_21 : vector<32x32xf32>
    %round3A = math.roundeven %mul3A_22 : vector<32x32xf32>
    %jit3A_23 = arith.constant -1.280000e+02 : f32
    %jit3A_24 = arith.constant 1.270000e+02 : f32
    %max3A_25 = vector.broadcast %jit3A_23 : f32 to vector<32x32xf32>
    %max3A_26 = arith.maximumf %max3A_25, %round3A : vector<32x32xf32>
    %min3A_27 = vector.broadcast %jit3A_24 : f32 to vector<32x32xf32>
    %min3A_28 = arith.minimumf %min3A_27, %max3A_26 : vector<32x32xf32>
    %mul3A_29 = arith.constant 7.812500e-03 : f32
    %mul3A_30 = vector.broadcast %mul3A_29 : f32 to vector<32x32xf32>
    %mul3A_31 = arith.mulf %min3A_28, %mul3A_30 : vector<32x32xf32>
    %dot_general3A = arith.constant dense<0.000000e+00> : vector<4096x32xf32>
    %dot_general3A_32 = tpu.matmul %min3A_16, %mul3A_31, %dot_general3A {dimension_numbers = #tpu.dot_dimension_numbers<[1], [1], [0], [0], [0, 0, 1, 0], [], []>, transpose_lhs_hint = false} : vector<4096x32xf32>, vector<32x32xf32>, vector<4096x32xf32> -> vector<4096x32xf32>
    %get3A_33 = arith.constant 0 : index
    %get3A_34 = arith.constant 0 : index
    %get3A_35 = vector.load %arg2[%get3A_33, %get3A_34] : memref<1x32xf32, #tpu.memory_space<vmem>>, vector<1x32xf32>
    %mul3A_36 = arith.constant 1.638400e+04 : f32
    %mul3A_37 = vector.broadcast %mul3A_36 : f32 to vector<1x32xf32>
    %mul3A_38 = arith.mulf %get3A_35, %mul3A_37 : vector<1x32xf32>
    %round3A_39 = math.roundeven %mul3A_38 : vector<1x32xf32>
    %mul3A_40 = arith.constant 6.10351563E-5 : f32
    %mul3A_41 = vector.broadcast %mul3A_40 : f32 to vector<1x32xf32>
    %mul3A_42 = arith.mulf %round3A_39, %mul3A_41 : vector<1x32xf32>
    %add3A = vector.broadcast %mul3A_42 : vector<1x32xf32> to vector<4096x32xf32>
    %add3A_43 = arith.addf %dot_general3A_32, %add3A : vector<4096x32xf32>
    %jit3A_44 = arith.constant 0.000000e+00 : f32
    %jit3A_45 = arith.constant 0.9921875 : f32
    %max3A_46 = vector.broadcast %jit3A_44 : f32 to vector<4096x32xf32>
    %max3A_47 = arith.maximumf %max3A_46, %add3A_43 : vector<4096x32xf32>
    %min3A_48 = vector.broadcast %jit3A_45 : f32 to vector<4096x32xf32>
    %min3A_49 = arith.minimumf %min3A_48, %max3A_47 : vector<4096x32xf32>
    %get3A_50 = arith.constant 0 : index
    %get3A_51 = arith.constant 0 : index
    %get3A_52 = vector.load %arg3[%get3A_50, %get3A_51] : memref<32x32xf32, #tpu.memory_space<vmem>>, vector<32x32xf32>
    %mul3A_53 = arith.constant 1.280000e+02 : f32
    %mul3A_54 = vector.broadcast %mul3A_53 : f32 to vector<32x32xf32>
    %mul3A_55 = arith.mulf %get3A_52, %mul3A_54 : vector<32x32xf32>
    %round3A_56 = math.roundeven %mul3A_55 : vector<32x32xf32>
    %jit3A_57 = arith.constant -1.280000e+02 : f32
    %jit3A_58 = arith.constant 1.270000e+02 : f32
    %max3A_59 = vector.broadcast %jit3A_57 : f32 to vector<32x32xf32>
    %max3A_60 = arith.maximumf %max3A_59, %round3A_56 : vector<32x32xf32>
    %min3A_61 = vector.broadcast %jit3A_58 : f32 to vector<32x32xf32>
    %min3A_62 = arith.minimumf %min3A_61, %max3A_60 : vector<32x32xf32>
    %mul3A_63 = arith.constant 7.812500e-03 : f32
    %mul3A_64 = vector.broadcast %mul3A_63 : f32 to vector<32x32xf32>
    %mul3A_65 = arith.mulf %min3A_62, %mul3A_64 : vector<32x32xf32>
    %dot_general3A_66 = arith.constant dense<0.000000e+00> : vector<4096x32xf32>
    %dot_general3A_67 = tpu.matmul %min3A_49, %mul3A_65, %dot_general3A_66 {dimension_numbers = #tpu.dot_dimension_numbers<[1], [1], [0], [0], [0, 0, 1, 0], [], []>, transpose_lhs_hint = false} : vector<4096x32xf32>, vector<32x32xf32>, vector<4096x32xf32> -> vector<4096x32xf32>
    %get3A_68 = arith.constant 0 : index
    %get3A_69 = arith.constant 0 : index
    %get3A_70 = vector.load %arg4[%get3A_68, %get3A_69] : memref<1x32xf32, #tpu.memory_space<vmem>>, vector<1x32xf32>
    %mul3A_71 = arith.constant 1.638400e+04 : f32
    %mul3A_72 = vector.broadcast %mul3A_71 : f32 to vector<1x32xf32>
    %mul3A_73 = arith.mulf %get3A_70, %mul3A_72 : vector<1x32xf32>
    %round3A_74 = math.roundeven %mul3A_73 : vector<1x32xf32>
    %mul3A_75 = arith.constant 6.10351563E-5 : f32
    %mul3A_76 = vector.broadcast %mul3A_75 : f32 to vector<1x32xf32>
    %mul3A_77 = arith.mulf %round3A_74, %mul3A_76 : vector<1x32xf32>
    %add3A_78 = vector.broadcast %mul3A_77 : vector<1x32xf32> to vector<4096x32xf32>
    %add3A_79 = arith.addf %dot_general3A_67, %add3A_78 : vector<4096x32xf32>
    %jit3A_80 = arith.constant 0.000000e+00 : f32
    %jit3A_81 = arith.constant 0.9921875 : f32
    %max3A_82 = vector.broadcast %jit3A_80 : f32 to vector<4096x32xf32>
    %max3A_83 = arith.maximumf %max3A_82, %add3A_79 : vector<4096x32xf32>
    %min3A_84 = vector.broadcast %jit3A_81 : f32 to vector<4096x32xf32>
    %min3A_85 = arith.minimumf %min3A_84, %max3A_83 : vector<4096x32xf32>
    %get3A_86 = arith.constant 0 : index
    %get3A_87 = arith.constant 0 : index
    %get3A_88 = vector.load %arg5[%get3A_86, %get3A_87] : memref<3x32xf32, #tpu.memory_space<vmem>>, vector<3x32xf32>
    %mul3A_89 = arith.constant 1.280000e+02 : f32
    %mul3A_90 = vector.broadcast %mul3A_89 : f32 to vector<3x32xf32>
    %mul3A_91 = arith.mulf %get3A_88, %mul3A_90 : vector<3x32xf32>
    %round3A_92 = math.roundeven %mul3A_91 : vector<3x32xf32>
    %jit3A_93 = arith.constant -1.280000e+02 : f32
    %jit3A_94 = arith.constant 1.270000e+02 : f32
    %max3A_95 = vector.broadcast %jit3A_93 : f32 to vector<3x32xf32>
    %max3A_96 = arith.maximumf %max3A_95, %round3A_92 : vector<3x32xf32>
    %min3A_97 = vector.broadcast %jit3A_94 : f32 to vector<3x32xf32>
    %min3A_98 = arith.minimumf %min3A_97, %max3A_96 : vector<3x32xf32>
    %mul3A_99 = arith.constant 7.812500e-03 : f32
    %mul3A_100 = vector.broadcast %mul3A_99 : f32 to vector<3x32xf32>
    %mul3A_101 = arith.mulf %min3A_98, %mul3A_100 : vector<3x32xf32>
    %dot_general3A_102 = arith.constant dense<0.000000e+00> : vector<4096x3xf32>
    %dot_general3A_103 = tpu.matmul %min3A_85, %mul3A_101, %dot_general3A_102 {dimension_numbers = #tpu.dot_dimension_numbers<[1], [1], [0], [0], [0, 0, 1, 0], [], []>, transpose_lhs_hint = false} : vector<4096x32xf32>, vector<3x32xf32>, vector<4096x3xf32> -> vector<4096x3xf32>
    %get3A_104 = arith.constant 0 : index
    %get3A_105 = arith.constant 0 : index
    %get3A_106 = vector.load %arg6[%get3A_104, %get3A_105] : memref<1x3xf32, #tpu.memory_space<vmem>>, vector<1x3xf32>
    %mul3A_107 = arith.constant 1.638400e+04 : f32
    %mul3A_108 = vector.broadcast %mul3A_107 : f32 to vector<1x3xf32>
    %mul3A_109 = arith.mulf %get3A_106, %mul3A_108 : vector<1x3xf32>
    %round3A_110 = math.roundeven %mul3A_109 : vector<1x3xf32>
    %mul3A_111 = arith.constant 6.10351563E-5 : f32
    %mul3A_112 = vector.broadcast %mul3A_111 : f32 to vector<1x3xf32>
    %mul3A_113 = arith.mulf %round3A_110, %mul3A_112 : vector<1x3xf32>
    %add3A_114 = vector.broadcast %mul3A_113 : vector<1x3xf32> to vector<4096x3xf32>
    %add3A_115 = arith.addf %dot_general3A_103, %add3A_114 : vector<4096x3xf32>
    %swap3A = arith.constant 0 : index
    %swap3A_116 = arith.constant 0 : index
    %swap3A_117 = vector.load %arg7[%swap3A, %swap3A_116] : memref<4096x3xf32, #tpu.memory_space<vmem>>, vector<4096x3xf32>
    tpu.vector_store %arg7[%swap3A, %swap3A_116], %add3A_115 {strides = array<i32>} : memref<4096x3xf32, #tpu.memory_space<vmem>>, vector<4096x3xf32>,
    return
  }
}

</mosaic_0001>

<sc_bundles>
// kernel: kernel.6.cloned.1.call-start
scs
__scs_entry_jumppad:
0x0: {  	(pc) =	sbr.rel $0x88, $3  }
0x1: {  	(tag) =	ssettag $0x0;
	lr =	simm.s32 $0x1  }
0x2: {  	[smem:$0x3F99] =	sst lr;
	_ =	strace $0xD0000000  }
0x3: {  	_ = 	snop  }
0x4: {  	_ = 	snop  }
0x5: {  	_ = 	snop  }
0x6: {  	_ = 	snop  }
0x7: {  	_ = 	snop  }
__scs_overlays_trampoline_lowered:
0x8: {  	[smem:$0x3FA8] =	sst s0  }
0x9: {  	[smem:$0x3FA9] =	sst s1  }
0xa: {  	[smem:$0x3FAA] =	sst s2  }
0xb: {  	[smem:$0x3FAB] =	sst s3  }
0xc: {  	[smem:$0x3FAC] =	sst s4  }
0xd: {  	[smem:$0x3FAD] =	sst s5  }
0xe: {  	[smem:$0x3FAE] =	sst s6  }
0xf: {  	[smem:$0x3FAF] =	sst s7  }
0x10: {  	[smem:$0x3FB0] =	sst s8  }
0x11: {  	[smem:$0x3FB1] =	sst s9;
	s0 =	simm.s32 @!p0 $0x0  }
0x12: {  	s1 =	sld [smem:$0x3F97];
	s0 =	simm.s32 @p0 $0x1  }
0x13: {  	[smem:$0x3FB2] =	sst s0;
	s0 =	simm.s32 @!p1 $0x0  }
0x14: {  	s2 =	sld [smem:$0x3F96];
	s0 =	simm.s32 @p1 $0x1  }
0x15: {  	[smem:$0x3FB3] =	sst s0;
	s0 =	simm.s32 @!p2 $0x0  }
0x16: {  	s3 =	sld [smem:$0x3FDB];
	s0 =	simm.s32 @p2 $0x1  }
0x17: {  	s4 =	simm.s32 $0x1BF5;
	[smem:$0x3FB5] =	sst s0  }
0x18: {  	s0 =	sld [smem:$0x3F98];
	_ =	swait.ge [sflag:s4], $0x0  }
0x19: {  	s7 =	sld [smem:$0x3F99]  }
0x1a: {  	s8 =	sadd.s32 $0xFFFFE003, lr  }
0x1b: {  	s9 =	sadd.s32 $0xFFFFFEF7, lr;
	s5 =	simm.s32 $0xFFFFFFFF;
	p2 =	slt.u32 s8, $0xFFFFF086  }
0x1c: {  	p1 =	slt.u32 s9, $0xF7A;
	s5 =	simm.s32 @!p2 $0x0  }
0x1d: {  	s5 =	simm.s32 @p1 $0x1;
	p0 =	seq.s32 s7, s2  }
0x1e: {  	s7 =	smul.u32 @!p0 $0xF7A, s2;
	p2 =	seq.s32 @!p0 s5, $0x0  }
0x1f: {  	s9 =	smul.u32 $0xF7A, s1;
	s8 =	simm.s32 @!p0 $0x1BF5;
	p2 =	por !p2, p0  }
0x20: {  	[sflag:s8] =	ssyncset.s32 @!p0 $0xFFFFF086;
	s6 =	sadd.s32 @!p0 s3, s7;
	s7 =	simm.s32 @!p0 $0x108  }
0x21: {  	s3 =	sadd.s32 s3, s9;
	s6 =	sadd.s32 @!p0 $0x88, s6;
	s7 =	simm.s32 @p2 $0x1082  }
0x22: {  	[simem:s7], [sflag:s8] =	dma.local @!p0 [hbm:s6], $0xF7A  }
0x23: {  	s9 =	sor.u32 $0xD0000000, s2;
	s6 =	simm.s32 $0x108;
	_ =	swait.ge @!p0 [sflag:s8], $0x0  }
0x24: {  	s3 =	sadd.s32 $0x88, s3;
	s6 =	simm.s32 @!p1 $0x1082;
	[sflag:s4] =	ssyncset.s32 $0xFFFFF086  }
0x25: {  	[simem:s6], [sflag:s4] =	dma.local [hbm:s3], $0xF7A  }
0x26: {  	[smem:$0x3F99] =	sst s1;
	(tag) =	ssettag s2;
	_ =	strace s9  }
0x27: {  	s1 =	sld [smem:$0x3FA9]  }
0x28: {  	s2 =	sld [smem:$0x3FAA]  }
0x29: {  	s4 =	sld [smem:$0x3FAC]  }
0x2a: {  	p0 =	seq.s32 s5, $0x0;
	s5 =	sld [smem:$0x3FAD]  }
0x2b: {  	s6 =	sld [smem:$0x3FAE]  }
0x2c: {  	s7 =	sld [smem:$0x3FAF]  }
0x2d: {  	s3 =	simm.s32 $0x108;
	s8 =	sld [smem:$0x3FB0]  }
0x2e: {  	s3 =	simm.s32 @!p0 $0x1082;
	s9 =	sld [smem:$0x3FB1]  }
0x2f: {  	lr =	sadd.s32 s0, s3;
	s0 =	sld [smem:$0x3FA8]  }
0x30: {  	s3 =	sld [smem:$0x3FAB]  }
0x31: {  	[smem:$0x3FB4] =	sst s10  }
0x32: {  	s10 =	sld [smem:$0x3FB2];
	_ =	sdelay $0x3  }
0x33: {  	p0 =	seq.s32 s10, $0x1;
	s10 =	sld [smem:$0x3FB4];
	_ =	sdelay $0x3  }
0x34: {  	[smem:$0x3FB4] =	sst s10  }
0x35: {  	s10 =	sld [smem:$0x3FB3];
	_ =	sdelay $0x3  }
0x36: {  	p1 =	seq.s32 s10, $0x1;
	s10 =	sld [smem:$0x3FB4];
	_ =	sdelay $0x3  }
0x37: {  	[smem:$0x3FB4] =	sst s10  }
0x38: {  	s10 =	sld [smem:$0x3FB5]  }
0x39: {  	_ = 	snop;
	(pc) =	sbr.ind lr, $3  }
0x3a: {  	_ = 	snop  }
0x3b: {  	_ = 	snop  }
0x3c: {  	p2 =	seq.s32 s10, $0x1;
	s10 =	sld [smem:$0x3FB4]  }
0x3d: {  	_ =	shalt  }
0x3e: {  	_ =	shalt  }
0x3f: {  	_ =	shalt  }
0x40: {  	_ =	shalt  }
0x41: {  	_ =	shalt  }
0x42: {  	_ =	shalt  }
0x43: {  	_ =	shalt  }
0x44: {  	_ =	shalt  }
0x45: {  	_ =	shalt  }
0x46: {  	_ =	shalt  }
0x47: {  	_ =	shalt  }
0x48: {  	_ =	shalt  }
0x49: {  	_ =	shalt  }
0x4a: {  	_ =	shalt  }
0x4b: {  	_ =	shalt  }
0x4c: {  	_ =	shalt  }
0x4d: {  	_ =	shalt  }
0x4e: {  	_ =	shalt  }
0x4f: {  	_ =	shalt  }
0x50: {  	_ =	shalt  }
0x51: {  	_ =	shalt  }
0x52: {  	_ =	shalt  }
0x53: {  	_ =	shalt  }
0x54: {  	_ =	shalt  }
0x55: {  	_ =	shalt  }
0x56: {  	_ =	shalt  }
0x57: {  	_ =	shalt  }
0x58: {  	_ =	shalt  }
0x59: {  	_ =	shalt  }
0x5a: {  	_ =	shalt  }
0x5b: {  	_ =	shalt  }
0x5c: {  	_ =	shalt  }
0x5d: {  	_ =	shalt  }
0x5e: {  	_ =	shalt  }
0x5f: {  	_ =	shalt  }
0x60: {  	_ =	shalt  }
0x61: {  	_ =	shalt  }
0x62: {  	_ =	shalt  }
0x63: {  	_ =	shalt  }
0x64: {  	_ =	shalt  }
0x65: {  	_ =	shalt  }
0x66: {  	_ =	shalt  }
0x67: {  	_ =	shalt  }
0x68: {  	_ =	shalt  }
0x69: {  	_ =	shalt  }
0x6a: {  	_ =	shalt  }
0x6b: {  	_ =	shalt  }
0x6c: {  	_ =	shalt  }
0x6d: {  	_ =	shalt  }
0x6e: {  	_ =	shalt  }
0x6f: {  	_ =	shalt  }
0x70: {  	_ =	shalt  }
0x71: {  	_ =	shalt  }
0x72: {  	_ =	shalt  }
0x73: {  	_ =	shalt  }
0x74: {  	_ =	shalt  }
0x75: {  	_ =	shalt  }
0x76: {  	_ =	shalt  }
0x77: {  	_ =	shalt  }
0x78: {  	_ =	shalt  }
0x79: {  	_ =	shalt  }
0x7a: {  	_ =	shalt  }
0x7b: {  	_ =	shalt  }
0x7c: {  	_ =	shalt  }
0x7d: {  	_ =	shalt  }
0x7e: {  	_ =	shalt  }
0x7f: {  	_ =	shalt  }
0x80: {  	_ =	shalt  }
0x81: {  	_ =	shalt  }
0x82: {  	_ =	shalt  }
0x83: {  	_ =	shalt  }
0x84: {  	_ =	shalt  }
0x85: {  	_ =	shalt  }
0x86: {  	_ =	shalt  }
0x87: {  	_ =	shalt  }
.Lfunc_end0:
.L_simem_size_0:
called_computation_lowered:
.L_overlay_start_0:
0x88: {  	s2 =	sld [smem:$0x3FD9]  }
0x89: {  	s3 =	sld [smem:$0x3FFE];
	_ =	sdelay $0x1  }
0x8a: {  	s1 =	srdreg.scid  }
0x8b: {  	s0 =	sand.u32 $0x1, s1  }
0x8c: {  	s14 =	sshll.u32 s0, $0xA;
	s2 =	sadd.s32 s3, s2  }
0x8d: {  	s2 =	sadd.s32 s2, s14  }
0x8e: {  	[smem:$0x3FC0] =	sst s2  }
0x8f: {  	_ = 	snop  }
0x90: {  	s2 =	sld [smem:$0x3FD0];
	_ =	sdelay $0x2  }
0x91: {  	s15 =	simm.s32 $0xA;
	s4 =	simm.s32 $0x10  }
0x92: {  	[smem:s4], [sflag:s15] =	dma.local [hbm:s2], $0x1  }
0x93: {  	_ =	swait.eq [sflag:s15], $0x1  }
0x94: {  	[sflag:s15] =	ssyncset.done $0x0  }
0x95: {  	s16 =	sld [smem:$0x10];
	[sflag:s15] =	ssyncadd.s32 $0xFFFFFFFF  }
0x96: {  	s17 =	sld [smem:$0x11];
	(tm) =	ssettm $0x1  }
0x97: {  	s18 =	sld [smem:$0x3FFB];
	_ =	sdelay $0x3  }
0x98: {  	_ =	strace s18  }
0x99: {  	s4 =	sld [smem:$0x3FFC];
	_ =	sdelay $0x3  }
0x9a: {  	_ =	strace s4  }
0x9b: {  	s4 =	sld [smem:$0x3FFD];
	_ =	sdelay $0x3  }
0x9c: {  	_ =	strace s4  }
0x9d: {  	_ =	strace $0x8FFFFFFF  }
0x9e: {  	s19 =	sld [smem:$0x3FDB];
	_ =	sdelay $0x1  }
0x9f: {  	s5 =	simm.s32 $_scs_section_size  }
0xa0: {  	s6 =	simm.s32 $_size__tile_overlayer_lowered;
	s7 =	simm.s32 $_tile_overlayer_lowered  }
0xa1: {  	s22 =	simm.s32 $0x1BFF;
	s21 =	sshll.u32 s7, $0x1;
	s4 =	sadd.s32 s5, s19  }
0xa2: {  	s8 =	simm.s32 $0x0;
	s20 =	sshll.u32 s6, $0x1;
	s6 =	sadd.s32 s21, s4  }
0xa3: {  	[timem:s8], [sflag:s22] =	dma.local [hbm:s6], s20  }
0xa4: {  	_ =	swait.ge [sflag:s22], s20  }
0xa5: {  	s5 =	ssub.s32 $0x0, s20;
	[sflag:s22] =	ssyncset.done $0x0  }
0xa6: {  	[sflag:s22] =	ssyncadd.s32 s5;
	_ =	sdelay $0x1  }
0xa7: {  	s23 =	simm.s32 $0x1B8B  }
0xa8: {  	_ =	swait.ge [sflag:s23], $0x1  }
0xa9: {  	[sflag:s23] =	ssyncset.done $0x0  }
0xaa: {  	s25 =	simm.s32 $0x1B8E;
	s24 =	sld [smem:$0x3FFE];
	[sflag:s23] =	ssyncadd.s32 $0xFFFFFFFF  }
0xab: {  	s26 =	simm.s32 $execute0_lowered;
	[smem:$0x3FD2] =	sst s25  }
0xac: {  	s6 =	sshll.u32 s26, $0x1;
	_ =	strace $0x80000046;
	[dreg:$0x1] =	wrdreg $0xFFFFFFFF  }
0xad: {  	s28 =	simm.s32 $_size_execute0_lowered;
	s4 =	sadd.s32 s4, s6;
	[dreg:$0x0] =	wrdreg $0x0  }
0xae: {  	s6 =	sshll.u32 s28, $0x1;
	[dreg:$0x2] =	wrdreg s4  }
0xaf: {  	[dreg:$0x3] =	wrdreg s6  }
0xb0: {  	[dreg:$0x4] =	wrdreg $0xC0  }
0xb1: {  	_ =	task [dreg:s8], $0x5FFFF  }
0xb2: {  	[dreg:$0x1] =	wrdreg $0xFFFFFFFF  }
0xb3: {  	[dreg:$0x0] =	wrdreg $0x60  }
0xb4: {  	[dreg:$0x2] =	wrdreg s24  }
0xb5: {  	[dreg:$0x3] =	wrdreg s17  }
0xb6: {  	[dreg:$0x4] =	wrdreg s16  }
0xb7: {  	[dreg:$0x5] =	wrdreg $0xB5000  }
0xb8: {  	[dreg:$0x6] =	wrdreg $0x9  }
0xb9: {  	_ =	task.clear_ibuf [dreg:s8], $0x7FFFF;
	_ =	strace $0x90000046  }
0xba: {  	s29 =	simm.s32 $0x9;
	_ =	strace $0x80000048  }
0xbb: {  	_ =	swait.ge [sflag:s29], $0x1  }
0xbc: {  	[sflag:s29] =	ssyncadd.s32 $0xFFFFFFFF  }
0xbd: {  	_ =	strace $0x90000048  }
0xbe: {  	_ =	sfence  }
0xbf: {  	s30 =	sld [smem:$0x0];
	_ =	sdelay $0x2  }
0xc0: {  	s31 =	sshll.u32 s1, $0xD;
	s1 =	sshrl.u32 s1, $0x2  }
0xc1: {  	s3 =	sand.u32 $0x4000, s31;
	s1 =	sadd.s32 s1, s30  }
0xc2: {  	s0 =	sor.u32 s3, s0;
	s1 =	sshll.u32 s1, $0x11  }
0xc3: {  	s0 =	sor.u32 s1, s0  }
0xc4: {  	s0 =	sadd.s32 $0x8F2B, s0  }
0xc5: {  	[sflag:s0] =	ssyncadd.remote.s32 $0x1  }
0xc6: {  	_ =	sfence.sel $0xFFFF  }
0xc7: {  	[dreg:$0x0] =	wrdreg $0xFFFFFFFF;
	(pc) =	sbr.abs _section_cstart, $3  }
0xc8: {  	[dreg:$0x1] =	wrdreg $0xFFFFFFFF  }
0xc9: {  	_ =	task.clear_ibuf [dreg:s8], $0x2FFFF;
	_ =	strace $0x9FFFFFFF  }
0xca: {  	(tm) =	ssettm $0x7FFFFFFF  }
0xcb: {  	_ =	shalt  }
tec
execute0_lowered:
.L_overlay_start_1:
0x0: {  	(tag) =	ssettag $0x1  }
0x1: {  	s1 =	rddreg [dreg:$0x0]  }
0x2: {  	s3 =	rddreg [dreg:$0x1]  }
0x3: {  	s2 =	rddreg [dreg:$0x3];
	s4 =	simm.s32 $0x0  }
0x4: {  	s0 =	srdreg.scid;
	s10 =	stileid.u32;
	s9 =	simm.s32 $0x80  }
0x5: {  	s20 =	simm.s32 $0x5480;
	s12 =	simm.s32 $0xD;
	s13 =	simm.s32 $0xE  }
0x6: {  	s11 =	simm.s32 $0xF;
	s14 =	simm.s32 $0x10;
	s15 =	simm.s32 $0x11  }
0x7: {  	s19 =	simm.s32 $0x13;
	[smem:$0x7FF] =	sst s4;
	s21 =	sand.u32 $0x1, s0  }
0x8: {  	s22 =	sshll.u32 s10, $0x7;
	s5 =	sadd.s32 $0x1C00, s1;
	s24 =	sshll.u32 s10, $0xB  }
0x9: {  	s31 =	sshll.u32 s10, $0x6;
	_ =	strace $0x80000047;
	s6 =	sshll.u32 s21, $0xB  }
0xa: {  	s4 =	ssub.s32 $0x2, s21;
	s17 =	sor.u32 $0x10, s22;
	s25 =	sor.u32 $0x30, s22  }
0xb: {  	s28 =	sor.u32 $0x40, s22;
	s18 =	sor.u32 $0x50, s22;
	s30 =	sor.u32 $0x60, s22  }
0xc: {  	v7 =	vlaneseq.u32;
	s26 =	sor.u32 $0x70, s22;
	s16 =	sor.u32 $0x1C19, s31;
	s21 =	simm.s32 $0x14  }
0xd: {  	s6 =	sor.u32 s22, s6;
	s8 =	sshrl.u32 s4, $0x1;
	v1 =	vor.u32 s17, v7;
	s17 =	simm.s32 $0x12  }
0xe: {  	v3 =	vor.u32 s25, v7;
	v4 =	vor.u32 s28, v7;
	s25 =	simm.s32 $0x16;
	s28 =	simm.s32 $0x17;
	v6 =	vor.u32 s30, v7;
	s30 =	simm.s32 $0x18  }
0xf: {  	[dreg:$0x8] =	wrdreg s16;
	s7 =	sshll.u32 s6, $0x1;
	s6 =	sshrl.u32 s6, $0x3  }
0x10: {  	s4 =	ssub.s32 s4, s8;
	s8 =	simm.s32 $0xC;
	s23 =	sadd.s32 s3, s6  }
0x11: {  	s7 =	sadd.s32 s7, s1;
	s4 =	smax.u32 s4, $0x1;
	[dreg:$0x5] =	wrdreg s23  }
0x12: {  	s3 =	sadd.s32 s24, s2;
	s29 =	sadd.s32 $0x81C00, s7;
	[dreg:$0x7] =	wrdreg s4  }
0x13: {  	v0 =	vor.u32 s22, v7;
	s23 =	sor.u32 $0x20, s22;
	s4 =	sshrl.u32 s3, $0x3;
	[dreg:$0x6] =	wrdreg s29  }
0x14: {  	v5 =	vor.u32 s18, v7;
	s3 =	simm.s32 $0x0;
	v2 =	vor.u32 s23, v7;
	s23 =	simm.s32 $0x15;
	v7 =	vor.u32 s26, v7;
	[dreg:$0x9] =	wrdreg s4  }
.LBB2_1:
0x15: {  	[dreg:$0xa] =	wrdreg s3;
	s7 =	simm.s32 $0x0  }
0x16: {  	s0 =	rddreg [dreg:$0x5];
	s1 =	simm.s32 $0x19;
	s10 =	simm.s32 $0x1000  }
0x17: {  	[tilespmem:s7], [sflag:$0x19] =	stream.strided.gather [hbm4b:s0+s9], $0x5480, s10, s9, $0x38;
	[tilespmem:$0xBD00] =	vst v63  }
0x18: {  	_ =	swait.ge [sflag:s1], $0x5480  }
0x19: {  	[sflag:s1] =	ssyncset.done $0x0  }
0x1a: {  	[sflag:s1] =	ssyncadd.s32 $0xFFFFAB80  }
0x1b: {  	[tilespmem:$0x5480] =	vst v0  }
0x1c: {  	[tilespmem:$0x5490] =	vst v1  }
0x1d: {  	[tilespmem:$0x54A0] =	vst v2  }
0x1e: {  	[tilespmem:$0x54B0] =	vst v3  }
0x1f: {  	[tilespmem:$0x54C0] =	vst v4  }
0x20: {  	[tilespmem:$0x54D0] =	vst v5  }
0x21: {  	[tilespmem:$0x54E0] =	vst v6  }
0x22: {  	s6 =	smov.u32 s16;
	[tilespmem:$0x54F0] =	vst v7;
	s18 =	rddreg [dreg:$0x2]  }
0x23: {  	[spmem:s4], [sflag:s6] =	dma.local [hbm:s18], $0x100  }
0x24: {  	_ =	swait.ge [sflag:s1], $0x100  }
0x25: {  	[sflag:s1] =	ssyncset.done $0x0  }
0x26: {  	[sflag:s1] =	ssyncadd.s32 $0xFFFFFF00;
	s1 =	simm.s32 $0x5500  }
0x27: {  	[tilespmem:s1], [sflag:$0x1] =	stream.indirect.gather [hbm4b:s5+s9], $0x10, s7, s9, $0xb8;
	[tilespmem:$0xBD00] =	vst v63  }
0x28: {  	s16 =	simm.s32 $0x5D00  }
0x29: {  	[tilespmem:s16], [sflag:$0x2] =	stream.indirect.gather [hbm4b:s5+s9], $0x10, s9, s9, $0xb8;
	[tilespmem:$0xBD00] =	vst v63  }
0x2a: {  	s22 =	simm.s32 $0x100;
	s18 =	simm.s32 $0x6500  }
0x2b: {  	[tilespmem:s18], [sflag:$0x3] =	stream.indirect.gather [hbm4b:s5+s9], $0x10, s22, s9, $0xb8;
	[tilespmem:$0xBD00] =	vst v63  }
0x2c: {  	s24 =	simm.s32 $0x180;
	s22 =	simm.s32 $0x6D00  }
0x2d: {  	[tilespmem:s22], [sflag:$0x4] =	stream.indirect.gather [hbm4b:s5+s9], $0x10, s24, s9, $0xb8;
	[tilespmem:$0xBD00] =	vst v63  }
0x2e: {  	s26 =	simm.s32 $0x200;
	s24 =	simm.s32 $0x7500  }
0x2f: {  	[tilespmem:s24], [sflag:$0x5] =	stream.indirect.gather [hbm4b:s5+s9], $0x10, s26, s9, $0xb8;
	[tilespmem:$0xBD00] =	vst v63  }
0x30: {  	s29 =	simm.s32 $0x280;
	s26 =	simm.s32 $0x7D00  }
0x31: {  	[tilespmem:s26], [sflag:$0x6] =	stream.indirect.gather [hbm4b:s5+s9], $0x10, s29, s9, $0xb8;
	[tilespmem:$0xBD00] =	vst v63  }
0x32: {  	s31 =	simm.s32 $0x300;
	s3 =	simm.s32 $0x8500  }
0x33: {  	[tilespmem:s3], [sflag:$0x7] =	stream.indirect.gather [hbm4b:s5+s9], $0x10, s31, s9, $0xb8;
	[tilespmem:$0xBD00] =	vst v63  }
0x34: {  	s10 =	simm.s32 $0x8D00;
	s4 =	simm.s32 $0x380  }
0x35: {  	[tilespmem:s10], [sflag:$0x8] =	stream.indirect.gather [hbm4b:s5+s9], $0x10, s4, s9, $0xb8;
	[tilespmem:$0xBD00] =	vst v63  }
0x36: {  	s6 =	simm.s32 $0x400;
	s4 =	simm.s32 $0x9500  }
0x37: {  	[tilespmem:s4], [sflag:$0x9] =	stream.indirect.gather [hbm4b:s5+s9], $0x10, s6, s9, $0xb8;
	[tilespmem:$0xBD00] =	vst v63  }
0x38: {  	s7 =	simm.s32 $0x480;
	s6 =	simm.s32 $0x9D00  }
0x39: {  	[tilespmem:s6], [sflag:$0xA] =	stream.indirect.gather [hbm4b:s5+s9], $0x10, s7, s9, $0xb8;
	[tilespmem:$0xBD00] =	vst v63  }
0x3a: {  	s29 =	simm.s32 $0x500;
	s7 =	simm.s32 $0xA500  }
0x3b: {  	[tilespmem:s7], [sflag:$0xB] =	stream.indirect.gather [hbm4b:s5+s9], $0x10, s29, s9, $0xb8;
	[tilespmem:$0xBD00] =	vst v63  }
0x3c: {  	s31 =	simm.s32 $0x580;
	s29 =	simm.s32 $0xAD00  }
0x3d: {  	[tilespmem:s29], [sflag:$0xC] =	stream.indirect.gather [hbm4b:s5+s9], $0x10, s31, s9, $0xb8;
	[tilespmem:$0xBD00] =	vst v63  }
0x3e: {  	s31 =	simm.s32 $0x1  }
0x3f: {  	_ =	swait.ge [sflag:s31], $0x800  }
0x40: {  	[sflag:s31] =	ssyncset.done $0x0  }
0x41: {  	[sflag:s31] =	ssyncadd.s32 $0xFFFFF800;
	s31 =	simm.s32 $0x2  }
0x42: {  	[spmem:s2] =	stream.indirect.scatter.add.s32 [tilespmem:s1], [sflag:$0xD], $0x10, s20, s9, $0xb8;
	[tilespmem:$0xBD00] =	vst v63  }
0x43: {  	_ =	swait.ge [sflag:s31], $0x800  }
0x44: {  	[sflag:s31] =	ssyncset.done $0x0  }
0x45: {  	[sflag:s31] =	ssyncadd.s32 $0xFFFFF800;
	s31 =	simm.s32 $0x3  }
0x46: {  	[spmem:s2] =	stream.indirect.scatter.add.s32 [tilespmem:s16], [sflag:$0xE], $0x10, s20, s9, $0xb8;
	[tilespmem:$0xBD00] =	vst v63  }
0x47: {  	_ =	swait.ge [sflag:s31], $0x800  }
0x48: {  	[sflag:s31] =	ssyncset.done $0x0  }
0x49: {  	[sflag:s31] =	ssyncadd.s32 $0xFFFFF800;
	s31 =	simm.s32 $0x4  }
0x4a: {  	[spmem:s2] =	stream.indirect.scatter.add.s32 [tilespmem:s18], [sflag:$0xF], $0x10, s20, s9, $0xb8;
	[tilespmem:$0xBD00] =	vst v63  }
0x4b: {  	_ =	swait.ge [sflag:s31], $0x800  }
0x4c: {  	[sflag:s31] =	ssyncset.done $0x0  }
0x4d: {  	[sflag:s31] =	ssyncadd.s32 $0xFFFFF800;
	s31 =	simm.s32 $0x5  }
0x4e: {  	[spmem:s2] =	stream.indirect.scatter.add.s32 [tilespmem:s22], [sflag:$0x10], $0x10, s20, s9, $0xb8;
	[tilespmem:$0xBD00] =	vst v63  }
0x4f: {  	_ =	swait.ge [sflag:s31], $0x800  }
0x50: {  	[sflag:s31] =	ssyncset.done $0x0  }
0x51: {  	[sflag:s31] =	ssyncadd.s32 $0xFFFFF800;
	s31 =	simm.s32 $0x6  }
0x52: {  	[spmem:s2] =	stream.indirect.scatter.add.s32 [tilespmem:s24], [sflag:$0x11], $0x10, s20, s9, $0xb8;
	[tilespmem:$0xBD00] =	vst v63  }
0x53: {  	_ =	swait.ge [sflag:s31], $0x800  }
0x54: {  	[sflag:s31] =	ssyncset.done $0x0  }
0x55: {  	[sflag:s31] =	ssyncadd.s32 $0xFFFFF800;
	s31 =	simm.s32 $0x7  }
0x56: {  	[spmem:s2] =	stream.indirect.scatter.add.s32 [tilespmem:s26], [sflag:$0x12], $0x10, s20, s9, $0xb8;
	[tilespmem:$0xBD00] =	vst v63  }
0x57: {  	_ =	swait.ge [sflag:s31], $0x800  }
0x58: {  	[sflag:s31] =	ssyncset.done $0x0  }
0x59: {  	[sflag:s31] =	ssyncadd.s32 $0xFFFFF800;
	s31 =	simm.s32 $0x8  }
0x5a: {  	[spmem:s2] =	stream.indirect.scatter.add.s32 [tilespmem:s3], [sflag:$0x13], $0x10, s20, s9, $0xb8;
	[tilespmem:$0xBD00] =	vst v63  }
0x5b: {  	_ =	swait.ge [sflag:s31], $0x800  }
0x5c: {  	[sflag:s31] =	ssyncset.done $0x0  }
0x5d: {  	[sflag:s31] =	ssyncadd.s32 $0xFFFFF800;
	s31 =	simm.s32 $0x9  }
0x5e: {  	[spmem:s2] =	stream.indirect.scatter.add.s32 [tilespmem:s10], [sflag:$0x14], $0x10, s20, s9, $0xb8;
	[tilespmem:$0xBD00] =	vst v63  }
0x5f: {  	_ =	swait.ge [sflag:s31], $0x800  }
0x60: {  	[sflag:s31] =	ssyncset.done $0x0  }
0x61: {  	[sflag:s31] =	ssyncadd.s32 $0xFFFFF800;
	s31 =	simm.s32 $0xA  }
0x62: {  	[spmem:s2] =	stream.indirect.scatter.add.s32 [tilespmem:s4], [sflag:$0x15], $0x10, s20, s9, $0xb8;
	[tilespmem:$0xBD00] =	vst v63  }
0x63: {  	_ =	swait.ge [sflag:s31], $0x800  }
0x64: {  	[sflag:s31] =	ssyncset.done $0x0  }
0x65: {  	[sflag:s31] =	ssyncadd.s32 $0xFFFFF800;
	s31 =	simm.s32 $0xB  }
0x66: {  	[spmem:s2] =	stream.indirect.scatter.add.s32 [tilespmem:s6], [sflag:$0x16], $0x10, s20, s9, $0xb8;
	[tilespmem:$0xBD00] =	vst v63  }
0x67: {  	_ =	swait.ge [sflag:s31], $0x800  }
0x68: {  	[sflag:s31] =	ssyncset.done $0x0  }
0x69: {  	[sflag:s31] =	ssyncadd.s32 $0xFFFFF800  }
0x6a: {  	[spmem:s2] =	stream.indirect.scatter.add.s32 [tilespmem:s7], [sflag:$0x17], $0x10, s20, s9, $0xb8;
	[tilespmem:$0xBD00] =	vst v63  }
0x6b: {  	_ =	swait.ge [sflag:s8], $0x800  }
0x6c: {  	[sflag:s8] =	ssyncset.done $0x0  }
0x6d: {  	[sflag:s8] =	ssyncadd.s32 $0xFFFFF800  }
0x6e: {  	[spmem:s2] =	stream.indirect.scatter.add.s32 [tilespmem:s29], [sflag:$0x18], $0x10, s20, s9, $0xb8;
	[tilespmem:$0xBD00] =	vst v63  }
0x6f: {  	_ =	swait.ge [sflag:s12], $0x800  }
0x70: {  	[sflag:s12] =	ssyncset.done $0x0  }
0x71: {  	s31 =	simm.s32 $0x600;
	[sflag:s12] =	ssyncadd.s32 $0xFFFFF800  }
0x72: {  	[tilespmem:s1], [sflag:$0x1] =	stream.indirect.gather [hbm4b:s5+s9], $0x10, s31, s9, $0xb8;
	[tilespmem:$0xBD00] =	vst v63  }
0x73: {  	_ =	swait.ge [sflag:s13], $0x800  }
0x74: {  	[sflag:s13] =	ssyncset.done $0x0  }
0x75: {  	s29 =	simm.s32 $0x680;
	[sflag:s13] =	ssyncadd.s32 $0xFFFFF800  }
0x76: {  	[tilespmem:s16], [sflag:$0x2] =	stream.indirect.gather [hbm4b:s5+s9], $0x10, s29, s9, $0xb8;
	[tilespmem:$0xBD00] =	vst v63  }
0x77: {  	_ =	swait.ge [sflag:s11], $0x800  }
0x78: {  	[sflag:s11] =	ssyncset.done $0x0  }
0x79: {  	s31 =	simm.s32 $0x700;
	[sflag:s11] =	ssyncadd.s32 $0xFFFFF800  }
0x7a: {  	[tilespmem:s18], [sflag:$0x3] =	stream.indirect.gather [hbm4b:s5+s9], $0x10, s31, s9, $0xb8;
	[tilespmem:$0xBD00] =	vst v63  }
0x7b: {  	_ =	swait.ge [sflag:s14], $0x800  }
0x7c: {  	[sflag:s14] =	ssyncset.done $0x0  }
0x7d: {  	s1 =	simm.s32 $0x780;
	[sflag:s14] =	ssyncadd.s32 $0xFFFFF800  }
0x7e: {  	[tilespmem:s22], [sflag:$0x4] =	stream.indirect.gather [hbm4b:s5+s9], $0x10, s1, s9, $0xb8;
	[tilespmem:$0xBD00] =	vst v63  }
0x7f: {  	_ =	swait.ge [sflag:s15], $0x800  }
0x80: {  	[sflag:s15] =	ssyncset.done $0x0  }
0x81: {  	s16 =	simm.s32 $0x800;
	[sflag:s15] =	ssyncadd.s32 $0xFFFFF800  }
0x82: {  	[tilespmem:s24], [sflag:$0x5] =	stream.indirect.gather [hbm4b:s5+s9], $0x10, s16, s9, $0xb8;
	[tilespmem:$0xBD00] =	vst v63  }
0x83: {  	_ =	swait.ge [sflag:s17], $0x800  }
0x84: {  	[sflag:s17] =	ssyncset.done $0x0  }
0x85: {  	s18 =	simm.s32 $0x880;
	[sflag:s17] =	ssyncadd.s32 $0xFFFFF800  }
0x86: {  	[tilespmem:s26], [sflag:$0x6] =	stream.indirect.gather [hbm4b:s5+s9], $0x10, s18, s9, $0xb8;
	[tilespmem:$0xBD00] =	vst v63  }
0x87: {  	_ =	swait.ge [sflag:s19], $0x800  }
0x88: {  	[sflag:s19] =	ssyncset.done $0x0  }
0x89: {  	s22 =	simm.s32 $0x900;
	[sflag:s19] =	ssyncadd.s32 $0xFFFFF800  }
0x8a: {  	[tilespmem:s3], [sflag:$0x7] =	stream.indirect.gather [hbm4b:s5+s9], $0x10, s22, s9, $0xb8;
	[tilespmem:$0xBD00] =	vst v63  }
0x8b: {  	_ =	swait.ge [sflag:s21], $0x800  }
0x8c: {  	[sflag:s21] =	ssyncset.done $0x0  }
0x8d: {  	s24 =	simm.s32 $0x980;
	[sflag:s21] =	ssyncadd.s32 $0xFFFFF800  }
0x8e: {  	[tilespmem:s10], [sflag:$0x8] =	stream.indirect.gather [hbm4b:s5+s9], $0x10, s24, s9, $0xb8;
	[tilespmem:$0xBD00] =	vst v63  }
0x8f: {  	_ =	swait.ge [sflag:s23], $0x800  }
0x90: {  	[sflag:s23] =	ssyncset.done $0x0  }
0x91: {  	s26 =	simm.s32 $0xA00;
	[sflag:s23] =	ssyncadd.s32 $0xFFFFF800  }
0x92: {  	[tilespmem:s4], [sflag:$0x9] =	stream.indirect.gather [hbm4b:s5+s9], $0x10, s26, s9, $0xb8;
	[tilespmem:$0xBD00] =	vst v63  }
0x93: {  	_ =	swait.ge [sflag:s25], $0x800  }
0x94: {  	[sflag:s25] =	ssyncset.done $0x0  }
0x95: {  	s29 =	simm.s32 $0xA80;
	[sflag:s25] =	ssyncadd.s32 $0xFFFFF800  }
0x96: {  	[tilespmem:s6], [sflag:$0xA] =	stream.indirect.gather [hbm4b:s5+s9], $0x10, s29, s9, $0xb8;
	[tilespmem:$0xBD00] =	vst v63  }
0x97: {  	_ =	swait.ge [sflag:s28], $0x800  }
0x98: {  	[sflag:s28] =	ssyncset.done $0x0  }
0x99: {  	s31 =	simm.s32 $0xB00;
	[sflag:s28] =	ssyncadd.s32 $0xFFFFF800  }
0x9a: {  	[tilespmem:s7], [sflag:$0xB] =	stream.indirect.gather [hbm4b:s5+s9], $0x10, s31, s9, $0xb8;
	[tilespmem:$0xBD00] =	vst v63  }
0x9b: {  	_ =	swait.ge [sflag:s30], $0x800  }
0x9c: {  	[sflag:s30] =	ssyncset.done $0x0  }
0x9d: {  	s0 =	simm.s32 $0x1800;
	s1 =	simm.s32 $0xB80;
	[sflag:s30] =	ssyncadd.s32 $0xFFFFF800  }
.LBB2_2:
0x9e: {  	s16 =	simm.s32 $0xAD00  }
0x9f: {  	[tilespmem:s16], [sflag:$0xC] =	stream.indirect.gather [hbm4b:s5+s9], $0x10, s1, s9, $0xb8;
	[tilespmem:$0xBD00] =	vst v63  }
0xa0: {  	s3 =	simm.s32 $0x1;
	s1 =	smov.u32 s0  }
0xa1: {  	p0 =	sne.s32 s0, $0x12000;
	s0 =	sadd.s32 $0x1800, s0;
	_ =	swait.ge [sflag:s3], $0x800  }
0xa2: {  	[sflag:s3] =	ssyncset.done $0x0  }
0xa3: {  	s18 =	simm.s32 $0x5500;
	[sflag:s3] =	ssyncadd.s32 $0xFFFFF800;
	s3 =	simm.s32 $0x2  }
0xa4: {  	[spmem:s2] =	stream.indirect.scatter.add.s32 [tilespmem:s18], [sflag:$0xD], $0x10, s20, s9, $0xb8;
	[tilespmem:$0xBD00] =	vst v63  }
0xa5: {  	_ =	swait.ge [sflag:s3], $0x800  }
0xa6: {  	[sflag:s3] =	ssyncset.done $0x0  }
0xa7: {  	s22 =	simm.s32 $0x5D00;
	[sflag:s3] =	ssyncadd.s32 $0xFFFFF800;
	s3 =	simm.s32 $0x3  }
0xa8: {  	[spmem:s2] =	stream.indirect.scatter.add.s32 [tilespmem:s22], [sflag:$0xE], $0x10, s20, s9, $0xb8;
	[tilespmem:$0xBD00] =	vst v63  }
0xa9: {  	_ =	swait.ge [sflag:s3], $0x800  }
0xaa: {  	[sflag:s3] =	ssyncset.done $0x0  }
0xab: {  	s24 =	simm.s32 $0x6500;
	[sflag:s3] =	ssyncadd.s32 $0xFFFFF800;
	s3 =	simm.s32 $0x4  }
0xac: {  	[spmem:s2] =	stream.indirect.scatter.add.s32 [tilespmem:s24], [sflag:$0xF], $0x10, s20, s9, $0xb8;
	[tilespmem:$0xBD00] =	vst v63  }
0xad: {  	_ =	swait.ge [sflag:s3], $0x800  }
0xae: {  	[sflag:s3] =	ssyncset.done $0x0  }
0xaf: {  	s26 =	simm.s32 $0x6D00;
	[sflag:s3] =	ssyncadd.s32 $0xFFFFF800;
	s3 =	simm.s32 $0x5  }
0xb0: {  	[spmem:s2] =	stream.indirect.scatter.add.s32 [tilespmem:s26], [sflag:$0x10], $0x10, s20, s9, $0xb8;
	[tilespmem:$0xBD00] =	vst v63  }
0xb1: {  	_ =	swait.ge [sflag:s3], $0x800  }
0xb2: {  	[sflag:s3] =	ssyncset.done $0x0  }
0xb3: {  	s29 =	simm.s32 $0x7500;
	[sflag:s3] =	ssyncadd.s32 $0xFFFFF800;
	s3 =	simm.s32 $0x6  }
0xb4: {  	[spmem:s2] =	stream.indirect.scatter.add.s32 [tilespmem:s29], [sflag:$0x11], $0x10, s20, s9, $0xb8;
	[tilespmem:$0xBD00] =	vst v63  }
0xb5: {  	_ =	swait.ge [sflag:s3], $0x800  }
0xb6: {  	[sflag:s3] =	ssyncset.done $0x0  }
0xb7: {  	s31 =	simm.s32 $0x7D00;
	[sflag:s3] =	ssyncadd.s32 $0xFFFFF800;
	s3 =	simm.s32 $0x7  }
0xb8: {  	[spmem:s2] =	stream.indirect.scatter.add.s32 [tilespmem:s31], [sflag:$0x12], $0x10, s20, s9, $0xb8;
	[tilespmem:$0xBD00] =	vst v63  }
0xb9: {  	_ =	swait.ge [sflag:s3], $0x800  }
0xba: {  	[sflag:s3] =	ssyncset.done $0x0  }
0xbb: {  	s4 =	simm.s32 $0x8;
	[sflag:s3] =	ssyncadd.s32 $0xFFFFF800;
	s3 =	simm.s32 $0x8500  }
0xbc: {  	[spmem:s2] =	stream.indirect.scatter.add.s32 [tilespmem:s3], [sflag:$0x13], $0x10, s20, s9, $0xb8;
	[tilespmem:$0xBD00] =	vst v63  }
0xbd: {  	_ =	swait.ge [sflag:s4], $0x800  }
0xbe: {  	[sflag:s4] =	ssyncset.done $0x0  }
0xbf: {  	s10 =	simm.s32 $0x8D00;
	[sflag:s4] =	ssyncadd.s32 $0xFFFFF800;
	s4 =	simm.s32 $0x9  }
0xc0: {  	[spmem:s2] =	stream.indirect.scatter.add.s32 [tilespmem:s10], [sflag:$0x14], $0x10, s20, s9, $0xb8;
	[tilespmem:$0xBD00] =	vst v63  }
0xc1: {  	_ =	swait.ge [sflag:s4], $0x800  }
0xc2: {  	[sflag:s4] =	ssyncset.done $0x0  }
0xc3: {  	s6 =	simm.s32 $0xA;
	[sflag:s4] =	ssyncadd.s32 $0xFFFFF800;
	s4 =	simm.s32 $0x9500  }
0xc4: {  	[spmem:s2] =	stream.indirect.scatter.add.s32 [tilespmem:s4], [sflag:$0x15], $0x10, s20, s9, $0xb8;
	[tilespmem:$0xBD00] =	vst v63  }
0xc5: {  	_ =	swait.ge [sflag:s6], $0x800  }
0xc6: {  	[sflag:s6] =	ssyncset.done $0x0  }
0xc7: {  	s7 =	simm.s32 $0xB;
	[sflag:s6] =	ssyncadd.s32 $0xFFFFF800;
	s6 =	simm.s32 $0x9D00  }
0xc8: {  	[spmem:s2] =	stream.indirect.scatter.add.s32 [tilespmem:s6], [sflag:$0x16], $0x10, s20, s9, $0xb8;
	[tilespmem:$0xBD00] =	vst v63  }
0xc9: {  	_ =	swait.ge [sflag:s7], $0x800  }
0xca: {  	[sflag:s7] =	ssyncset.done $0x0  }
0xcb: {  	[sflag:s7] =	ssyncadd.s32 $0xFFFFF800;
	s7 =	simm.s32 $0xA500  }
0xcc: {  	[spmem:s2] =	stream.indirect.scatter.add.s32 [tilespmem:s7], [sflag:$0x17], $0x10, s20, s9, $0xb8;
	[tilespmem:$0xBD00] =	vst v63  }
0xcd: {  	_ =	swait.ge [sflag:s8], $0x800  }
0xce: {  	[sflag:s8] =	ssyncset.done $0x0  }
0xcf: {  	[sflag:s8] =	ssyncadd.s32 $0xFFFFF800  }
0xd0: {  	[spmem:s2] =	stream.indirect.scatter.add.s32 [tilespmem:s16], [sflag:$0x18], $0x10, s20, s9, $0xb8;
	[tilespmem:$0xBD00] =	vst v63  }
0xd1: {  	_ =	swait.ge [sflag:s12], $0x800  }
0xd2: {  	s1 =	sshra.s32 s1, $0x2;
	[sflag:s12] =	ssyncset.done $0x0  }
0xd3: {  	s16 =	sadd.s32 $0x600, s1;
	[sflag:s12] =	ssyncadd.s32 $0xFFFFF800  }
0xd4: {  	[tilespmem:s18], [sflag:$0x1] =	stream.indirect.gather [hbm4b:s5+s9], $0x10, s16, s9, $0xb8;
	[tilespmem:$0xBD00] =	vst v63  }
0xd5: {  	_ =	swait.ge [sflag:s13], $0x800  }
0xd6: {  	[sflag:s13] =	ssyncset.done $0x0  }
0xd7: {  	s16 =	sadd.s32 $0x680, s1;
	s18 =	simm.s32 $0x5D00;
	[sflag:s13] =	ssyncadd.s32 $0xFFFFF800  }
0xd8: {  	[tilespmem:s22], [sflag:$0x2] =	stream.indirect.gather [hbm4b:s5+s9], $0x10, s16, s9, $0xb8;
	[tilespmem:$0xBD00] =	vst v63  }
0xd9: {  	_ =	swait.ge [sflag:s11], $0x800  }
0xda: {  	[sflag:s11] =	ssyncset.done $0x0  }
0xdb: {  	s16 =	sadd.s32 $0x700, s1;
	s22 =	simm.s32 $0x6500;
	[sflag:s11] =	ssyncadd.s32 $0xFFFFF800  }
0xdc: {  	[tilespmem:s24], [sflag:$0x3] =	stream.indirect.gather [hbm4b:s5+s9], $0x10, s16, s9, $0xb8;
	[tilespmem:$0xBD00] =	vst v63  }
0xdd: {  	_ =	swait.ge [sflag:s14], $0x800  }
0xde: {  	[sflag:s14] =	ssyncset.done $0x0  }
0xdf: {  	s16 =	sadd.s32 $0x780, s1;
	s24 =	simm.s32 $0x6D00;
	[sflag:s14] =	ssyncadd.s32 $0xFFFFF800  }
0xe0: {  	[tilespmem:s26], [sflag:$0x4] =	stream.indirect.gather [hbm4b:s5+s9], $0x10, s16, s9, $0xb8;
	[tilespmem:$0xBD00] =	vst v63  }
0xe1: {  	_ =	swait.ge [sflag:s15], $0x800  }
0xe2: {  	[sflag:s15] =	ssyncset.done $0x0  }
0xe3: {  	s16 =	sadd.s32 $0x800, s1;
	s26 =	simm.s32 $0x7500;
	[sflag:s15] =	ssyncadd.s32 $0xFFFFF800  }
0xe4: {  	[tilespmem:s29], [sflag:$0x5] =	stream.indirect.gather [hbm4b:s5+s9], $0x10, s16, s9, $0xb8;
	[tilespmem:$0xBD00] =	vst v63  }
0xe5: {  	_ =	swait.ge [sflag:s17], $0x800  }
0xe6: {  	[sflag:s17] =	ssyncset.done $0x0  }
0xe7: {  	s16 =	sadd.s32 $0x880, s1;
	s29 =	simm.s32 $0x7D00;
	[sflag:s17] =	ssyncadd.s32 $0xFFFFF800  }
0xe8: {  	[tilespmem:s31], [sflag:$0x6] =	stream.indirect.gather [hbm4b:s5+s9], $0x10, s16, s9, $0xb8;
	[tilespmem:$0xBD00] =	vst v63  }
0xe9: {  	_ =	swait.ge [sflag:s19], $0x800  }
0xea: {  	[sflag:s19] =	ssyncset.done $0x0  }
0xeb: {  	s16 =	sadd.s32 $0x900, s1;
	s31 =	simm.s32 $0x8500;
	[sflag:s19] =	ssyncadd.s32 $0xFFFFF800  }
0xec: {  	[tilespmem:s3], [sflag:$0x7] =	stream.indirect.gather [hbm4b:s5+s9], $0x10, s16, s9, $0xb8;
	[tilespmem:$0xBD00] =	vst v63  }
0xed: {  	_ =	swait.ge [sflag:s21], $0x800  }
0xee: {  	[sflag:s21] =	ssyncset.done $0x0  }
0xef: {  	s16 =	sadd.s32 $0x980, s1;
	s3 =	simm.s32 $0x8D00;
	[sflag:s21] =	ssyncadd.s32 $0xFFFFF800  }
0xf0: {  	[tilespmem:s10], [sflag:$0x8] =	stream.indirect.gather [hbm4b:s5+s9], $0x10, s16, s9, $0xb8;
	[tilespmem:$0xBD00] =	vst v63  }
0xf1: {  	_ =	swait.ge [sflag:s23], $0x800  }
0xf2: {  	[sflag:s23] =	ssyncset.done $0x0  }
0xf3: {  	s16 =	sadd.s32 $0xA00, s1;
	s10 =	simm.s32 $0x9500;
	[sflag:s23] =	ssyncadd.s32 $0xFFFFF800  }
0xf4: {  	[tilespmem:s4], [sflag:$0x9] =	stream.indirect.gather [hbm4b:s5+s9], $0x10, s16, s9, $0xb8;
	[tilespmem:$0xBD00] =	vst v63  }
0xf5: {  	_ =	swait.ge [sflag:s25], $0x800  }
0xf6: {  	[sflag:s25] =	ssyncset.done $0x0  }
0xf7: {  	s16 =	sadd.s32 $0xA80, s1;
	s4 =	simm.s32 $0x9D00;
	[sflag:s25] =	ssyncadd.s32 $0xFFFFF800  }
0xf8: {  	[tilespmem:s6], [sflag:$0xA] =	stream.indirect.gather [hbm4b:s5+s9], $0x10, s16, s9, $0xb8;
	[tilespmem:$0xBD00] =	vst v63  }
0xf9: {  	_ =	swait.ge [sflag:s28], $0x800  }
0xfa: {  	s16 =	sadd.s32 $0xB00, s1;
	[sflag:s28] =	ssyncset.done $0x0  }
.Ltmp0:
0xfb: {  	s6 =	simm.s32 $0xA500;
	[sflag:s28] =	ssyncadd.s32 $0xFFFFF800;
	(pc) =	sbr.rel @p0 .LBB2_2-.Ltmp0, $4  }
0xfc: {  	[tilespmem:s7], [sflag:$0xB] =	stream.indirect.gather [hbm4b:s5+s9], $0x10, s16, s9, $0xb8;
	[tilespmem:$0xBD00] =	vst v63  }
0xfd: {  	_ =	swait.ge [sflag:s30], $0x800  }
0xfe: {  	[sflag:s30] =	ssyncset.done $0x0  }
0xff: {  	s1 =	sadd.s32 $0xB80, s1;
	[sflag:s30] =	ssyncadd.s32 $0xFFFFF800  }
0x100: {  	s7 =	simm.s32 $0xAD00  }
0x101: {  	[tilespmem:s7], [sflag:$0xC] =	stream.indirect.gather [hbm4b:s5+s9], $0x10, s1, s9, $0xb8;
	[tilespmem:$0xBD00] =	vst v63  }
0x102: {  	s1 =	simm.s32 $0x1  }
0x103: {  	_ =	swait.ge [sflag:s1], $0x800  }
0x104: {  	[sflag:s1] =	ssyncset.done $0x0  }
0x105: {  	s0 =	simm.s32 $0x5500;
	s16 =	simm.s32 $0x2;
	[sflag:s1] =	ssyncadd.s32 $0xFFFFF800  }
0x106: {  	[spmem:s2] =	stream.indirect.scatter.add.s32 [tilespmem:s0], [sflag:$0xD], $0x10, s20, s9, $0xb8;
	[tilespmem:$0xBD00] =	vst v63  }
0x107: {  	_ =	swait.ge [sflag:s16], $0x800  }
0x108: {  	[sflag:s16] =	ssyncset.done $0x0  }
0x109: {  	[sflag:s16] =	ssyncadd.s32 $0xFFFFF800  }
0x10a: {  	[spmem:s2] =	stream.indirect.scatter.add.s32 [tilespmem:s18], [sflag:$0xE], $0x10, s20, s9, $0xb8;
	[tilespmem:$0xBD00] =	vst v63  }
0x10b: {  	s18 =	simm.s32 $0x3  }
0x10c: {  	_ =	swait.ge [sflag:s18], $0x800  }
0x10d: {  	[sflag:s18] =	ssyncset.done $0x0  }
0x10e: {  	[sflag:s18] =	ssyncadd.s32 $0xFFFFF800;
	s18 =	simm.s32 $0x4  }
0x10f: {  	[spmem:s2] =	stream.indirect.scatter.add.s32 [tilespmem:s22], [sflag:$0xF], $0x10, s20, s9, $0xb8;
	[tilespmem:$0xBD00] =	vst v63  }
0x110: {  	_ =	swait.ge [sflag:s18], $0x800  }
0x111: {  	[sflag:s18] =	ssyncset.done $0x0  }
0x112: {  	s22 =	simm.s32 $0x5;
	[sflag:s18] =	ssyncadd.s32 $0xFFFFF800  }
0x113: {  	[spmem:s2] =	stream.indirect.scatter.add.s32 [tilespmem:s24], [sflag:$0x10], $0x10, s20, s9, $0xb8;
	[tilespmem:$0xBD00] =	vst v63  }
0x114: {  	_ =	swait.ge [sflag:s22], $0x800  }
0x115: {  	[sflag:s22] =	ssyncset.done $0x0  }
0x116: {  	s24 =	simm.s32 $0x6;
	[sflag:s22] =	ssyncadd.s32 $0xFFFFF800  }
0x117: {  	[spmem:s2] =	stream.indirect.scatter.add.s32 [tilespmem:s26], [sflag:$0x11], $0x10, s20, s9, $0xb8;
	[tilespmem:$0xBD00] =	vst v63  }
0x118: {  	_ =	swait.ge [sflag:s24], $0x800  }
0x119: {  	[sflag:s24] =	ssyncset.done $0x0  }
0x11a: {  	s26 =	simm.s32 $0x7;
	[sflag:s24] =	ssyncadd.s32 $0xFFFFF800  }
0x11b: {  	[spmem:s2] =	stream.indirect.scatter.add.s32 [tilespmem:s29], [sflag:$0x12], $0x10, s20, s9, $0xb8;
	[tilespmem:$0xBD00] =	vst v63  }
0x11c: {  	_ =	swait.ge [sflag:s26], $0x800  }
0x11d: {  	[sflag:s26] =	ssyncset.done $0x0  }
0x11e: {  	s29 =	simm.s32 $0x8;
	[sflag:s26] =	ssyncadd.s32 $0xFFFFF800  }
0x11f: {  	[spmem:s2] =	stream.indirect.scatter.add.s32 [tilespmem:s31], [sflag:$0x13], $0x10, s20, s9, $0xb8;
	[tilespmem:$0xBD00] =	vst v63  }
0x120: {  	_ =	swait.ge [sflag:s29], $0x800  }
0x121: {  	[sflag:s29] =	ssyncset.done $0x0  }
0x122: {  	s31 =	simm.s32 $0x9;
	[sflag:s29] =	ssyncadd.s32 $0xFFFFF800  }
0x123: {  	[spmem:s2] =	stream.indirect.scatter.add.s32 [tilespmem:s3], [sflag:$0x14], $0x10, s20, s9, $0xb8;
	[tilespmem:$0xBD00] =	vst v63  }
0x124: {  	_ =	swait.ge [sflag:s31], $0x800  }
0x125: {  	[sflag:s31] =	ssyncset.done $0x0  }
0x126: {  	s16 =	simm.s32 $0xA;
	[sflag:s31] =	ssyncadd.s32 $0xFFFFF800  }
0x127: {  	[spmem:s2] =	stream.indirect.scatter.add.s32 [tilespmem:s10], [sflag:$0x15], $0x10, s20, s9, $0xb8;
	[tilespmem:$0xBD00] =	vst v63  }
0x128: {  	_ =	swait.ge [sflag:s16], $0x800  }
0x129: {  	[sflag:s16] =	ssyncset.done $0x0  }
0x12a: {  	s18 =	simm.s32 $0xB;
	[sflag:s16] =	ssyncadd.s32 $0xFFFFF800  }
0x12b: {  	[spmem:s2] =	stream.indirect.scatter.add.s32 [tilespmem:s4], [sflag:$0x16], $0x10, s20, s9, $0xb8;
	[tilespmem:$0xBD00] =	vst v63  }
0x12c: {  	_ =	swait.ge [sflag:s18], $0x800  }
0x12d: {  	[sflag:s18] =	ssyncset.done $0x0  }
0x12e: {  	[sflag:s18] =	ssyncadd.s32 $0xFFFFF800  }
0x12f: {  	[spmem:s2] =	stream.indirect.scatter.add.s32 [tilespmem:s6], [sflag:$0x17], $0x10, s20, s9, $0xb8;
	[tilespmem:$0xBD00] =	vst v63  }
0x130: {  	_ =	swait.ge [sflag:s8], $0x800  }
0x131: {  	[sflag:s8] =	ssyncset.done $0x0  }
0x132: {  	[sflag:s8] =	ssyncadd.s32 $0xFFFFF800  }
0x133: {  	[spmem:s2] =	stream.indirect.scatter.add.s32 [tilespmem:s7], [sflag:$0x18], $0x10, s20, s9, $0xb8;
	[tilespmem:$0xBD00] =	vst v63  }
0x134: {  	_ =	swait.ge [sflag:s12], $0x800  }
0x135: {  	[sflag:s12] =	ssyncset.done $0x0  }
0x136: {  	s22 =	simm.s32 $0x5400;
	[sflag:s12] =	ssyncadd.s32 $0xFFFFF800  }
0x137: {  	[tilespmem:s0], [sflag:$0x1] =	stream.indirect.gather [hbm4b:s5+s9], $0x10, s22, s9, $0xb8;
	[tilespmem:$0xBD00] =	vst v63  }
0x138: {  	_ =	swait.ge [sflag:s13], $0x800  }
0x139: {  	[sflag:s13] =	ssyncset.done $0x0  }
0x13a: {  	[sflag:s13] =	ssyncadd.s32 $0xFFFFF800  }
0x13b: {  	_ =	swait.ge [sflag:s11], $0x800  }
0x13c: {  	[sflag:s11] =	ssyncset.done $0x0  }
0x13d: {  	[sflag:s11] =	ssyncadd.s32 $0xFFFFF800  }
0x13e: {  	_ =	swait.ge [sflag:s14], $0x800  }
0x13f: {  	[sflag:s14] =	ssyncset.done $0x0  }
0x140: {  	[sflag:s14] =	ssyncadd.s32 $0xFFFFF800  }
0x141: {  	_ =	swait.ge [sflag:s15], $0x800  }
0x142: {  	[sflag:s15] =	ssyncset.done $0x0  }
0x143: {  	[sflag:s15] =	ssyncadd.s32 $0xFFFFF800  }
0x144: {  	_ =	swait.ge [sflag:s17], $0x800  }
0x145: {  	[sflag:s17] =	ssyncset.done $0x0  }
0x146: {  	[sflag:s17] =	ssyncadd.s32 $0xFFFFF800  }
0x147: {  	_ =	swait.ge [sflag:s19], $0x800  }
0x148: {  	[sflag:s19] =	ssyncset.done $0x0  }
0x149: {  	[sflag:s19] =	ssyncadd.s32 $0xFFFFF800  }
0x14a: {  	_ =	swait.ge [sflag:s21], $0x800  }
0x14b: {  	[sflag:s21] =	ssyncset.done $0x0  }
0x14c: {  	[sflag:s21] =	ssyncadd.s32 $0xFFFFF800  }
0x14d: {  	_ =	swait.ge [sflag:s23], $0x800  }
0x14e: {  	[sflag:s23] =	ssyncset.done $0x0  }
0x14f: {  	[sflag:s23] =	ssyncadd.s32 $0xFFFFF800  }
0x150: {  	_ =	swait.ge [sflag:s25], $0x800  }
0x151: {  	[sflag:s25] =	ssyncset.done $0x0  }
0x152: {  	[sflag:s25] =	ssyncadd.s32 $0xFFFFF800  }
0x153: {  	_ =	swait.ge [sflag:s28], $0x800  }
0x154: {  	[sflag:s28] =	ssyncset.done $0x0  }
0x155: {  	[sflag:s28] =	ssyncadd.s32 $0xFFFFF800  }
0x156: {  	_ =	swait.ge [sflag:s30], $0x800  }
0x157: {  	[sflag:s30] =	ssyncset.done $0x0  }
0x158: {  	[sflag:s30] =	ssyncadd.s32 $0xFFFFF800  }
0x159: {  	_ =	swait.ge [sflag:s1], $0x800  }
0x15a: {  	[sflag:s1] =	ssyncset.done $0x0  }
0x15b: {  	[sflag:s1] =	ssyncadd.s32 $0xFFFFF800  }
0x15c: {  	[spmem:s2] =	stream.indirect.scatter.add.s32 [tilespmem:s0], [sflag:$0xD], $0x10, s20, s9, $0xb8;
	[tilespmem:$0xBD00] =	vst v63  }
0x15d: {  	_ =	swait.ge [sflag:s12], $0x800  }
0x15e: {  	s24 =	rddreg [dreg:$0x6]  }
0x15f: {  	[sflag:s12] =	ssyncset.done $0x0;
	s16 =	rddreg [dreg:$0x8]  }
0x160: {  	s26 =	simm.s32 $0x19;
	s4 =	rddreg [dreg:$0x9];
	[sflag:s12] =	ssyncadd.s32 $0xFFFFF800  }
0x161: {  	[hbm:s24], [sflag:s16] =	dma.local [spmem:s4], $0x100  }
0x162: {  	_ =	swait.ge [sflag:s26], $0x100  }
0x163: {  	s29 =	rddreg [dreg:$0xa]  }
0x164: {  	s31 =	rddreg [dreg:$0x7];
	s3 =	sadd.s32 $0x1, s29  }
0x165: {  	p0 =	sne.s32 s3, s31  }
.Ltmp1:
0x166: {  	_ = 	snop;
	(pc) =	sbr.rel @p0 .LBB2_1-.Ltmp1, $3  }
0x167: {  	_ =	sdelay $0x1  }
0x168: {  	[sflag:s26] =	ssyncset.done $0x0  }
0x169: {  	[sflag:s26] =	ssyncadd.s32 $0xFFFFFF00  }
0x16a: {  	_ =	sfence.sel $0x180000  }
0x16b: {  	[bflag:$0x0] =	sbarrier.arrive $0xFFFF  }
0x16c: {  	_ =	strace $0x90000047  }
0x16d: {  	s0 =	stileid.u32;
	[bflag:$0x2] =	sbarrier.arrive $0xFFFF  }
0x16e: {  	p0 =	sne.s32 s0, $0x0;
	s0 =	rddreg [dreg:$0x4]  }
0x16f: {  	s0 =	sadd.s32 @!p0 $0x100000, s0  }
0x170: {  	[sflag:s0] =	ssyncadd.tile.s32 @!p0 $0x1;
	_ =	shalt  }
.Lfunc_end2:
_tile_overlayer_lowered:
.L_overlay_start_2:
0x171: {  	(tag) =	ssettag $0x2  }
0x172: {  	s0 =	rddreg [dreg:$0x0];
	s2 =	stileid.u32  }
0x173: {  	s1 =	rddreg [dreg:$0x1];
	p0 =	sne.s32 s2, $0x0  }
0x174: {  	s3 =	rddreg [dreg:$0x2];
	[bflag:$0x3] =	sbarrier.arrive $0xFFFF;
	s2 =	simm.s32 @!p0 $0x1C19  }
0x175: {  	[timem:s3], [sflag:s2] =	dma.local @!p0 [hbm:s0], s1  }
0x176: {  	s0 =	simm.s32 @!p0 $0x19  }
0x177: {  	_ =	swait.ge @!p0 [sflag:s0], s1  }
0x178: {  	s1 =	ssub.s32 @!p0 $0x0, s1;
	[sflag:s0] =	ssyncset.done @!p0 $0x0  }
0x179: {  	[sflag:s0] =	ssyncadd.s32 @!p0 s1  }
0x17a: {  	[bflag:$0x3] =	sbarrier.arrive $0xFFFF  }
0x17b: {  	_ =	shalt  }

</sc_bundles>
